<compile_context>
chip_gen: v7x
topology: tpu7x:2x2x1
jax: 0.10.2.dev20260603
libtpu: 0.0.44.dev20260713+nightly
codegen_flags: <defaults>
</compile_context>

<pallas_src>
import functools

import jax
import jax.numpy as jnp
from jax.experimental import pallas as pl
from jax.experimental.pallas import tpu as pltpu
from jax.experimental.pallas import tpu_sc as plsc

N = 4096
C = 768
K_TOPK = 32
NUM_SEL = 1229
BLK = 256

NW = 32
ROWS_PER_W = N // NW
NVREG = N // 16
HB = 256
NSUB = 8
RANGE = 3.02
W1 = RANGE / HB
S1 = HB / RANGE

_CONST_CACHE = {}


def _noise():
    if "noise" not in _CONST_CACHE:
        _CONST_CACHE["noise"] = (
            jax.random.uniform(jax.random.key(42), (N, N), dtype=jnp.float32) * 0.01
        )
    return _CONST_CACHE["noise"]


def _anomaly_vec(inputs_init, outputs_init):
    gap_list = jnp.mean(jnp.mean(jnp.abs(inputs_init - outputs_init), axis=1), axis=0)
    gap_list_ = jax.nn.sigmoid(jax.lax.stop_gradient(gap_list))
    neg_vals, small_idx = jax.lax.top_k(-gap_list_, NUM_SEL)
    topk_asc = -neg_vals
    topk_ = topk_asc[::-1]
    topk_idx = small_idx[::-1]
    threshold = jnp.mean(topk_)
    valid = topk_ > threshold
    anomaly_vals = jnp.where(valid, topk_, jnp.zeros_like(topk_))
    return jnp.zeros((N,), jnp.float32).at[topk_idx].set(anomaly_vals)


def _stats_body(z_ref, ms_ref):
    z = z_ref[...]
    g = jax.lax.dot_general(
        z, z, (((0,), (0,)), ((), ())), preferred_element_type=jnp.float32
    )
    sumsq = jnp.sum(g * g)
    s = jnp.sum(z, axis=0, keepdims=True)
    total = jnp.sum(s * s)
    n2 = float(N) * float(N)
    mean = total / n2
    var = (sumsq - total * (total / n2)) / (n2 - 1.0)
    ms_ref[0] = mean
    ms_ref[1] = jnp.sqrt(var)


def _tc_body(z_ref, zt_ref, arow_ref, acol_ref, ms_ref, out_ref):
    i = pl.program_id(0)
    base = i * BLK
    x = jax.lax.dot_general(
        z_ref[...], zt_ref[...], (((1,), (0,)), ((), ())),
        preferred_element_type=jnp.float32,
    )
    mean = ms_ref[0]
    std = ms_ref[1]
    adjb = jax.nn.sigmoid((x - mean) / (std + 1e-8))
    arow = arow_ref[...]
    acol = acol_ref[...]
    adjb = adjb + arow + acol
    col_ids = jax.lax.broadcasted_iota(jnp.int32, (BLK, N), 1)
    row_ids = jax.lax.broadcasted_iota(jnp.int32, (BLK, N), 0) + base
    out_ref[...] = adjb - jnp.where(col_ids == row_ids, arow, 0.0)


def _sc_scan_hist(hist, above):
    gs = []
    for g in range(16):
        acc = hist[pl.ds(g * 16, 16)]
        for h in range(1, NSUB):
            acc = acc + hist[pl.ds(h * HB + g * 16, 16)]
        gs.append(acc)
    sums = [jnp.sum(g) for g in gs]
    suf = [None] * 17
    acc = above
    suf[16] = above
    for g in range(15, -1, -1):
        acc = acc + sums[g]
        suf[g] = acc
    k = jnp.int32(K_TOPK)
    zero16 = jnp.zeros((16,), jnp.int32)
    gsel = jnp.int32(0)
    hv = zero16
    above_g = jnp.int32(0)
    for g in range(16):
        cond = (suf[g] >= k) & (suf[g + 1] < k)
        gsel = gsel + jnp.where(cond, jnp.int32(g), jnp.int32(0))
        hv = hv + jnp.where(cond, gs[g], zero16)
        above_g = above_g + jnp.where(cond, suf[g + 1], jnp.int32(0))
    srev = jax.lax.rev(hv, dimensions=(0,))
    tot = plsc.cumsum(srev) + above_g
    kv = jnp.max(plsc.all_reduce_ffs(tot >= k))
    sel = jax.lax.iota(jnp.int32, 16) == kv
    hcnt = jnp.sum(jnp.where(sel, srev, zero16))
    tot_at = jnp.sum(jnp.where(sel, tot, zero16))
    return gsel * 16 + (15 - kv), tot_at - hcnt


def _sc_body(adj_hbm, noise_hbm, out_hbm, arow, nrow, vrow, obuf, cand, hist,
             sem_out):
    cid = jax.lax.axis_index("c")
    sid = jax.lax.axis_index("s")
    base = (sid * 2 + cid) * ROWS_PER_W
    zero16 = jnp.zeros((16,), jnp.int32)
    lane = jax.lax.iota(jnp.int32, 16)

    def row_body(r, _):
        row = base + r
        pltpu.sync_copy(adj_hbm.at[row], arow)
        pltpu.sync_copy(noise_hbm.at[row], nrow)

        for h in range(NSUB):
            for g in range(16):
                hist[pl.ds(h * HB + g * 16, 16)] = zero16

        def p1(jj, _):
            for u in range(NSUB):
                sl = pl.ds((jj * NSUB + u) * 16, 16)
                v = arow[sl] + nrow[sl]
                vrow[sl] = v
                b = jnp.minimum((v * S1).astype(jnp.int32), HB - 1)
                cnt, last = plsc.scan_count(b)
                plsc.addupdate_scatter(hist, [b + u * HB], cnt, mask=last)
            return 0

        jax.lax.fori_loop(0, NVREG // NSUB, p1, 0)
        c1, ab1 = _sc_scan_hist(hist, jnp.int32(0))
        rneed = jnp.int32(K_TOPK) - ab1
        c1f = c1.astype(jnp.float32)

        def p2(jj, off):
            for u in range(4):
                sl = pl.ds((jj * 4 + u) * 16, 16)
                v = vrow[sl]
                b1 = jnp.minimum((v * S1).astype(jnp.int32), HB - 1)
                m = b1 == c1
                plsc.store_compressed(cand.at[pl.ds(off, 16)], v, mask=m)
                pc = plsc.all_reduce_population_count(m)
                off = off + jnp.squeeze(jax.lax.slice(pc, (0,), (1,)))
            return off

        mcnt = jax.lax.fori_loop(0, NVREG // 4, p2, jnp.int32(0))
        nv = jax.lax.shift_right_logical(mcnt + 15, 4)

        lo0 = c1f * W1 * (1.0 - 1e-6) - 1e-9
        hi0 = (c1f + 1.0) * W1 * (1.0 + 1e-6) + 1e-9

        def bis(_, carry):
            lo, hi = carry
            mid = (lo + hi) * 0.5

            def cb(j, acc):
                c = cand[pl.ds(j * 16, 16)]
                valid = (lane + j * 16) < mcnt
                return acc + jnp.where(valid & (c >= mid), 1, 0)

            accv = jax.lax.fori_loop(0, nv, cb, zero16)
            pred = jnp.sum(accv) >= rneed
            return (jnp.where(pred, mid, lo), jnp.where(pred, hi, mid))

        t, _hi = jax.lax.fori_loop(0, 28, bis, (lo0, hi0))

        @pl.when(r > 0)
        def _():
            pltpu.make_async_copy(obuf, out_hbm.at[row - 1], sem_out).wait()

        def p4(jj, _):
            for u in range(8):
                sl = pl.ds((jj * 8 + u) * 16, 16)
                obuf[sl] = jnp.where(vrow[sl] >= t, arow[sl], 0.0)
            return 0

        jax.lax.fori_loop(0, NVREG // 8, p4, 0)
        pltpu.async_copy(obuf, out_hbm.at[row], sem_out)
        return 0

    jax.lax.fori_loop(0, ROWS_PER_W, row_body, 0)
    pltpu.make_async_copy(obuf, out_hbm.at[base + ROWS_PER_W - 1], sem_out).wait()


_sc_select = functools.partial(
    pl.kernel,
    out_type=jax.ShapeDtypeStruct((N, N), jnp.float32),
    mesh=plsc.VectorSubcoreMesh(core_axis_name="c", subcore_axis_name="s"),
    scratch_types=[
        pltpu.VMEM((N,), jnp.float32),
        pltpu.VMEM((N,), jnp.float32),
        pltpu.VMEM((N,), jnp.float32),
        pltpu.VMEM((N,), jnp.float32),
        pltpu.VMEM((N + 16,), jnp.float32),
        pltpu.VMEM((NSUB * HB,), jnp.int32),
        pltpu.SemaphoreType.DMA,
    ],
    compiler_params=pltpu.CompilerParams(needs_layout_passes=False),
)(_sc_body)


def kernel(inputs, inputs_init, outputs_init, idx, emb1_w, emb2_w):
    del idx, emb1_w, emb2_w
    z = jnp.squeeze(inputs, axis=1)
    z = jnp.transpose(z, (1, 0, 2)).reshape(N, C)
    zt = z.T
    a = _anomaly_vec(inputs_init, outputs_init)
    noise = _noise()

    ms = pl.pallas_call(
        _stats_body,
        out_shape=jax.ShapeDtypeStruct((2,), jnp.float32),
        out_specs=pl.BlockSpec(memory_space=pltpu.SMEM),
    )(z)

    adj = pl.pallas_call(
        _tc_body,
        grid=(N // BLK,),
        in_specs=[
            pl.BlockSpec((BLK, C), lambda i: (i, 0)),
            pl.BlockSpec((C, N), lambda i: (0, 0)),
            pl.BlockSpec((BLK, 1), lambda i: (i, 0)),
            pl.BlockSpec((1, N), lambda i: (0, 0)),
            pl.BlockSpec(memory_space=pltpu.SMEM),
        ],
        out_specs=pl.BlockSpec((BLK, N), lambda i: (i, 0)),
        out_shape=jax.ShapeDtypeStruct((N, N), jnp.float32),
    )(z, zt, a[:, None], a[None, :], ms)

    return _sc_select(adj, noise)

# --- scband reference (transcript-rebuilt; emitter-appended) ---
"""Pipeline reference for scband-graph-constructor-21199958573702 (READ-ONLY COPY).

The authoritative reference and input builder live on the scoring server;
editing this copy changes nothing except your own understanding.
"""

import jax, jax.numpy as jnp
import numpy as np
import math

N = 4096
B = 8
T = 96
DIM = 64
K_TOPK = 32


def setup_inputs(seed: int = 0) -> dict:
    key = jax.random.key(seed)
    k1, k2, k3, k4, k5 = jax.random.split(key, 5)
    inputs = jax.random.normal(k1, (B, 1, N, T), dtype=jnp.float32)
    inputs_init = jax.random.normal(k2, (B, T, N), dtype=jnp.float32)
    outputs_init = jax.random.normal(k3, (B, T, N), dtype=jnp.float32)
    idx = jnp.arange(N, dtype=jnp.int32)
    emb1_w = jax.random.normal(k4, (N, DIM), dtype=jnp.float32)
    emb2_w = jax.random.normal(k5, (N, DIM), dtype=jnp.float32)
    return {"inputs": inputs, "inputs_init": inputs_init, "outputs_init": outputs_init,
            "idx": idx, "emb1_w": emb1_w, "emb2_w": emb2_w}


def dot_product_decode(Z):
    Z_ = jnp.matmul(Z, Z.T)
    mean = Z_.mean()
    std = jnp.std(Z_, ddof=1)  # torch .std() is unbiased
    Z_ = (Z_ - mean) / (std + 1e-08)
    Z_1 = jax.lax.stop_gradient(Z_)
    return jax.nn.sigmoid(Z_1)


def reference(inputs, inputs_init, outputs_init, idx, emb1_w, emb2_w):
    # embedding lookups (computed but unused downstream, kept for faithfulness)
    nodevec1 = jnp.take(emb1_w, idx, axis=0)
    nodevec2 = jnp.take(emb2_w, idx, axis=0)
    _ = (nodevec1, nodevec2)

    nodevec = jnp.squeeze(inputs, axis=1)            # [B, N, T]
    nodevec = jnp.transpose(nodevec, (1, 0, 2))      # [N, B, T]
    nodevec = nodevec.reshape(inputs.shape[-2], nodevec.shape[1] * nodevec.shape[2])  # [N, B*T]
    kkk = dot_product_decode(nodevec)                # [N, N]

    gap_list = jnp.mean(jnp.mean(jnp.abs(inputs_init - outputs_init), axis=1), axis=0)  # [N]
    gap_list_detach = jax.lax.stop_gradient(gap_list)
    gap_list_ = jax.nn.sigmoid(gap_list_detach)

    k_pct = 30
    num = math.ceil(gap_list_.shape[0] * (k_pct / 100))
    # torch.topk(largest=False): k smallest, ascending
    neg_vals, small_idx = jax.lax.top_k(-gap_list_, num)
    topk_asc = -neg_vals          # ascending
    idx_asc = small_idx
    topk_ = topk_asc[::-1]        # flip -> descending
    topk_idx = idx_asc[::-1]
    threshold = jnp.mean(topk_)
    # descending sorted, so entries > threshold form a prefix; use a fixed-size
    # mask over all num entries instead of a dynamic-length prefix slice
    valid = topk_ > threshold
    anomaly_vals = jnp.where(valid, topk_, jnp.zeros_like(topk_))  # [num]

    kkk = kkk.at[topk_idx, :].add(anomaly_vals[:, None])               # row add
    kkk = kkk.at[:, topk_idx].add(anomaly_vals[None, :])               # column add
    kkk = kkk.at[topk_idx, topk_idx].add(-anomaly_vals)                # fix diagonal
    adj = kkk

    Nn = idx.shape[0]
    noise = jax.random.uniform(jax.random.key(42), adj.shape, dtype=adj.dtype) * 0.01
    s1, t1 = jax.lax.top_k(adj + noise, K_TOPK)      # per-row topk
    rows = jnp.arange(Nn)[:, None]
    mask = jnp.zeros((Nn, Nn), dtype=adj.dtype).at[rows, t1].set(1.0)
    adj = adj * mask
    return adj

if __name__ == "__main__":
    import jax
    _d = setup_inputs()
    print(jax.jit(kernel)(*tuple(_d.values())))

</pallas_src>

<mosaic_0001>
#map = affine_map<(d0, d1) -> (0, 0)>
module attributes {stable_mosaic.version = 14 : i64} {
  func.func @_sc_body(%arg0: i32, %arg1: i32, %arg2: memref<4096x4096xf32, #tpu.memory_space<hbm>>, %arg3: memref<4096x4096xf32, #tpu.memory_space<hbm>>, %arg4: memref<4096x4096xf32, #tpu.memory_space<hbm>>, %arg5: memref<4096xf32, #tpu.memory_space<vmem>>, %arg6: memref<4096xf32, #tpu.memory_space<vmem>>, %arg7: memref<4096xf32, #tpu.memory_space<vmem>>, %arg8: memref<4096xf32, #tpu.memory_space<vmem>>, %arg9: memref<4112xf32, #tpu.memory_space<vmem>>, %arg10: memref<2048xi32, #tpu.memory_space<vmem>>, %arg11: memref<!tpu.dma_semaphore, #tpu.memory_space<semaphore_mem>>) attributes {dimension_semantics = [#tpu.dimension_semantics<core_parallel>, #tpu.dimension_semantics<subcore_parallel>], iteration_bounds = array<i64: 2, 16>, scalar_prefetch = 0 : i64, scratch_operands = 7 : i64, tpu.core_type = #tpu.core_type<sc_vector_subcore>, window_params = [{transform_indices = #map}, {transform_indices = #map}, {transform_indices = #map}]} {
    %mul3A = arith.constant 2 : i32
    %mul3A_0 = arith.muli %arg1, %mul3A : i32
    %add3A = arith.addi %mul3A_0, %arg0 : i32
    %mul3A_1 = arith.constant 128 : i32
    %mul3A_2 = arith.muli %add3A, %mul3A_1 : i32
    %broadcast_in_dim3A = arith.constant 0 : i32
    %broadcast_in_dim3A_3 = vector.broadcast %broadcast_in_dim3A : i32 to vector<16xi32>
    %iota3A = tpu.iota {dimensions = array<i32: 0>} : vector<16xi32>
    %scan3A = arith.constant 0 : i32
    %scan3A_4 = arith.constant 0 : i32
    %scan3A_5 = arith.constant 128 : i32
    %scan3A_6 = arith.addi %scan3A_4, %scan3A_5 : i32
    %scan3A_7 = arith.constant 1 : i32
    %scan3A_8 = scf.for %scan3A_18 = %scan3A_4 to %scan3A_6 step %scan3A_7 iter_args(%scan3A_19 = %scan3A) -> (i32)  : i32 {
      %add3A_20 = arith.addi %mul3A_2, %scan3A_18 : i32
      "tpu.region"() ({
        %run_scoped3A = tpu.sem_alloc : memref<!tpu.dma_semaphore, #tpu.memory_space<semaphore_mem>>
        %dma_start3A_1039 = arith.constant 0 : i32
        %dma_start3A_1040 = tpu.memref_slice %arg2[%add3A_20, %dma_start3A_1039] : memref<4096x4096xf32, #tpu.memory_space<hbm>> -> memref<1x4096xf32, #tpu.memory_space<hbm>>
        %dma_start3A_1041 = tpu.memref_squeeze %dma_start3A_1040 : memref<1x4096xf32, #tpu.memory_space<hbm>> -> memref<4096xf32, #tpu.memory_space<hbm>>
        %dma_start3A_1042 = arith.constant 0 : i32
        %dma_start3A_1043 = tpu.memref_slice %arg2[%add3A_20, %dma_start3A_1042] : memref<4096x4096xf32, #tpu.memory_space<hbm>> -> memref<1x4096xf32, #tpu.memory_space<hbm>>
        %dma_start3A_1044 = tpu.memref_squeeze %dma_start3A_1043 : memref<1x4096xf32, #tpu.memory_space<hbm>> -> memref<4096xf32, #tpu.memory_space<hbm>>
        tpu.enqueue_dma source(%dma_start3A_1044 : memref<4096xf32, #tpu.memory_space<hbm>>) target(%arg5 : memref<4096xf32, #tpu.memory_space<vmem>>) target_semaphore(%run_scoped3A : memref<!tpu.dma_semaphore, #tpu.memory_space<semaphore_mem>>)
        %dma_wait3A_1045 = arith.constant 0 : i32
        %dma_wait3A_1046 = tpu.memref_slice %arg2[%add3A_20, %dma_wait3A_1045] : memref<4096x4096xf32, #tpu.memory_space<hbm>> -> memref<1x4096xf32, #tpu.memory_space<hbm>>
        %dma_wait3A_1047 = tpu.memref_squeeze %dma_wait3A_1046 : memref<1x4096xf32, #tpu.memory_space<hbm>> -> memref<4096xf32, #tpu.memory_space<hbm>>
        %dma_wait3A_1048 = arith.constant 0 : i32
        %dma_wait3A_1049 = tpu.memref_slice %arg2[%add3A_20, %dma_wait3A_1048] : memref<4096x4096xf32, #tpu.memory_space<hbm>> -> memref<1x4096xf32, #tpu.memory_space<hbm>>
        %dma_wait3A_1050 = tpu.memref_squeeze %dma_wait3A_1049 : memref<1x4096xf32, #tpu.memory_space<hbm>> -> memref<4096xf32, #tpu.memory_space<hbm>>
        tpu.wait_dma2 semaphore(%run_scoped3A : memref<!tpu.dma_semaphore, #tpu.memory_space<semaphore_mem>>) src(%dma_wait3A_1050 : memref<4096xf32, #tpu.memory_space<hbm>>) dst(%arg5 : memref<4096xf32, #tpu.memory_space<vmem>>)
        tpu.yield
      }) : () -> ()
      "tpu.region"() ({
        %run_scoped3A = tpu.sem_alloc : memref<!tpu.dma_semaphore, #tpu.memory_space<semaphore_mem>>
        %dma_start3A_1039 = arith.constant 0 : i32
        %dma_start3A_1040 = tpu.memref_slice %arg3[%add3A_20, %dma_start3A_1039] : memref<4096x4096xf32, #tpu.memory_space<hbm>> -> memref<1x4096xf32, #tpu.memory_space<hbm>>
        %dma_start3A_1041 = tpu.memref_squeeze %dma_start3A_1040 : memref<1x4096xf32, #tpu.memory_space<hbm>> -> memref<4096xf32, #tpu.memory_space<hbm>>
        %dma_start3A_1042 = arith.constant 0 : i32
        %dma_start3A_1043 = tpu.memref_slice %arg3[%add3A_20, %dma_start3A_1042] : memref<4096x4096xf32, #tpu.memory_space<hbm>> -> memref<1x4096xf32, #tpu.memory_space<hbm>>
        %dma_start3A_1044 = tpu.memref_squeeze %dma_start3A_1043 : memref<1x4096xf32, #tpu.memory_space<hbm>> -> memref<4096xf32, #tpu.memory_space<hbm>>
        tpu.enqueue_dma source(%dma_start3A_1044 : memref<4096xf32, #tpu.memory_space<hbm>>) target(%arg6 : memref<4096xf32, #tpu.memory_space<vmem>>) target_semaphore(%run_scoped3A : memref<!tpu.dma_semaphore, #tpu.memory_space<semaphore_mem>>)
        %dma_wait3A_1045 = arith.constant 0 : i32
        %dma_wait3A_1046 = tpu.memref_slice %arg3[%add3A_20, %dma_wait3A_1045] : memref<4096x4096xf32, #tpu.memory_space<hbm>> -> memref<1x4096xf32, #tpu.memory_space<hbm>>
        %dma_wait3A_1047 = tpu.memref_squeeze %dma_wait3A_1046 : memref<1x4096xf32, #tpu.memory_space<hbm>> -> memref<4096xf32, #tpu.memory_space<hbm>>
        %dma_wait3A_1048 = arith.constant 0 : i32
        %dma_wait3A_1049 = tpu.memref_slice %arg3[%add3A_20, %dma_wait3A_1048] : memref<4096x4096xf32, #tpu.memory_space<hbm>> -> memref<1x4096xf32, #tpu.memory_space<hbm>>
        %dma_wait3A_1050 = tpu.memref_squeeze %dma_wait3A_1049 : memref<1x4096xf32, #tpu.memory_space<hbm>> -> memref<4096xf32, #tpu.memory_space<hbm>>
        tpu.wait_dma2 semaphore(%run_scoped3A : memref<!tpu.dma_semaphore, #tpu.memory_space<semaphore_mem>>) src(%dma_wait3A_1050 : memref<4096xf32, #tpu.memory_space<hbm>>) dst(%arg6 : memref<4096xf32, #tpu.memory_space<vmem>>)
        tpu.yield
      }) : () -> ()
      %swap3A = arith.constant 0 : index
      %swap3A_21 = tpu.vector_load %arg10[%swap3A] {strides = array<i32>} : memref<2048xi32, #tpu.memory_space<vmem>>, vector<16xi32>,
      tpu.vector_store %arg10[%swap3A], %broadcast_in_dim3A_3 {strides = array<i32>} : memref<2048xi32, #tpu.memory_space<vmem>>, vector<16xi32>,
      %swap3A_22 = arith.constant 16 : index
      %swap3A_23 = tpu.vector_load %arg10[%swap3A_22] {strides = array<i32>} : memref<2048xi32, #tpu.memory_space<vmem>>, vector<16xi32>,
      tpu.vector_store %arg10[%swap3A_22], %broadcast_in_dim3A_3 {strides = array<i32>} : memref<2048xi32, #tpu.memory_space<vmem>>, vector<16xi32>,
      %swap3A_24 = arith.constant 32 : index
      %swap3A_25 = tpu.vector_load %arg10[%swap3A_24] {strides = array<i32>} : memref<2048xi32, #tpu.memory_space<vmem>>, vector<16xi32>,
      tpu.vector_store %arg10[%swap3A_24], %broadcast_in_dim3A_3 {strides = array<i32>} : memref<2048xi32, #tpu.memory_space<vmem>>, vector<16xi32>,
      %swap3A_26 = arith.constant 48 : index
      %swap3A_27 = tpu.vector_load %arg10[%swap3A_26] {strides = array<i32>} : memref<2048xi32, #tpu.memory_space<vmem>>, vector<16xi32>,
      tpu.vector_store %arg10[%swap3A_26], %broadcast_in_dim3A_3 {strides = array<i32>} : memref<2048xi32, #tpu.memory_space<vmem>>, vector<16xi32>,
      %swap3A_28 = arith.constant 64 : index
      %swap3A_29 = tpu.vector_load %arg10[%swap3A_28] {strides = array<i32>} : memref<2048xi32, #tpu.memory_space<vmem>>, vector<16xi32>,
      tpu.vector_store %arg10[%swap3A_28], %broadcast_in_dim3A_3 {strides = array<i32>} : memref<2048xi32, #tpu.memory_space<vmem>>, vector<16xi32>,
      %swap3A_30 = arith.constant 80 : index
      %swap3A_31 = tpu.vector_load %arg10[%swap3A_30] {strides = array<i32>} : memref<2048xi32, #tpu.memory_space<vmem>>, vector<16xi32>,
      tpu.vector_store %arg10[%swap3A_30], %broadcast_in_dim3A_3 {strides = array<i32>} : memref<2048xi32, #tpu.memory_space<vmem>>, vector<16xi32>,
      %swap3A_32 = arith.constant 96 : index
      %swap3A_33 = tpu.vector_load %arg10[%swap3A_32] {strides = array<i32>} : memref<2048xi32, #tpu.memory_space<vmem>>, vector<16xi32>,
      tpu.vector_store %arg10[%swap3A_32], %broadcast_in_dim3A_3 {strides = array<i32>} : memref<2048xi32, #tpu.memory_space<vmem>>, vector<16xi32>,
      %swap3A_34 = arith.constant 112 : index
      %swap3A_35 = tpu.vector_load %arg10[%swap3A_34] {strides = array<i32>} : memref<2048xi32, #tpu.memory_space<vmem>>, vector<16xi32>,
      tpu.vector_store %arg10[%swap3A_34], %broadcast_in_dim3A_3 {strides = array<i32>} : memref<2048xi32, #tpu.memory_space<vmem>>, vector<16xi32>,
      %swap3A_36 = arith.constant 128 : index
      %swap3A_37 = tpu.vector_load %arg10[%swap3A_36] {strides = array<i32>} : memref<2048xi32, #tpu.memory_space<vmem>>, vector<16xi32>,
      tpu.vector_store %arg10[%swap3A_36], %broadcast_in_dim3A_3 {strides = array<i32>} : memref<2048xi32, #tpu.memory_space<vmem>>, vector<16xi32>,
      %swap3A_38 = arith.constant 144 : index
      %swap3A_39 = tpu.vector_load %arg10[%swap3A_38] {strides = array<i32>} : memref<2048xi32, #tpu.memory_space<vmem>>, vector<16xi32>,
      tpu.vector_store %arg10[%swap3A_38], %broadcast_in_dim3A_3 {strides = array<i32>} : memref<2048xi32, #tpu.memory_space<vmem>>, vector<16xi32>,
      %swap3A_40 = arith.constant 160 : index
      %swap3A_41 = tpu.vector_load %arg10[%swap3A_40] {strides = array<i32>} : memref<2048xi32, #tpu.memory_space<vmem>>, vector<16xi32>,
      tpu.vector_store %arg10[%swap3A_40], %broadcast_in_dim3A_3 {strides = array<i32>} : memref<2048xi32, #tpu.memory_space<vmem>>, vector<16xi32>,
      %swap3A_42 = arith.constant 176 : index
      %swap3A_43 = tpu.vector_load %arg10[%swap3A_42] {strides = array<i32>} : memref<2048xi32, #tpu.memory_space<vmem>>, vector<16xi32>,
      tpu.vector_store %arg10[%swap3A_42], %broadcast_in_dim3A_3 {strides = array<i32>} : memref<2048xi32, #tpu.memory_space<vmem>>, vector<16xi32>,
      %swap3A_44 = arith.constant 192 : index
      %swap3A_45 = tpu.vector_load %arg10[%swap3A_44] {strides = array<i32>} : memref<2048xi32, #tpu.memory_space<vmem>>, vector<16xi32>,
      tpu.vector_store %arg10[%swap3A_44], %broadcast_in_dim3A_3 {strides = array<i32>} : memref<2048xi32, #tpu.memory_space<vmem>>, vector<16xi32>,
      %swap3A_46 = arith.constant 208 : index
      %swap3A_47 = tpu.vector_load %arg10[%swap3A_46] {strides = array<i32>} : memref<2048xi32, #tpu.memory_space<vmem>>, vector<16xi32>,
      tpu.vector_store %arg10[%swap3A_46], %broadcast_in_dim3A_3 {strides = array<i32>} : memref<2048xi32, #tpu.memory_space<vmem>>, vector<16xi32>,
      %swap3A_48 = arith.constant 224 : index
      %swap3A_49 = tpu.vector_load %arg10[%swap3A_48] {strides = array<i32>} : memref<2048xi32, #tpu.memory_space<vmem>>, vector<16xi32>,
      tpu.vector_store %arg10[%swap3A_48], %broadcast_in_dim3A_3 {strides = array<i32>} : memref<2048xi32, #tpu.memory_space<vmem>>, vector<16xi32>,
      %swap3A_50 = arith.constant 240 : index
      %swap3A_51 = tpu.vector_load %arg10[%swap3A_50] {strides = array<i32>} : memref<2048xi32, #tpu.memory_space<vmem>>, vector<16xi32>,
      tpu.vector_store %arg10[%swap3A_50], %broadcast_in_dim3A_3 {strides = array<i32>} : memref<2048xi32, #tpu.memory_space<vmem>>, vector<16xi32>,
      %swap3A_52 = arith.constant 256 : index
      %swap3A_53 = tpu.vector_load %arg10[%swap3A_52] {strides = array<i32>} : memref<2048xi32, #tpu.memory_space<vmem>>, vector<16xi32>,
      tpu.vector_store %arg10[%swap3A_52], %broadcast_in_dim3A_3 {strides = array<i32>} : memref<2048xi32, #tpu.memory_space<vmem>>, vector<16xi32>,
      %swap3A_54 = arith.constant 272 : index
      %swap3A_55 = tpu.vector_load %arg10[%swap3A_54] {strides = array<i32>} : memref<2048xi32, #tpu.memory_space<vmem>>, vector<16xi32>,
      tpu.vector_store %arg10[%swap3A_54], %broadcast_in_dim3A_3 {strides = array<i32>} : memref<2048xi32, #tpu.memory_space<vmem>>, vector<16xi32>,
      %swap3A_56 = arith.constant 288 : index
      %swap3A_57 = tpu.vector_load %arg10[%swap3A_56] {strides = array<i32>} : memref<2048xi32, #tpu.memory_space<vmem>>, vector<16xi32>,
      tpu.vector_store %arg10[%swap3A_56], %broadcast_in_dim3A_3 {strides = array<i32>} : memref<2048xi32, #tpu.memory_space<vmem>>, vector<16xi32>,
      %swap3A_58 = arith.constant 304 : index
      %swap3A_59 = tpu.vector_load %arg10[%swap3A_58] {strides = array<i32>} : memref<2048xi32, #tpu.memory_space<vmem>>, vector<16xi32>,
      tpu.vector_store %arg10[%swap3A_58], %broadcast_in_dim3A_3 {strides = array<i32>} : memref<2048xi32, #tpu.memory_space<vmem>>, vector<16xi32>,
      %swap3A_60 = arith.constant 320 : index
      %swap3A_61 = tpu.vector_load %arg10[%swap3A_60] {strides = array<i32>} : memref<2048xi32, #tpu.memory_space<vmem>>, vector<16xi32>,
      tpu.vector_store %arg10[%swap3A_60], %broadcast_in_dim3A_3 {strides = array<i32>} : memref<2048xi32, #tpu.memory_space<vmem>>, vector<16xi32>,
      %swap3A_62 = arith.constant 336 : index
      %swap3A_63 = tpu.vector_load %arg10[%swap3A_62] {strides = array<i32>} : memref<2048xi32, #tpu.memory_space<vmem>>, vector<16xi32>,
      tpu.vector_store %arg10[%swap3A_62], %broadcast_in_dim3A_3 {strides = array<i32>} : memref<2048xi32, #tpu.memory_space<vmem>>, vector<16xi32>,
      %swap3A_64 = arith.constant 352 : index
      %swap3A_65 = tpu.vector_load %arg10[%swap3A_64] {strides = array<i32>} : memref<2048xi32, #tpu.memory_space<vmem>>, vector<16xi32>,
      tpu.vector_store %arg10[%swap3A_64], %broadcast_in_dim3A_3 {strides = array<i32>} : memref<2048xi32, #tpu.memory_space<vmem>>, vector<16xi32>,
      %swap3A_66 = arith.constant 368 : index
      %swap3A_67 = tpu.vector_load %arg10[%swap3A_66] {strides = array<i32>} : memref<2048xi32, #tpu.memory_space<vmem>>, vector<16xi32>,
      tpu.vector_store %arg10[%swap3A_66], %broadcast_in_dim3A_3 {strides = array<i32>} : memref<2048xi32, #tpu.memory_space<vmem>>, vector<16xi32>,
      %swap3A_68 = arith.constant 384 : index
      %swap3A_69 = tpu.vector_load %arg10[%swap3A_68] {strides = array<i32>} : memref<2048xi32, #tpu.memory_space<vmem>>, vector<16xi32>,
      tpu.vector_store %arg10[%swap3A_68], %broadcast_in_dim3A_3 {strides = array<i32>} : memref<2048xi32, #tpu.memory_space<vmem>>, vector<16xi32>,
      %swap3A_70 = arith.constant 400 : index
      %swap3A_71 = tpu.vector_load %arg10[%swap3A_70] {strides = array<i32>} : memref<2048xi32, #tpu.memory_space<vmem>>, vector<16xi32>,
      tpu.vector_store %arg10[%swap3A_70], %broadcast_in_dim3A_3 {strides = array<i32>} : memref<2048xi32, #tpu.memory_space<vmem>>, vector<16xi32>,
      %swap3A_72 = arith.constant 416 : index
      %swap3A_73 = tpu.vector_load %arg10[%swap3A_72] {strides = array<i32>} : memref<2048xi32, #tpu.memory_space<vmem>>, vector<16xi32>,
      tpu.vector_store %arg10[%swap3A_72], %broadcast_in_dim3A_3 {strides = array<i32>} : memref<2048xi32, #tpu.memory_space<vmem>>, vector<16xi32>,
      %swap3A_74 = arith.constant 432 : index
      %swap3A_75 = tpu.vector_load %arg10[%swap3A_74] {strides = array<i32>} : memref<2048xi32, #tpu.memory_space<vmem>>, vector<16xi32>,
      tpu.vector_store %arg10[%swap3A_74], %broadcast_in_dim3A_3 {strides = array<i32>} : memref<2048xi32, #tpu.memory_space<vmem>>, vector<16xi32>,
      %swap3A_76 = arith.constant 448 : index
      %swap3A_77 = tpu.vector_load %arg10[%swap3A_76] {strides = array<i32>} : memref<2048xi32, #tpu.memory_space<vmem>>, vector<16xi32>,
      tpu.vector_store %arg10[%swap3A_76], %broadcast_in_dim3A_3 {strides = array<i32>} : memref<2048xi32, #tpu.memory_space<vmem>>, vector<16xi32>,
      %swap3A_78 = arith.constant 464 : index
      %swap3A_79 = tpu.vector_load %arg10[%swap3A_78] {strides = array<i32>} : memref<2048xi32, #tpu.memory_space<vmem>>, vector<16xi32>,
      tpu.vector_store %arg10[%swap3A_78], %broadcast_in_dim3A_3 {strides = array<i32>} : memref<2048xi32, #tpu.memory_space<vmem>>, vector<16xi32>,
      %swap3A_80 = arith.constant 480 : index
      %swap3A_81 = tpu.vector_load %arg10[%swap3A_80] {strides = array<i32>} : memref<2048xi32, #tpu.memory_space<vmem>>, vector<16xi32>,
      tpu.vector_store %arg10[%swap3A_80], %broadcast_in_dim3A_3 {strides = array<i32>} : memref<2048xi32, #tpu.memory_space<vmem>>, vector<16xi32>,
      %swap3A_82 = arith.constant 496 : index
      %swap3A_83 = tpu.vector_load %arg10[%swap3A_82] {strides = array<i32>} : memref<2048xi32, #tpu.memory_space<vmem>>, vector<16xi32>,
      tpu.vector_store %arg10[%swap3A_82], %broadcast_in_dim3A_3 {strides = array<i32>} : memref<2048xi32, #tpu.memory_space<vmem>>, vector<16xi32>,
      %swap3A_84 = arith.constant 512 : index
      %swap3A_85 = tpu.vector_load %arg10[%swap3A_84] {strides = array<i32>} : memref<2048xi32, #tpu.memory_space<vmem>>, vector<16xi32>,
      tpu.vector_store %arg10[%swap3A_84], %broadcast_in_dim3A_3 {strides = array<i32>} : memref<2048xi32, #tpu.memory_space<vmem>>, vector<16xi32>,
      %swap3A_86 = arith.constant 528 : index
      %swap3A_87 = tpu.vector_load %arg10[%swap3A_86] {strides = array<i32>} : memref<2048xi32, #tpu.memory_space<vmem>>, vector<16xi32>,
      tpu.vector_store %arg10[%swap3A_86], %broadcast_in_dim3A_3 {strides = array<i32>} : memref<2048xi32, #tpu.memory_space<vmem>>, vector<16xi32>,
      %swap3A_88 = arith.constant 544 : index
      %swap3A_89 = tpu.vector_load %arg10[%swap3A_88] {strides = array<i32>} : memref<2048xi32, #tpu.memory_space<vmem>>, vector<16xi32>,
      tpu.vector_store %arg10[%swap3A_88], %broadcast_in_dim3A_3 {strides = array<i32>} : memref<2048xi32, #tpu.memory_space<vmem>>, vector<16xi32>,
      %swap3A_90 = arith.constant 560 : index
      %swap3A_91 = tpu.vector_load %arg10[%swap3A_90] {strides = array<i32>} : memref<2048xi32, #tpu.memory_space<vmem>>, vector<16xi32>,
      tpu.vector_store %arg10[%swap3A_90], %broadcast_in_dim3A_3 {strides = array<i32>} : memref<2048xi32, #tpu.memory_space<vmem>>, vector<16xi32>,
      %swap3A_92 = arith.constant 576 : index
      %swap3A_93 = tpu.vector_load %arg10[%swap3A_92] {strides = array<i32>} : memref<2048xi32, #tpu.memory_space<vmem>>, vector<16xi32>,
      tpu.vector_store %arg10[%swap3A_92], %broadcast_in_dim3A_3 {strides = array<i32>} : memref<2048xi32, #tpu.memory_space<vmem>>, vector<16xi32>,
      %swap3A_94 = arith.constant 592 : index
      %swap3A_95 = tpu.vector_load %arg10[%swap3A_94] {strides = array<i32>} : memref<2048xi32, #tpu.memory_space<vmem>>, vector<16xi32>,
      tpu.vector_store %arg10[%swap3A_94], %broadcast_in_dim3A_3 {strides = array<i32>} : memref<2048xi32, #tpu.memory_space<vmem>>, vector<16xi32>,
      %swap3A_96 = arith.constant 608 : index
      %swap3A_97 = tpu.vector_load %arg10[%swap3A_96] {strides = array<i32>} : memref<2048xi32, #tpu.memory_space<vmem>>, vector<16xi32>,
      tpu.vector_store %arg10[%swap3A_96], %broadcast_in_dim3A_3 {strides = array<i32>} : memref<2048xi32, #tpu.memory_space<vmem>>, vector<16xi32>,
      %swap3A_98 = arith.constant 624 : index
      %swap3A_99 = tpu.vector_load %arg10[%swap3A_98] {strides = array<i32>} : memref<2048xi32, #tpu.memory_space<vmem>>, vector<16xi32>,
      tpu.vector_store %arg10[%swap3A_98], %broadcast_in_dim3A_3 {strides = array<i32>} : memref<2048xi32, #tpu.memory_space<vmem>>, vector<16xi32>,
      %swap3A_100 = arith.constant 640 : index
      %swap3A_101 = tpu.vector_load %arg10[%swap3A_100] {strides = array<i32>} : memref<2048xi32, #tpu.memory_space<vmem>>, vector<16xi32>,
      tpu.vector_store %arg10[%swap3A_100], %broadcast_in_dim3A_3 {strides = array<i32>} : memref<2048xi32, #tpu.memory_space<vmem>>, vector<16xi32>,
      %swap3A_102 = arith.constant 656 : index
      %swap3A_103 = tpu.vector_load %arg10[%swap3A_102] {strides = array<i32>} : memref<2048xi32, #tpu.memory_space<vmem>>, vector<16xi32>,
      tpu.vector_store %arg10[%swap3A_102], %broadcast_in_dim3A_3 {strides = array<i32>} : memref<2048xi32, #tpu.memory_space<vmem>>, vector<16xi32>,
      %swap3A_104 = arith.constant 672 : index
      %swap3A_105 = tpu.vector_load %arg10[%swap3A_104] {strides = array<i32>} : memref<2048xi32, #tpu.memory_space<vmem>>, vector<16xi32>,
      tpu.vector_store %arg10[%swap3A_104], %broadcast_in_dim3A_3 {strides = array<i32>} : memref<2048xi32, #tpu.memory_space<vmem>>, vector<16xi32>,
      %swap3A_106 = arith.constant 688 : index
      %swap3A_107 = tpu.vector_load %arg10[%swap3A_106] {strides = array<i32>} : memref<2048xi32, #tpu.memory_space<vmem>>, vector<16xi32>,
      tpu.vector_store %arg10[%swap3A_106], %broadcast_in_dim3A_3 {strides = array<i32>} : memref<2048xi32, #tpu.memory_space<vmem>>, vector<16xi32>,
      %swap3A_108 = arith.constant 704 : index
      %swap3A_109 = tpu.vector_load %arg10[%swap3A_108] {strides = array<i32>} : memref<2048xi32, #tpu.memory_space<vmem>>, vector<16xi32>,
      tpu.vector_store %arg10[%swap3A_108], %broadcast_in_dim3A_3 {strides = array<i32>} : memref<2048xi32, #tpu.memory_space<vmem>>, vector<16xi32>,
      %swap3A_110 = arith.constant 720 : index
      %swap3A_111 = tpu.vector_load %arg10[%swap3A_110] {strides = array<i32>} : memref<2048xi32, #tpu.memory_space<vmem>>, vector<16xi32>,
      tpu.vector_store %arg10[%swap3A_110], %broadcast_in_dim3A_3 {strides = array<i32>} : memref<2048xi32, #tpu.memory_space<vmem>>, vector<16xi32>,
      %swap3A_112 = arith.constant 736 : index
      %swap3A_113 = tpu.vector_load %arg10[%swap3A_112] {strides = array<i32>} : memref<2048xi32, #tpu.memory_space<vmem>>, vector<16xi32>,
      tpu.vector_store %arg10[%swap3A_112], %broadcast_in_dim3A_3 {strides = array<i32>} : memref<2048xi32, #tpu.memory_space<vmem>>, vector<16xi32>,
      %swap3A_114 = arith.constant 752 : index
      %swap3A_115 = tpu.vector_load %arg10[%swap3A_114] {strides = array<i32>} : memref<2048xi32, #tpu.memory_space<vmem>>, vector<16xi32>,
      tpu.vector_store %arg10[%swap3A_114], %broadcast_in_dim3A_3 {strides = array<i32>} : memref<2048xi32, #tpu.memory_space<vmem>>, vector<16xi32>,
      %swap3A_116 = arith.constant 768 : index
      %swap3A_117 = tpu.vector_load %arg10[%swap3A_116] {strides = array<i32>} : memref<2048xi32, #tpu.memory_space<vmem>>, vector<16xi32>,
      tpu.vector_store %arg10[%swap3A_116], %broadcast_in_dim3A_3 {strides = array<i32>} : memref<2048xi32, #tpu.memory_space<vmem>>, vector<16xi32>,
      %swap3A_118 = arith.constant 784 : index
      %swap3A_119 = tpu.vector_load %arg10[%swap3A_118] {strides = array<i32>} : memref<2048xi32, #tpu.memory_space<vmem>>, vector<16xi32>,
      tpu.vector_store %arg10[%swap3A_118], %broadcast_in_dim3A_3 {strides = array<i32>} : memref<2048xi32, #tpu.memory_space<vmem>>, vector<16xi32>,
      %swap3A_120 = arith.constant 800 : index
      %swap3A_121 = tpu.vector_load %arg10[%swap3A_120] {strides = array<i32>} : memref<2048xi32, #tpu.memory_space<vmem>>, vector<16xi32>,
      tpu.vector_store %arg10[%swap3A_120], %broadcast_in_dim3A_3 {strides = array<i32>} : memref<2048xi32, #tpu.memory_space<vmem>>, vector<16xi32>,
      %swap3A_122 = arith.constant 816 : index
      %swap3A_123 = tpu.vector_load %arg10[%swap3A_122] {strides = array<i32>} : memref<2048xi32, #tpu.memory_space<vmem>>, vector<16xi32>,
      tpu.vector_store %arg10[%swap3A_122], %broadcast_in_dim3A_3 {strides = array<i32>} : memref<2048xi32, #tpu.memory_space<vmem>>, vector<16xi32>,
      %swap3A_124 = arith.constant 832 : index
      %swap3A_125 = tpu.vector_load %arg10[%swap3A_124] {strides = array<i32>} : memref<2048xi32, #tpu.memory_space<vmem>>, vector<16xi32>,
      tpu.vector_store %arg10[%swap3A_124], %broadcast_in_dim3A_3 {strides = array<i32>} : memref<2048xi32, #tpu.memory_space<vmem>>, vector<16xi32>,
      %swap3A_126 = arith.constant 848 : index
      %swap3A_127 = tpu.vector_load %arg10[%swap3A_126] {strides = array<i32>} : memref<2048xi32, #tpu.memory_space<vmem>>, vector<16xi32>,
      tpu.vector_store %arg10[%swap3A_126], %broadcast_in_dim3A_3 {strides = array<i32>} : memref<2048xi32, #tpu.memory_space<vmem>>, vector<16xi32>,
      %swap3A_128 = arith.constant 864 : index
      %swap3A_129 = tpu.vector_load %arg10[%swap3A_128] {strides = array<i32>} : memref<2048xi32, #tpu.memory_space<vmem>>, vector<16xi32>,
      tpu.vector_store %arg10[%swap3A_128], %broadcast_in_dim3A_3 {strides = array<i32>} : memref<2048xi32, #tpu.memory_space<vmem>>, vector<16xi32>,
      %swap3A_130 = arith.constant 880 : index
      %swap3A_131 = tpu.vector_load %arg10[%swap3A_130] {strides = array<i32>} : memref<2048xi32, #tpu.memory_space<vmem>>, vector<16xi32>,
      tpu.vector_store %arg10[%swap3A_130], %broadcast_in_dim3A_3 {strides = array<i32>} : memref<2048xi32, #tpu.memory_space<vmem>>, vector<16xi32>,
      %swap3A_132 = arith.constant 896 : index
      %swap3A_133 = tpu.vector_load %arg10[%swap3A_132] {strides = array<i32>} : memref<2048xi32, #tpu.memory_space<vmem>>, vector<16xi32>,
      tpu.vector_store %arg10[%swap3A_132], %broadcast_in_dim3A_3 {strides = array<i32>} : memref<2048xi32, #tpu.memory_space<vmem>>, vector<16xi32>,
      %swap3A_134 = arith.constant 912 : index
      %swap3A_135 = tpu.vector_load %arg10[%swap3A_134] {strides = array<i32>} : memref<2048xi32, #tpu.memory_space<vmem>>, vector<16xi32>,
      tpu.vector_store %arg10[%swap3A_134], %broadcast_in_dim3A_3 {strides = array<i32>} : memref<2048xi32, #tpu.memory_space<vmem>>, vector<16xi32>,
      %swap3A_136 = arith.constant 928 : index
      %swap3A_137 = tpu.vector_load %arg10[%swap3A_136] {strides = array<i32>} : memref<2048xi32, #tpu.memory_space<vmem>>, vector<16xi32>,
      tpu.vector_store %arg10[%swap3A_136], %broadcast_in_dim3A_3 {strides = array<i32>} : memref<2048xi32, #tpu.memory_space<vmem>>, vector<16xi32>,
      %swap3A_138 = arith.constant 944 : index
      %swap3A_139 = tpu.vector_load %arg10[%swap3A_138] {strides = array<i32>} : memref<2048xi32, #tpu.memory_space<vmem>>, vector<16xi32>,
      tpu.vector_store %arg10[%swap3A_138], %broadcast_in_dim3A_3 {strides = array<i32>} : memref<2048xi32, #tpu.memory_space<vmem>>, vector<16xi32>,
      %swap3A_140 = arith.constant 960 : index
      %swap3A_141 = tpu.vector_load %arg10[%swap3A_140] {strides = array<i32>} : memref<2048xi32, #tpu.memory_space<vmem>>, vector<16xi32>,
      tpu.vector_store %arg10[%swap3A_140], %broadcast_in_dim3A_3 {strides = array<i32>} : memref<2048xi32, #tpu.memory_space<vmem>>, vector<16xi32>,
      %swap3A_142 = arith.constant 976 : index
      %swap3A_143 = tpu.vector_load %arg10[%swap3A_142] {strides = array<i32>} : memref<2048xi32, #tpu.memory_space<vmem>>, vector<16xi32>,
      tpu.vector_store %arg10[%swap3A_142], %broadcast_in_dim3A_3 {strides = array<i32>} : memref<2048xi32, #tpu.memory_space<vmem>>, vector<16xi32>,
      %swap3A_144 = arith.constant 992 : index
      %swap3A_145 = tpu.vector_load %arg10[%swap3A_144] {strides = array<i32>} : memref<2048xi32, #tpu.memory_space<vmem>>, vector<16xi32>,
      tpu.vector_store %arg10[%swap3A_144], %broadcast_in_dim3A_3 {strides = array<i32>} : memref<2048xi32, #tpu.memory_space<vmem>>, vector<16xi32>,
      %swap3A_146 = arith.constant 1008 : index
      %swap3A_147 = tpu.vector_load %arg10[%swap3A_146] {strides = array<i32>} : memref<2048xi32, #tpu.memory_space<vmem>>, vector<16xi32>,
      tpu.vector_store %arg10[%swap3A_146], %broadcast_in_dim3A_3 {strides = array<i32>} : memref<2048xi32, #tpu.memory_space<vmem>>, vector<16xi32>,
      %swap3A_148 = arith.constant 1024 : index
      %swap3A_149 = tpu.vector_load %arg10[%swap3A_148] {strides = array<i32>} : memref<2048xi32, #tpu.memory_space<vmem>>, vector<16xi32>,
      tpu.vector_store %arg10[%swap3A_148], %broadcast_in_dim3A_3 {strides = array<i32>} : memref<2048xi32, #tpu.memory_space<vmem>>, vector<16xi32>,
      %swap3A_150 = arith.constant 1040 : index
      %swap3A_151 = tpu.vector_load %arg10[%swap3A_150] {strides = array<i32>} : memref<2048xi32, #tpu.memory_space<vmem>>, vector<16xi32>,
      tpu.vector_store %arg10[%swap3A_150], %broadcast_in_dim3A_3 {strides = array<i32>} : memref<2048xi32, #tpu.memory_space<vmem>>, vector<16xi32>,
      %swap3A_152 = arith.constant 1056 : index
      %swap3A_153 = tpu.vector_load %arg10[%swap3A_152] {strides = array<i32>} : memref<2048xi32, #tpu.memory_space<vmem>>, vector<16xi32>,
      tpu.vector_store %arg10[%swap3A_152], %broadcast_in_dim3A_3 {strides = array<i32>} : memref<2048xi32, #tpu.memory_space<vmem>>, vector<16xi32>,
      %swap3A_154 = arith.constant 1072 : index
      %swap3A_155 = tpu.vector_load %arg10[%swap3A_154] {strides = array<i32>} : memref<2048xi32, #tpu.memory_space<vmem>>, vector<16xi32>,
      tpu.vector_store %arg10[%swap3A_154], %broadcast_in_dim3A_3 {strides = array<i32>} : memref<2048xi32, #tpu.memory_space<vmem>>, vector<16xi32>,
      %swap3A_156 = arith.constant 1088 : index
      %swap3A_157 = tpu.vector_load %arg10[%swap3A_156] {strides = array<i32>} : memref<2048xi32, #tpu.memory_space<vmem>>, vector<16xi32>,
      tpu.vector_store %arg10[%swap3A_156], %broadcast_in_dim3A_3 {strides = array<i32>} : memref<2048xi32, #tpu.memory_space<vmem>>, vector<16xi32>,
      %swap3A_158 = arith.constant 1104 : index
      %swap3A_159 = tpu.vector_load %arg10[%swap3A_158] {strides = array<i32>} : memref<2048xi32, #tpu.memory_space<vmem>>, vector<16xi32>,
      tpu.vector_store %arg10[%swap3A_158], %broadcast_in_dim3A_3 {strides = array<i32>} : memref<2048xi32, #tpu.memory_space<vmem>>, vector<16xi32>,
      %swap3A_160 = arith.constant 1120 : index
      %swap3A_161 = tpu.vector_load %arg10[%swap3A_160] {strides = array<i32>} : memref<2048xi32, #tpu.memory_space<vmem>>, vector<16xi32>,
      tpu.vector_store %arg10[%swap3A_160], %broadcast_in_dim3A_3 {strides = array<i32>} : memref<2048xi32, #tpu.memory_space<vmem>>, vector<16xi32>,
      %swap3A_162 = arith.constant 1136 : index
      %swap3A_163 = tpu.vector_load %arg10[%swap3A_162] {strides = array<i32>} : memref<2048xi32, #tpu.memory_space<vmem>>, vector<16xi32>,
      tpu.vector_store %arg10[%swap3A_162], %broadcast_in_dim3A_3 {strides = array<i32>} : memref<2048xi32, #tpu.memory_space<vmem>>, vector<16xi32>,
      %swap3A_164 = arith.constant 1152 : index
      %swap3A_165 = tpu.vector_load %arg10[%swap3A_164] {strides = array<i32>} : memref<2048xi32, #tpu.memory_space<vmem>>, vector<16xi32>,
      tpu.vector_store %arg10[%swap3A_164], %broadcast_in_dim3A_3 {strides = array<i32>} : memref<2048xi32, #tpu.memory_space<vmem>>, vector<16xi32>,
      %swap3A_166 = arith.constant 1168 : index
      %swap3A_167 = tpu.vector_load %arg10[%swap3A_166] {strides = array<i32>} : memref<2048xi32, #tpu.memory_space<vmem>>, vector<16xi32>,
      tpu.vector_store %arg10[%swap3A_166], %broadcast_in_dim3A_3 {strides = array<i32>} : memref<2048xi32, #tpu.memory_space<vmem>>, vector<16xi32>,
      %swap3A_168 = arith.constant 1184 : index
      %swap3A_169 = tpu.vector_load %arg10[%swap3A_168] {strides = array<i32>} : memref<2048xi32, #tpu.memory_space<vmem>>, vector<16xi32>,
      tpu.vector_store %arg10[%swap3A_168], %broadcast_in_dim3A_3 {strides = array<i32>} : memref<2048xi32, #tpu.memory_space<vmem>>, vector<16xi32>,
      %swap3A_170 = arith.constant 1200 : index
      %swap3A_171 = tpu.vector_load %arg10[%swap3A_170] {strides = array<i32>} : memref<2048xi32, #tpu.memory_space<vmem>>, vector<16xi32>,
      tpu.vector_store %arg10[%swap3A_170], %broadcast_in_dim3A_3 {strides = array<i32>} : memref<2048xi32, #tpu.memory_space<vmem>>, vector<16xi32>,
      %swap3A_172 = arith.constant 1216 : index
      %swap3A_173 = tpu.vector_load %arg10[%swap3A_172] {strides = array<i32>} : memref<2048xi32, #tpu.memory_space<vmem>>, vector<16xi32>,
      tpu.vector_store %arg10[%swap3A_172], %broadcast_in_dim3A_3 {strides = array<i32>} : memref<2048xi32, #tpu.memory_space<vmem>>, vector<16xi32>,
      %swap3A_174 = arith.constant 1232 : index
      %swap3A_175 = tpu.vector_load %arg10[%swap3A_174] {strides = array<i32>} : memref<2048xi32, #tpu.memory_space<vmem>>, vector<16xi32>,
      tpu.vector_store %arg10[%swap3A_174], %broadcast_in_dim3A_3 {strides = array<i32>} : memref<2048xi32, #tpu.memory_space<vmem>>, vector<16xi32>,
      %swap3A_176 = arith.constant 1248 : index
      %swap3A_177 = tpu.vector_load %arg10[%swap3A_176] {strides = array<i32>} : memref<2048xi32, #tpu.memory_space<vmem>>, vector<16xi32>,
      tpu.vector_store %arg10[%swap3A_176], %broadcast_in_dim3A_3 {strides = array<i32>} : memref<2048xi32, #tpu.memory_space<vmem>>, vector<16xi32>,
      %swap3A_178 = arith.constant 1264 : index
      %swap3A_179 = tpu.vector_load %arg10[%swap3A_178] {strides = array<i32>} : memref<2048xi32, #tpu.memory_space<vmem>>, vector<16xi32>,
      tpu.vector_store %arg10[%swap3A_178], %broadcast_in_dim3A_3 {strides = array<i32>} : memref<2048xi32, #tpu.memory_space<vmem>>, vector<16xi32>,
      %swap3A_180 = arith.constant 1280 : index
      %swap3A_181 = tpu.vector_load %arg10[%swap3A_180] {strides = array<i32>} : memref<2048xi32, #tpu.memory_space<vmem>>, vector<16xi32>,
      tpu.vector_store %arg10[%swap3A_180], %broadcast_in_dim3A_3 {strides = array<i32>} : memref<2048xi32, #tpu.memory_space<vmem>>, vector<16xi32>,
      %swap3A_182 = arith.constant 1296 : index
      %swap3A_183 = tpu.vector_load %arg10[%swap3A_182] {strides = array<i32>} : memref<2048xi32, #tpu.memory_space<vmem>>, vector<16xi32>,
      tpu.vector_store %arg10[%swap3A_182], %broadcast_in_dim3A_3 {strides = array<i32>} : memref<2048xi32, #tpu.memory_space<vmem>>, vector<16xi32>,
      %swap3A_184 = arith.constant 1312 : index
      %swap3A_185 = tpu.vector_load %arg10[%swap3A_184] {strides = array<i32>} : memref<2048xi32, #tpu.memory_space<vmem>>, vector<16xi32>,
      tpu.vector_store %arg10[%swap3A_184], %broadcast_in_dim3A_3 {strides = array<i32>} : memref<2048xi32, #tpu.memory_space<vmem>>, vector<16xi32>,
      %swap3A_186 = arith.constant 1328 : index
      %swap3A_187 = tpu.vector_load %arg10[%swap3A_186] {strides = array<i32>} : memref<2048xi32, #tpu.memory_space<vmem>>, vector<16xi32>,
      tpu.vector_store %arg10[%swap3A_186], %broadcast_in_dim3A_3 {strides = array<i32>} : memref<2048xi32, #tpu.memory_space<vmem>>, vector<16xi32>,
      %swap3A_188 = arith.constant 1344 : index
      %swap3A_189 = tpu.vector_load %arg10[%swap3A_188] {strides = array<i32>} : memref<2048xi32, #tpu.memory_space<vmem>>, vector<16xi32>,
      tpu.vector_store %arg10[%swap3A_188], %broadcast_in_dim3A_3 {strides = array<i32>} : memref<2048xi32, #tpu.memory_space<vmem>>, vector<16xi32>,
      %swap3A_190 = arith.constant 1360 : index
      %swap3A_191 = tpu.vector_load %arg10[%swap3A_190] {strides = array<i32>} : memref<2048xi32, #tpu.memory_space<vmem>>, vector<16xi32>,
      tpu.vector_store %arg10[%swap3A_190], %broadcast_in_dim3A_3 {strides = array<i32>} : memref<2048xi32, #tpu.memory_space<vmem>>, vector<16xi32>,
      %swap3A_192 = arith.constant 1376 : index
      %swap3A_193 = tpu.vector_load %arg10[%swap3A_192] {strides = array<i32>} : memref<2048xi32, #tpu.memory_space<vmem>>, vector<16xi32>,
      tpu.vector_store %arg10[%swap3A_192], %broadcast_in_dim3A_3 {strides = array<i32>} : memref<2048xi32, #tpu.memory_space<vmem>>, vector<16xi32>,
      %swap3A_194 = arith.constant 1392 : index
      %swap3A_195 = tpu.vector_load %arg10[%swap3A_194] {strides = array<i32>} : memref<2048xi32, #tpu.memory_space<vmem>>, vector<16xi32>,
      tpu.vector_store %arg10[%swap3A_194], %broadcast_in_dim3A_3 {strides = array<i32>} : memref<2048xi32, #tpu.memory_space<vmem>>, vector<16xi32>,
      %swap3A_196 = arith.constant 1408 : index
      %swap3A_197 = tpu.vector_load %arg10[%swap3A_196] {strides = array<i32>} : memref<2048xi32, #tpu.memory_space<vmem>>, vector<16xi32>,
      tpu.vector_store %arg10[%swap3A_196], %broadcast_in_dim3A_3 {strides = array<i32>} : memref<2048xi32, #tpu.memory_space<vmem>>, vector<16xi32>,
      %swap3A_198 = arith.constant 1424 : index
      %swap3A_199 = tpu.vector_load %arg10[%swap3A_198] {strides = array<i32>} : memref<2048xi32, #tpu.memory_space<vmem>>, vector<16xi32>,
      tpu.vector_store %arg10[%swap3A_198], %broadcast_in_dim3A_3 {strides = array<i32>} : memref<2048xi32, #tpu.memory_space<vmem>>, vector<16xi32>,
      %swap3A_200 = arith.constant 1440 : index
      %swap3A_201 = tpu.vector_load %arg10[%swap3A_200] {strides = array<i32>} : memref<2048xi32, #tpu.memory_space<vmem>>, vector<16xi32>,
      tpu.vector_store %arg10[%swap3A_200], %broadcast_in_dim3A_3 {strides = array<i32>} : memref<2048xi32, #tpu.memory_space<vmem>>, vector<16xi32>,
      %swap3A_202 = arith.constant 1456 : index
      %swap3A_203 = tpu.vector_load %arg10[%swap3A_202] {strides = array<i32>} : memref<2048xi32, #tpu.memory_space<vmem>>, vector<16xi32>,
      tpu.vector_store %arg10[%swap3A_202], %broadcast_in_dim3A_3 {strides = array<i32>} : memref<2048xi32, #tpu.memory_space<vmem>>, vector<16xi32>,
      %swap3A_204 = arith.constant 1472 : index
      %swap3A_205 = tpu.vector_load %arg10[%swap3A_204] {strides = array<i32>} : memref<2048xi32, #tpu.memory_space<vmem>>, vector<16xi32>,
      tpu.vector_store %arg10[%swap3A_204], %broadcast_in_dim3A_3 {strides = array<i32>} : memref<2048xi32, #tpu.memory_space<vmem>>, vector<16xi32>,
      %swap3A_206 = arith.constant 1488 : index
      %swap3A_207 = tpu.vector_load %arg10[%swap3A_206] {strides = array<i32>} : memref<2048xi32, #tpu.memory_space<vmem>>, vector<16xi32>,
      tpu.vector_store %arg10[%swap3A_206], %broadcast_in_dim3A_3 {strides = array<i32>} : memref<2048xi32, #tpu.memory_space<vmem>>, vector<16xi32>,
      %swap3A_208 = arith.constant 1504 : index
      %swap3A_209 = tpu.vector_load %arg10[%swap3A_208] {strides = array<i32>} : memref<2048xi32, #tpu.memory_space<vmem>>, vector<16xi32>,
      tpu.vector_store %arg10[%swap3A_208], %broadcast_in_dim3A_3 {strides = array<i32>} : memref<2048xi32, #tpu.memory_space<vmem>>, vector<16xi32>,
      %swap3A_210 = arith.constant 1520 : index
      %swap3A_211 = tpu.vector_load %arg10[%swap3A_210] {strides = array<i32>} : memref<2048xi32, #tpu.memory_space<vmem>>, vector<16xi32>,
      tpu.vector_store %arg10[%swap3A_210], %broadcast_in_dim3A_3 {strides = array<i32>} : memref<2048xi32, #tpu.memory_space<vmem>>, vector<16xi32>,
      %swap3A_212 = arith.constant 1536 : index
      %swap3A_213 = tpu.vector_load %arg10[%swap3A_212] {strides = array<i32>} : memref<2048xi32, #tpu.memory_space<vmem>>, vector<16xi32>,
      tpu.vector_store %arg10[%swap3A_212], %broadcast_in_dim3A_3 {strides = array<i32>} : memref<2048xi32, #tpu.memory_space<vmem>>, vector<16xi32>,
      %swap3A_214 = arith.constant 1552 : index
      %swap3A_215 = tpu.vector_load %arg10[%swap3A_214] {strides = array<i32>} : memref<2048xi32, #tpu.memory_space<vmem>>, vector<16xi32>,
      tpu.vector_store %arg10[%swap3A_214], %broadcast_in_dim3A_3 {strides = array<i32>} : memref<2048xi32, #tpu.memory_space<vmem>>, vector<16xi32>,
      %swap3A_216 = arith.constant 1568 : index
      %swap3A_217 = tpu.vector_load %arg10[%swap3A_216] {strides = array<i32>} : memref<2048xi32, #tpu.memory_space<vmem>>, vector<16xi32>,
      tpu.vector_store %arg10[%swap3A_216], %broadcast_in_dim3A_3 {strides = array<i32>} : memref<2048xi32, #tpu.memory_space<vmem>>, vector<16xi32>,
      %swap3A_218 = arith.constant 1584 : index
      %swap3A_219 = tpu.vector_load %arg10[%swap3A_218] {strides = array<i32>} : memref<2048xi32, #tpu.memory_space<vmem>>, vector<16xi32>,
      tpu.vector_store %arg10[%swap3A_218], %broadcast_in_dim3A_3 {strides = array<i32>} : memref<2048xi32, #tpu.memory_space<vmem>>, vector<16xi32>,
      %swap3A_220 = arith.constant 1600 : index
      %swap3A_221 = tpu.vector_load %arg10[%swap3A_220] {strides = array<i32>} : memref<2048xi32, #tpu.memory_space<vmem>>, vector<16xi32>,
      tpu.vector_store %arg10[%swap3A_220], %broadcast_in_dim3A_3 {strides = array<i32>} : memref<2048xi32, #tpu.memory_space<vmem>>, vector<16xi32>,
      %swap3A_222 = arith.constant 1616 : index
      %swap3A_223 = tpu.vector_load %arg10[%swap3A_222] {strides = array<i32>} : memref<2048xi32, #tpu.memory_space<vmem>>, vector<16xi32>,
      tpu.vector_store %arg10[%swap3A_222], %broadcast_in_dim3A_3 {strides = array<i32>} : memref<2048xi32, #tpu.memory_space<vmem>>, vector<16xi32>,
      %swap3A_224 = arith.constant 1632 : index
      %swap3A_225 = tpu.vector_load %arg10[%swap3A_224] {strides = array<i32>} : memref<2048xi32, #tpu.memory_space<vmem>>, vector<16xi32>,
      tpu.vector_store %arg10[%swap3A_224], %broadcast_in_dim3A_3 {strides = array<i32>} : memref<2048xi32, #tpu.memory_space<vmem>>, vector<16xi32>,
      %swap3A_226 = arith.constant 1648 : index
      %swap3A_227 = tpu.vector_load %arg10[%swap3A_226] {strides = array<i32>} : memref<2048xi32, #tpu.memory_space<vmem>>, vector<16xi32>,
      tpu.vector_store %arg10[%swap3A_226], %broadcast_in_dim3A_3 {strides = array<i32>} : memref<2048xi32, #tpu.memory_space<vmem>>, vector<16xi32>,
      %swap3A_228 = arith.constant 1664 : index
      %swap3A_229 = tpu.vector_load %arg10[%swap3A_228] {strides = array<i32>} : memref<2048xi32, #tpu.memory_space<vmem>>, vector<16xi32>,
      tpu.vector_store %arg10[%swap3A_228], %broadcast_in_dim3A_3 {strides = array<i32>} : memref<2048xi32, #tpu.memory_space<vmem>>, vector<16xi32>,
      %swap3A_230 = arith.constant 1680 : index
      %swap3A_231 = tpu.vector_load %arg10[%swap3A_230] {strides = array<i32>} : memref<2048xi32, #tpu.memory_space<vmem>>, vector<16xi32>,
      tpu.vector_store %arg10[%swap3A_230], %broadcast_in_dim3A_3 {strides = array<i32>} : memref<2048xi32, #tpu.memory_space<vmem>>, vector<16xi32>,
      %swap3A_232 = arith.constant 1696 : index
      %swap3A_233 = tpu.vector_load %arg10[%swap3A_232] {strides = array<i32>} : memref<2048xi32, #tpu.memory_space<vmem>>, vector<16xi32>,
      tpu.vector_store %arg10[%swap3A_232], %broadcast_in_dim3A_3 {strides = array<i32>} : memref<2048xi32, #tpu.memory_space<vmem>>, vector<16xi32>,
      %swap3A_234 = arith.constant 1712 : index
      %swap3A_235 = tpu.vector_load %arg10[%swap3A_234] {strides = array<i32>} : memref<2048xi32, #tpu.memory_space<vmem>>, vector<16xi32>,
      tpu.vector_store %arg10[%swap3A_234], %broadcast_in_dim3A_3 {strides = array<i32>} : memref<2048xi32, #tpu.memory_space<vmem>>, vector<16xi32>,
      %swap3A_236 = arith.constant 1728 : index
      %swap3A_237 = tpu.vector_load %arg10[%swap3A_236] {strides = array<i32>} : memref<2048xi32, #tpu.memory_space<vmem>>, vector<16xi32>,
      tpu.vector_store %arg10[%swap3A_236], %broadcast_in_dim3A_3 {strides = array<i32>} : memref<2048xi32, #tpu.memory_space<vmem>>, vector<16xi32>,
      %swap3A_238 = arith.constant 1744 : index
      %swap3A_239 = tpu.vector_load %arg10[%swap3A_238] {strides = array<i32>} : memref<2048xi32, #tpu.memory_space<vmem>>, vector<16xi32>,
      tpu.vector_store %arg10[%swap3A_238], %broadcast_in_dim3A_3 {strides = array<i32>} : memref<2048xi32, #tpu.memory_space<vmem>>, vector<16xi32>,
      %swap3A_240 = arith.constant 1760 : index
      %swap3A_241 = tpu.vector_load %arg10[%swap3A_240] {strides = array<i32>} : memref<2048xi32, #tpu.memory_space<vmem>>, vector<16xi32>,
      tpu.vector_store %arg10[%swap3A_240], %broadcast_in_dim3A_3 {strides = array<i32>} : memref<2048xi32, #tpu.memory_space<vmem>>, vector<16xi32>,
      %swap3A_242 = arith.constant 1776 : index
      %swap3A_243 = tpu.vector_load %arg10[%swap3A_242] {strides = array<i32>} : memref<2048xi32, #tpu.memory_space<vmem>>, vector<16xi32>,
      tpu.vector_store %arg10[%swap3A_242], %broadcast_in_dim3A_3 {strides = array<i32>} : memref<2048xi32, #tpu.memory_space<vmem>>, vector<16xi32>,
      %swap3A_244 = arith.constant 1792 : index
      %swap3A_245 = tpu.vector_load %arg10[%swap3A_244] {strides = array<i32>} : memref<2048xi32, #tpu.memory_space<vmem>>, vector<16xi32>,
      tpu.vector_store %arg10[%swap3A_244], %broadcast_in_dim3A_3 {strides = array<i32>} : memref<2048xi32, #tpu.memory_space<vmem>>, vector<16xi32>,
      %swap3A_246 = arith.constant 1808 : index
      %swap3A_247 = tpu.vector_load %arg10[%swap3A_246] {strides = array<i32>} : memref<2048xi32, #tpu.memory_space<vmem>>, vector<16xi32>,
      tpu.vector_store %arg10[%swap3A_246], %broadcast_in_dim3A_3 {strides = array<i32>} : memref<2048xi32, #tpu.memory_space<vmem>>, vector<16xi32>,
      %swap3A_248 = arith.constant 1824 : index
      %swap3A_249 = tpu.vector_load %arg10[%swap3A_248] {strides = array<i32>} : memref<2048xi32, #tpu.memory_space<vmem>>, vector<16xi32>,
      tpu.vector_store %arg10[%swap3A_248], %broadcast_in_dim3A_3 {strides = array<i32>} : memref<2048xi32, #tpu.memory_space<vmem>>, vector<16xi32>,
      %swap3A_250 = arith.constant 1840 : index
      %swap3A_251 = tpu.vector_load %arg10[%swap3A_250] {strides = array<i32>} : memref<2048xi32, #tpu.memory_space<vmem>>, vector<16xi32>,
      tpu.vector_store %arg10[%swap3A_250], %broadcast_in_dim3A_3 {strides = array<i32>} : memref<2048xi32, #tpu.memory_space<vmem>>, vector<16xi32>,
      %swap3A_252 = arith.constant 1856 : index
      %swap3A_253 = tpu.vector_load %arg10[%swap3A_252] {strides = array<i32>} : memref<2048xi32, #tpu.memory_space<vmem>>, vector<16xi32>,
      tpu.vector_store %arg10[%swap3A_252], %broadcast_in_dim3A_3 {strides = array<i32>} : memref<2048xi32, #tpu.memory_space<vmem>>, vector<16xi32>,
      %swap3A_254 = arith.constant 1872 : index
      %swap3A_255 = tpu.vector_load %arg10[%swap3A_254] {strides = array<i32>} : memref<2048xi32, #tpu.memory_space<vmem>>, vector<16xi32>,
      tpu.vector_store %arg10[%swap3A_254], %broadcast_in_dim3A_3 {strides = array<i32>} : memref<2048xi32, #tpu.memory_space<vmem>>, vector<16xi32>,
      %swap3A_256 = arith.constant 1888 : index
      %swap3A_257 = tpu.vector_load %arg10[%swap3A_256] {strides = array<i32>} : memref<2048xi32, #tpu.memory_space<vmem>>, vector<16xi32>,
      tpu.vector_store %arg10[%swap3A_256], %broadcast_in_dim3A_3 {strides = array<i32>} : memref<2048xi32, #tpu.memory_space<vmem>>, vector<16xi32>,
      %swap3A_258 = arith.constant 1904 : index
      %swap3A_259 = tpu.vector_load %arg10[%swap3A_258] {strides = array<i32>} : memref<2048xi32, #tpu.memory_space<vmem>>, vector<16xi32>,
      tpu.vector_store %arg10[%swap3A_258], %broadcast_in_dim3A_3 {strides = array<i32>} : memref<2048xi32, #tpu.memory_space<vmem>>, vector<16xi32>,
      %swap3A_260 = arith.constant 1920 : index
      %swap3A_261 = tpu.vector_load %arg10[%swap3A_260] {strides = array<i32>} : memref<2048xi32, #tpu.memory_space<vmem>>, vector<16xi32>,
      tpu.vector_store %arg10[%swap3A_260], %broadcast_in_dim3A_3 {strides = array<i32>} : memref<2048xi32, #tpu.memory_space<vmem>>, vector<16xi32>,
      %swap3A_262 = arith.constant 1936 : index
      %swap3A_263 = tpu.vector_load %arg10[%swap3A_262] {strides = array<i32>} : memref<2048xi32, #tpu.memory_space<vmem>>, vector<16xi32>,
      tpu.vector_store %arg10[%swap3A_262], %broadcast_in_dim3A_3 {strides = array<i32>} : memref<2048xi32, #tpu.memory_space<vmem>>, vector<16xi32>,
      %swap3A_264 = arith.constant 1952 : index
      %swap3A_265 = tpu.vector_load %arg10[%swap3A_264] {strides = array<i32>} : memref<2048xi32, #tpu.memory_space<vmem>>, vector<16xi32>,
      tpu.vector_store %arg10[%swap3A_264], %broadcast_in_dim3A_3 {strides = array<i32>} : memref<2048xi32, #tpu.memory_space<vmem>>, vector<16xi32>,
      %swap3A_266 = arith.constant 1968 : index
      %swap3A_267 = tpu.vector_load %arg10[%swap3A_266] {strides = array<i32>} : memref<2048xi32, #tpu.memory_space<vmem>>, vector<16xi32>,
      tpu.vector_store %arg10[%swap3A_266], %broadcast_in_dim3A_3 {strides = array<i32>} : memref<2048xi32, #tpu.memory_space<vmem>>, vector<16xi32>,
      %swap3A_268 = arith.constant 1984 : index
      %swap3A_269 = tpu.vector_load %arg10[%swap3A_268] {strides = array<i32>} : memref<2048xi32, #tpu.memory_space<vmem>>, vector<16xi32>,
      tpu.vector_store %arg10[%swap3A_268], %broadcast_in_dim3A_3 {strides = array<i32>} : memref<2048xi32, #tpu.memory_space<vmem>>, vector<16xi32>,
      %swap3A_270 = arith.constant 2000 : index
      %swap3A_271 = tpu.vector_load %arg10[%swap3A_270] {strides = array<i32>} : memref<2048xi32, #tpu.memory_space<vmem>>, vector<16xi32>,
      tpu.vector_store %arg10[%swap3A_270], %broadcast_in_dim3A_3 {strides = array<i32>} : memref<2048xi32, #tpu.memory_space<vmem>>, vector<16xi32>,
      %swap3A_272 = arith.constant 2016 : index
      %swap3A_273 = tpu.vector_load %arg10[%swap3A_272] {strides = array<i32>} : memref<2048xi32, #tpu.memory_space<vmem>>, vector<16xi32>,
      tpu.vector_store %arg10[%swap3A_272], %broadcast_in_dim3A_3 {strides = array<i32>} : memref<2048xi32, #tpu.memory_space<vmem>>, vector<16xi32>,
      %swap3A_274 = arith.constant 2032 : index
      %swap3A_275 = tpu.vector_load %arg10[%swap3A_274] {strides = array<i32>} : memref<2048xi32, #tpu.memory_space<vmem>>, vector<16xi32>,
      tpu.vector_store %arg10[%swap3A_274], %broadcast_in_dim3A_3 {strides = array<i32>} : memref<2048xi32, #tpu.memory_space<vmem>>, vector<16xi32>,
      %scan3A_276 = arith.constant 0 : i32
      %scan3A_277 = arith.constant 0 : i32
      %scan3A_278 = arith.constant 32 : i32
      %scan3A_279 = arith.addi %scan3A_277, %scan3A_278 : i32
      %scan3A_280 = arith.constant 1 : i32
      %scan3A_281 = scf.for %scan3A_1039 = %scan3A_277 to %scan3A_279 step %scan3A_280 iter_args(%scan3A_1040 = %scan3A_276) -> (i32)  : i32 {
        %mul3A_1041 = arith.constant 8 : i32
        %mul3A_1042 = arith.muli %scan3A_1039, %mul3A_1041 : i32
        %add3A_1043 = arith.constant 0 : i32
        %add3A_1044 = arith.addi %mul3A_1042, %add3A_1043 : i32
        %mul3A_1045 = arith.constant 16 : i32
        %mul3A_1046 = arith.muli %add3A_1044, %mul3A_1045 : i32
        %get3A_1047 = arith.index_cast %mul3A_1046 : i32 to index
        %get3A_1048 = tpu.vector_load %arg5[%get3A_1047] {strides = array<i32>} : memref<4096xf32, #tpu.memory_space<vmem>>, vector<16xf32>,
        %get3A_1049 = arith.index_cast %mul3A_1046 : i32 to index
        %get3A_1050 = tpu.vector_load %arg6[%get3A_1049] {strides = array<i32>} : memref<4096xf32, #tpu.memory_space<vmem>>, vector<16xf32>,
        %add3A_1051 = arith.addf %get3A_1048, %get3A_1050 : vector<16xf32>
        %swap3A_1052 = arith.index_cast %mul3A_1046 : i32 to index
        %swap3A_1053 = tpu.vector_load %arg7[%swap3A_1052] {strides = array<i32>} : memref<4096xf32, #tpu.memory_space<vmem>>, vector<16xf32>,
        tpu.vector_store %arg7[%swap3A_1052], %add3A_1051 {strides = array<i32>} : memref<4096xf32, #tpu.memory_space<vmem>>, vector<16xf32>,
        %mul3A_1054 = arith.constant 84.7682114 : f32
        %mul3A_1055 = vector.broadcast %mul3A_1054 : f32 to vector<16xf32>
        %mul3A_1056 = arith.mulf %add3A_1051, %mul3A_1055 : vector<16xf32>
        %convert_element_type3A_1057 = arith.fptosi %mul3A_1056 : vector<16xf32> to vector<16xi32>
        %min3A = arith.constant 255 : i32
        %min3A_1058 = vector.broadcast %min3A : i32 to vector<16xi32>
        %min3A_1059 = arith.minsi %convert_element_type3A_1057, %min3A_1058 : vector<16xi32>
        %broadcast_in_dim3A_1060 = arith.constant true
        %broadcast_in_dim3A_1061 = vector.broadcast %broadcast_in_dim3A_1060 : i1 to vector<16xi1>
        %unique3A, %unique3A_1062 = tpu.scan_count mask(%broadcast_in_dim3A_1061 : vector<16xi1>) value(%min3A_1059 : vector<16xi32>) : vector<16xi1>, vector<16xi32>
        %add3A_1063 = arith.constant 0 : i32
        %add3A_1064 = vector.broadcast %add3A_1063 : i32 to vector<16xi32>
        %add3A_1065 = arith.addi %min3A_1059, %add3A_1064 : vector<16xi32>
        tpu.vector_store_idx %arg10[%add3A_1065], %unique3A_1062 masked %unique3A {add = true} : memref<2048xi32, #tpu.memory_space<vmem>>[vector<16xi32>], vector<16xi32>, vector<16xi1>
        %mul3A_1066 = arith.constant 8 : i32
        %mul3A_1067 = arith.muli %scan3A_1039, %mul3A_1066 : i32
        %add3A_1068 = arith.constant 1 : i32
        %add3A_1069 = arith.addi %mul3A_1067, %add3A_1068 : i32
        %mul3A_1070 = arith.constant 16 : i32
        %mul3A_1071 = arith.muli %add3A_1069, %mul3A_1070 : i32
        %get3A_1072 = arith.index_cast %mul3A_1071 : i32 to index
        %get3A_1073 = tpu.vector_load %arg5[%get3A_1072] {strides = array<i32>} : memref<4096xf32, #tpu.memory_space<vmem>>, vector<16xf32>,
        %get3A_1074 = arith.index_cast %mul3A_1071 : i32 to index
        %get3A_1075 = tpu.vector_load %arg6[%get3A_1074] {strides = array<i32>} : memref<4096xf32, #tpu.memory_space<vmem>>, vector<16xf32>,
        %add3A_1076 = arith.addf %get3A_1073, %get3A_1075 : vector<16xf32>
        %swap3A_1077 = arith.index_cast %mul3A_1071 : i32 to index
        %swap3A_1078 = tpu.vector_load %arg7[%swap3A_1077] {strides = array<i32>} : memref<4096xf32, #tpu.memory_space<vmem>>, vector<16xf32>,
        tpu.vector_store %arg7[%swap3A_1077], %add3A_1076 {strides = array<i32>} : memref<4096xf32, #tpu.memory_space<vmem>>, vector<16xf32>,
        %mul3A_1079 = arith.constant 84.7682114 : f32
        %mul3A_1080 = vector.broadcast %mul3A_1079 : f32 to vector<16xf32>
        %mul3A_1081 = arith.mulf %add3A_1076, %mul3A_1080 : vector<16xf32>
        %convert_element_type3A_1082 = arith.fptosi %mul3A_1081 : vector<16xf32> to vector<16xi32>
        %min3A_1083 = arith.constant 255 : i32
        %min3A_1084 = vector.broadcast %min3A_1083 : i32 to vector<16xi32>
        %min3A_1085 = arith.minsi %convert_element_type3A_1082, %min3A_1084 : vector<16xi32>
        %broadcast_in_dim3A_1086 = arith.constant true
        %broadcast_in_dim3A_1087 = vector.broadcast %broadcast_in_dim3A_1086 : i1 to vector<16xi1>
        %unique3A_1088, %unique3A_1089 = tpu.scan_count mask(%broadcast_in_dim3A_1087 : vector<16xi1>) value(%min3A_1085 : vector<16xi32>) : vector<16xi1>, vector<16xi32>
        %add3A_1090 = arith.constant 256 : i32
        %add3A_1091 = vector.broadcast %add3A_1090 : i32 to vector<16xi32>
        %add3A_1092 = arith.addi %min3A_1085, %add3A_1091 : vector<16xi32>
        tpu.vector_store_idx %arg10[%add3A_1092], %unique3A_1089 masked %unique3A_1088 {add = true} : memref<2048xi32, #tpu.memory_space<vmem>>[vector<16xi32>], vector<16xi32>, vector<16xi1>
        %mul3A_1093 = arith.constant 8 : i32
        %mul3A_1094 = arith.muli %scan3A_1039, %mul3A_1093 : i32
        %add3A_1095 = arith.constant 2 : i32
        %add3A_1096 = arith.addi %mul3A_1094, %add3A_1095 : i32
        %mul3A_1097 = arith.constant 16 : i32
        %mul3A_1098 = arith.muli %add3A_1096, %mul3A_1097 : i32
        %get3A_1099 = arith.index_cast %mul3A_1098 : i32 to index
        %get3A_1100 = tpu.vector_load %arg5[%get3A_1099] {strides = array<i32>} : memref<4096xf32, #tpu.memory_space<vmem>>, vector<16xf32>,
        %get3A_1101 = arith.index_cast %mul3A_1098 : i32 to index
        %get3A_1102 = tpu.vector_load %arg6[%get3A_1101] {strides = array<i32>} : memref<4096xf32, #tpu.memory_space<vmem>>, vector<16xf32>,
        %add3A_1103 = arith.addf %get3A_1100, %get3A_1102 : vector<16xf32>
        %swap3A_1104 = arith.index_cast %mul3A_1098 : i32 to index
        %swap3A_1105 = tpu.vector_load %arg7[%swap3A_1104] {strides = array<i32>} : memref<4096xf32, #tpu.memory_space<vmem>>, vector<16xf32>,
        tpu.vector_store %arg7[%swap3A_1104], %add3A_1103 {strides = array<i32>} : memref<4096xf32, #tpu.memory_space<vmem>>, vector<16xf32>,
        %mul3A_1106 = arith.constant 84.7682114 : f32
        %mul3A_1107 = vector.broadcast %mul3A_1106 : f32 to vector<16xf32>
        %mul3A_1108 = arith.mulf %add3A_1103, %mul3A_1107 : vector<16xf32>
        %convert_element_type3A_1109 = arith.fptosi %mul3A_1108 : vector<16xf32> to vector<16xi32>
        %min3A_1110 = arith.constant 255 : i32
        %min3A_1111 = vector.broadcast %min3A_1110 : i32 to vector<16xi32>
        %min3A_1112 = arith.minsi %convert_element_type3A_1109, %min3A_1111 : vector<16xi32>
        %broadcast_in_dim3A_1113 = arith.constant true
        %broadcast_in_dim3A_1114 = vector.broadcast %broadcast_in_dim3A_1113 : i1 to vector<16xi1>
        %unique3A_1115, %unique3A_1116 = tpu.scan_count mask(%broadcast_in_dim3A_1114 : vector<16xi1>) value(%min3A_1112 : vector<16xi32>) : vector<16xi1>, vector<16xi32>
        %add3A_1117 = arith.constant 512 : i32
        %add3A_1118 = vector.broadcast %add3A_1117 : i32 to vector<16xi32>
        %add3A_1119 = arith.addi %min3A_1112, %add3A_1118 : vector<16xi32>
        tpu.vector_store_idx %arg10[%add3A_1119], %unique3A_1116 masked %unique3A_1115 {add = true} : memref<2048xi32, #tpu.memory_space<vmem>>[vector<16xi32>], vector<16xi32>, vector<16xi1>
        %mul3A_1120 = arith.constant 8 : i32
        %mul3A_1121 = arith.muli %scan3A_1039, %mul3A_1120 : i32
        %add3A_1122 = arith.constant 3 : i32
        %add3A_1123 = arith.addi %mul3A_1121, %add3A_1122 : i32
        %mul3A_1124 = arith.constant 16 : i32
        %mul3A_1125 = arith.muli %add3A_1123, %mul3A_1124 : i32
        %get3A_1126 = arith.index_cast %mul3A_1125 : i32 to index
        %get3A_1127 = tpu.vector_load %arg5[%get3A_1126] {strides = array<i32>} : memref<4096xf32, #tpu.memory_space<vmem>>, vector<16xf32>,
        %get3A_1128 = arith.index_cast %mul3A_1125 : i32 to index
        %get3A_1129 = tpu.vector_load %arg6[%get3A_1128] {strides = array<i32>} : memref<4096xf32, #tpu.memory_space<vmem>>, vector<16xf32>,
        %add3A_1130 = arith.addf %get3A_1127, %get3A_1129 : vector<16xf32>
        %swap3A_1131 = arith.index_cast %mul3A_1125 : i32 to index
        %swap3A_1132 = tpu.vector_load %arg7[%swap3A_1131] {strides = array<i32>} : memref<4096xf32, #tpu.memory_space<vmem>>, vector<16xf32>,
        tpu.vector_store %arg7[%swap3A_1131], %add3A_1130 {strides = array<i32>} : memref<4096xf32, #tpu.memory_space<vmem>>, vector<16xf32>,
        %mul3A_1133 = arith.constant 84.7682114 : f32
        %mul3A_1134 = vector.broadcast %mul3A_1133 : f32 to vector<16xf32>
        %mul3A_1135 = arith.mulf %add3A_1130, %mul3A_1134 : vector<16xf32>
        %convert_element_type3A_1136 = arith.fptosi %mul3A_1135 : vector<16xf32> to vector<16xi32>
        %min3A_1137 = arith.constant 255 : i32
        %min3A_1138 = vector.broadcast %min3A_1137 : i32 to vector<16xi32>
        %min3A_1139 = arith.minsi %convert_element_type3A_1136, %min3A_1138 : vector<16xi32>
        %broadcast_in_dim3A_1140 = arith.constant true
        %broadcast_in_dim3A_1141 = vector.broadcast %broadcast_in_dim3A_1140 : i1 to vector<16xi1>
        %unique3A_1142, %unique3A_1143 = tpu.scan_count mask(%broadcast_in_dim3A_1141 : vector<16xi1>) value(%min3A_1139 : vector<16xi32>) : vector<16xi1>, vector<16xi32>
        %add3A_1144 = arith.constant 768 : i32
        %add3A_1145 = vector.broadcast %add3A_1144 : i32 to vector<16xi32>
        %add3A_1146 = arith.addi %min3A_1139, %add3A_1145 : vector<16xi32>
        tpu.vector_store_idx %arg10[%add3A_1146], %unique3A_1143 masked %unique3A_1142 {add = true} : memref<2048xi32, #tpu.memory_space<vmem>>[vector<16xi32>], vector<16xi32>, vector<16xi1>
        %mul3A_1147 = arith.constant 8 : i32
        %mul3A_1148 = arith.muli %scan3A_1039, %mul3A_1147 : i32
        %add3A_1149 = arith.constant 4 : i32
        %add3A_1150 = arith.addi %mul3A_1148, %add3A_1149 : i32
        %mul3A_1151 = arith.constant 16 : i32
        %mul3A_1152 = arith.muli %add3A_1150, %mul3A_1151 : i32
        %get3A_1153 = arith.index_cast %mul3A_1152 : i32 to index
        %get3A_1154 = tpu.vector_load %arg5[%get3A_1153] {strides = array<i32>} : memref<4096xf32, #tpu.memory_space<vmem>>, vector<16xf32>,
        %get3A_1155 = arith.index_cast %mul3A_1152 : i32 to index
        %get3A_1156 = tpu.vector_load %arg6[%get3A_1155] {strides = array<i32>} : memref<4096xf32, #tpu.memory_space<vmem>>, vector<16xf32>,
        %add3A_1157 = arith.addf %get3A_1154, %get3A_1156 : vector<16xf32>
        %swap3A_1158 = arith.index_cast %mul3A_1152 : i32 to index
        %swap3A_1159 = tpu.vector_load %arg7[%swap3A_1158] {strides = array<i32>} : memref<4096xf32, #tpu.memory_space<vmem>>, vector<16xf32>,
        tpu.vector_store %arg7[%swap3A_1158], %add3A_1157 {strides = array<i32>} : memref<4096xf32, #tpu.memory_space<vmem>>, vector<16xf32>,
        %mul3A_1160 = arith.constant 84.7682114 : f32
        %mul3A_1161 = vector.broadcast %mul3A_1160 : f32 to vector<16xf32>
        %mul3A_1162 = arith.mulf %add3A_1157, %mul3A_1161 : vector<16xf32>
        %convert_element_type3A_1163 = arith.fptosi %mul3A_1162 : vector<16xf32> to vector<16xi32>
        %min3A_1164 = arith.constant 255 : i32
        %min3A_1165 = vector.broadcast %min3A_1164 : i32 to vector<16xi32>
        %min3A_1166 = arith.minsi %convert_element_type3A_1163, %min3A_1165 : vector<16xi32>
        %broadcast_in_dim3A_1167 = arith.constant true
        %broadcast_in_dim3A_1168 = vector.broadcast %broadcast_in_dim3A_1167 : i1 to vector<16xi1>
        %unique3A_1169, %unique3A_1170 = tpu.scan_count mask(%broadcast_in_dim3A_1168 : vector<16xi1>) value(%min3A_1166 : vector<16xi32>) : vector<16xi1>, vector<16xi32>
        %add3A_1171 = arith.constant 1024 : i32
        %add3A_1172 = vector.broadcast %add3A_1171 : i32 to vector<16xi32>
        %add3A_1173 = arith.addi %min3A_1166, %add3A_1172 : vector<16xi32>
        tpu.vector_store_idx %arg10[%add3A_1173], %unique3A_1170 masked %unique3A_1169 {add = true} : memref<2048xi32, #tpu.memory_space<vmem>>[vector<16xi32>], vector<16xi32>, vector<16xi1>
        %mul3A_1174 = arith.constant 8 : i32
        %mul3A_1175 = arith.muli %scan3A_1039, %mul3A_1174 : i32
        %add3A_1176 = arith.constant 5 : i32
        %add3A_1177 = arith.addi %mul3A_1175, %add3A_1176 : i32
        %mul3A_1178 = arith.constant 16 : i32
        %mul3A_1179 = arith.muli %add3A_1177, %mul3A_1178 : i32
        %get3A_1180 = arith.index_cast %mul3A_1179 : i32 to index
        %get3A_1181 = tpu.vector_load %arg5[%get3A_1180] {strides = array<i32>} : memref<4096xf32, #tpu.memory_space<vmem>>, vector<16xf32>,
        %get3A_1182 = arith.index_cast %mul3A_1179 : i32 to index
        %get3A_1183 = tpu.vector_load %arg6[%get3A_1182] {strides = array<i32>} : memref<4096xf32, #tpu.memory_space<vmem>>, vector<16xf32>,
        %add3A_1184 = arith.addf %get3A_1181, %get3A_1183 : vector<16xf32>
        %swap3A_1185 = arith.index_cast %mul3A_1179 : i32 to index
        %swap3A_1186 = tpu.vector_load %arg7[%swap3A_1185] {strides = array<i32>} : memref<4096xf32, #tpu.memory_space<vmem>>, vector<16xf32>,
        tpu.vector_store %arg7[%swap3A_1185], %add3A_1184 {strides = array<i32>} : memref<4096xf32, #tpu.memory_space<vmem>>, vector<16xf32>,
        %mul3A_1187 = arith.constant 84.7682114 : f32
        %mul3A_1188 = vector.broadcast %mul3A_1187 : f32 to vector<16xf32>
        %mul3A_1189 = arith.mulf %add3A_1184, %mul3A_1188 : vector<16xf32>
        %convert_element_type3A_1190 = arith.fptosi %mul3A_1189 : vector<16xf32> to vector<16xi32>
        %min3A_1191 = arith.constant 255 : i32
        %min3A_1192 = vector.broadcast %min3A_1191 : i32 to vector<16xi32>
        %min3A_1193 = arith.minsi %convert_element_type3A_1190, %min3A_1192 : vector<16xi32>
        %broadcast_in_dim3A_1194 = arith.constant true
        %broadcast_in_dim3A_1195 = vector.broadcast %broadcast_in_dim3A_1194 : i1 to vector<16xi1>
        %unique3A_1196, %unique3A_1197 = tpu.scan_count mask(%broadcast_in_dim3A_1195 : vector<16xi1>) value(%min3A_1193 : vector<16xi32>) : vector<16xi1>, vector<16xi32>
        %add3A_1198 = arith.constant 1280 : i32
        %add3A_1199 = vector.broadcast %add3A_1198 : i32 to vector<16xi32>
        %add3A_1200 = arith.addi %min3A_1193, %add3A_1199 : vector<16xi32>
        tpu.vector_store_idx %arg10[%add3A_1200], %unique3A_1197 masked %unique3A_1196 {add = true} : memref<2048xi32, #tpu.memory_space<vmem>>[vector<16xi32>], vector<16xi32>, vector<16xi1>
        %mul3A_1201 = arith.constant 8 : i32
        %mul3A_1202 = arith.muli %scan3A_1039, %mul3A_1201 : i32
        %add3A_1203 = arith.constant 6 : i32
        %add3A_1204 = arith.addi %mul3A_1202, %add3A_1203 : i32
        %mul3A_1205 = arith.constant 16 : i32
        %mul3A_1206 = arith.muli %add3A_1204, %mul3A_1205 : i32
        %get3A_1207 = arith.index_cast %mul3A_1206 : i32 to index
        %get3A_1208 = tpu.vector_load %arg5[%get3A_1207] {strides = array<i32>} : memref<4096xf32, #tpu.memory_space<vmem>>, vector<16xf32>,
        %get3A_1209 = arith.index_cast %mul3A_1206 : i32 to index
        %get3A_1210 = tpu.vector_load %arg6[%get3A_1209] {strides = array<i32>} : memref<4096xf32, #tpu.memory_space<vmem>>, vector<16xf32>,
        %add3A_1211 = arith.addf %get3A_1208, %get3A_1210 : vector<16xf32>
        %swap3A_1212 = arith.index_cast %mul3A_1206 : i32 to index
        %swap3A_1213 = tpu.vector_load %arg7[%swap3A_1212] {strides = array<i32>} : memref<4096xf32, #tpu.memory_space<vmem>>, vector<16xf32>,
        tpu.vector_store %arg7[%swap3A_1212], %add3A_1211 {strides = array<i32>} : memref<4096xf32, #tpu.memory_space<vmem>>, vector<16xf32>,
        %mul3A_1214 = arith.constant 84.7682114 : f32
        %mul3A_1215 = vector.broadcast %mul3A_1214 : f32 to vector<16xf32>
        %mul3A_1216 = arith.mulf %add3A_1211, %mul3A_1215 : vector<16xf32>
        %convert_element_type3A_1217 = arith.fptosi %mul3A_1216 : vector<16xf32> to vector<16xi32>
        %min3A_1218 = arith.constant 255 : i32
        %min3A_1219 = vector.broadcast %min3A_1218 : i32 to vector<16xi32>
        %min3A_1220 = arith.minsi %convert_element_type3A_1217, %min3A_1219 : vector<16xi32>
        %broadcast_in_dim3A_1221 = arith.constant true
        %broadcast_in_dim3A_1222 = vector.broadcast %broadcast_in_dim3A_1221 : i1 to vector<16xi1>
        %unique3A_1223, %unique3A_1224 = tpu.scan_count mask(%broadcast_in_dim3A_1222 : vector<16xi1>) value(%min3A_1220 : vector<16xi32>) : vector<16xi1>, vector<16xi32>
        %add3A_1225 = arith.constant 1536 : i32
        %add3A_1226 = vector.broadcast %add3A_1225 : i32 to vector<16xi32>
        %add3A_1227 = arith.addi %min3A_1220, %add3A_1226 : vector<16xi32>
        tpu.vector_store_idx %arg10[%add3A_1227], %unique3A_1224 masked %unique3A_1223 {add = true} : memref<2048xi32, #tpu.memory_space<vmem>>[vector<16xi32>], vector<16xi32>, vector<16xi1>
        %mul3A_1228 = arith.constant 8 : i32
        %mul3A_1229 = arith.muli %scan3A_1039, %mul3A_1228 : i32
        %add3A_1230 = arith.constant 7 : i32
        %add3A_1231 = arith.addi %mul3A_1229, %add3A_1230 : i32
        %mul3A_1232 = arith.constant 16 : i32
        %mul3A_1233 = arith.muli %add3A_1231, %mul3A_1232 : i32
        %get3A_1234 = arith.index_cast %mul3A_1233 : i32 to index
        %get3A_1235 = tpu.vector_load %arg5[%get3A_1234] {strides = array<i32>} : memref<4096xf32, #tpu.memory_space<vmem>>, vector<16xf32>,
        %get3A_1236 = arith.index_cast %mul3A_1233 : i32 to index
        %get3A_1237 = tpu.vector_load %arg6[%get3A_1236] {strides = array<i32>} : memref<4096xf32, #tpu.memory_space<vmem>>, vector<16xf32>,
        %add3A_1238 = arith.addf %get3A_1235, %get3A_1237 : vector<16xf32>
        %swap3A_1239 = arith.index_cast %mul3A_1233 : i32 to index
        %swap3A_1240 = tpu.vector_load %arg7[%swap3A_1239] {strides = array<i32>} : memref<4096xf32, #tpu.memory_space<vmem>>, vector<16xf32>,
        tpu.vector_store %arg7[%swap3A_1239], %add3A_1238 {strides = array<i32>} : memref<4096xf32, #tpu.memory_space<vmem>>, vector<16xf32>,
        %mul3A_1241 = arith.constant 84.7682114 : f32
        %mul3A_1242 = vector.broadcast %mul3A_1241 : f32 to vector<16xf32>
        %mul3A_1243 = arith.mulf %add3A_1238, %mul3A_1242 : vector<16xf32>
        %convert_element_type3A_1244 = arith.fptosi %mul3A_1243 : vector<16xf32> to vector<16xi32>
        %min3A_1245 = arith.constant 255 : i32
        %min3A_1246 = vector.broadcast %min3A_1245 : i32 to vector<16xi32>
        %min3A_1247 = arith.minsi %convert_element_type3A_1244, %min3A_1246 : vector<16xi32>
        %broadcast_in_dim3A_1248 = arith.constant true
        %broadcast_in_dim3A_1249 = vector.broadcast %broadcast_in_dim3A_1248 : i1 to vector<16xi1>
        %unique3A_1250, %unique3A_1251 = tpu.scan_count mask(%broadcast_in_dim3A_1249 : vector<16xi1>) value(%min3A_1247 : vector<16xi32>) : vector<16xi1>, vector<16xi32>
        %add3A_1252 = arith.constant 1792 : i32
        %add3A_1253 = vector.broadcast %add3A_1252 : i32 to vector<16xi32>
        %add3A_1254 = arith.addi %min3A_1247, %add3A_1253 : vector<16xi32>
        tpu.vector_store_idx %arg10[%add3A_1254], %unique3A_1251 masked %unique3A_1250 {add = true} : memref<2048xi32, #tpu.memory_space<vmem>>[vector<16xi32>], vector<16xi32>, vector<16xi1>
        %scan3A_1255 = arith.constant 0 : i32
        scf.yield %scan3A_1255 : i32
      }
      %scan3A_282 = arith.constant 32 : i32
      %get3A = arith.constant 0 : index
      %get3A_283 = tpu.vector_load %arg10[%get3A] {strides = array<i32>} : memref<2048xi32, #tpu.memory_space<vmem>>, vector<16xi32>,
      %get3A_284 = arith.constant 256 : index
      %get3A_285 = tpu.vector_load %arg10[%get3A_284] {strides = array<i32>} : memref<2048xi32, #tpu.memory_space<vmem>>, vector<16xi32>,
      %add3A_286 = arith.addi %get3A_283, %get3A_285 : vector<16xi32>
      %get3A_287 = arith.constant 512 : index
      %get3A_288 = tpu.vector_load %arg10[%get3A_287] {strides = array<i32>} : memref<2048xi32, #tpu.memory_space<vmem>>, vector<16xi32>,
      %add3A_289 = arith.addi %add3A_286, %get3A_288 : vector<16xi32>
      %get3A_290 = arith.constant 768 : index
      %get3A_291 = tpu.vector_load %arg10[%get3A_290] {strides = array<i32>} : memref<2048xi32, #tpu.memory_space<vmem>>, vector<16xi32>,
      %add3A_292 = arith.addi %add3A_289, %get3A_291 : vector<16xi32>
      %get3A_293 = arith.constant 1024 : index
      %get3A_294 = tpu.vector_load %arg10[%get3A_293] {strides = array<i32>} : memref<2048xi32, #tpu.memory_space<vmem>>, vector<16xi32>,
      %add3A_295 = arith.addi %add3A_292, %get3A_294 : vector<16xi32>
      %get3A_296 = arith.constant 1280 : index
      %get3A_297 = tpu.vector_load %arg10[%get3A_296] {strides = array<i32>} : memref<2048xi32, #tpu.memory_space<vmem>>, vector<16xi32>,
      %add3A_298 = arith.addi %add3A_295, %get3A_297 : vector<16xi32>
      %get3A_299 = arith.constant 1536 : index
      %get3A_300 = tpu.vector_load %arg10[%get3A_299] {strides = array<i32>} : memref<2048xi32, #tpu.memory_space<vmem>>, vector<16xi32>,
      %add3A_301 = arith.addi %add3A_298, %get3A_300 : vector<16xi32>
      %get3A_302 = arith.constant 1792 : index
      %get3A_303 = tpu.vector_load %arg10[%get3A_302] {strides = array<i32>} : memref<2048xi32, #tpu.memory_space<vmem>>, vector<16xi32>,
      %add3A_304 = arith.addi %add3A_301, %get3A_303 : vector<16xi32>
      %get3A_305 = arith.constant 16 : index
      %get3A_306 = tpu.vector_load %arg10[%get3A_305] {strides = array<i32>} : memref<2048xi32, #tpu.memory_space<vmem>>, vector<16xi32>,
      %get3A_307 = arith.constant 272 : index
      %get3A_308 = tpu.vector_load %arg10[%get3A_307] {strides = array<i32>} : memref<2048xi32, #tpu.memory_space<vmem>>, vector<16xi32>,
      %add3A_309 = arith.addi %get3A_306, %get3A_308 : vector<16xi32>
      %get3A_310 = arith.constant 528 : index
      %get3A_311 = tpu.vector_load %arg10[%get3A_310] {strides = array<i32>} : memref<2048xi32, #tpu.memory_space<vmem>>, vector<16xi32>,
      %add3A_312 = arith.addi %add3A_309, %get3A_311 : vector<16xi32>
      %get3A_313 = arith.constant 784 : index
      %get3A_314 = tpu.vector_load %arg10[%get3A_313] {strides = array<i32>} : memref<2048xi32, #tpu.memory_space<vmem>>, vector<16xi32>,
      %add3A_315 = arith.addi %add3A_312, %get3A_314 : vector<16xi32>
      %get3A_316 = arith.constant 1040 : index
      %get3A_317 = tpu.vector_load %arg10[%get3A_316] {strides = array<i32>} : memref<2048xi32, #tpu.memory_space<vmem>>, vector<16xi32>,
      %add3A_318 = arith.addi %add3A_315, %get3A_317 : vector<16xi32>
      %get3A_319 = arith.constant 1296 : index
      %get3A_320 = tpu.vector_load %arg10[%get3A_319] {strides = array<i32>} : memref<2048xi32, #tpu.memory_space<vmem>>, vector<16xi32>,
      %add3A_321 = arith.addi %add3A_318, %get3A_320 : vector<16xi32>
      %get3A_322 = arith.constant 1552 : index
      %get3A_323 = tpu.vector_load %arg10[%get3A_322] {strides = array<i32>} : memref<2048xi32, #tpu.memory_space<vmem>>, vector<16xi32>,
      %add3A_324 = arith.addi %add3A_321, %get3A_323 : vector<16xi32>
      %get3A_325 = arith.constant 1808 : index
      %get3A_326 = tpu.vector_load %arg10[%get3A_325] {strides = array<i32>} : memref<2048xi32, #tpu.memory_space<vmem>>, vector<16xi32>,
      %add3A_327 = arith.addi %add3A_324, %get3A_326 : vector<16xi32>
      %get3A_328 = arith.constant 32 : index
      %get3A_329 = tpu.vector_load %arg10[%get3A_328] {strides = array<i32>} : memref<2048xi32, #tpu.memory_space<vmem>>, vector<16xi32>,
      %get3A_330 = arith.constant 288 : index
      %get3A_331 = tpu.vector_load %arg10[%get3A_330] {strides = array<i32>} : memref<2048xi32, #tpu.memory_space<vmem>>, vector<16xi32>,
      %add3A_332 = arith.addi %get3A_329, %get3A_331 : vector<16xi32>
      %get3A_333 = arith.constant 544 : index
      %get3A_334 = tpu.vector_load %arg10[%get3A_333] {strides = array<i32>} : memref<2048xi32, #tpu.memory_space<vmem>>, vector<16xi32>,
      %add3A_335 = arith.addi %add3A_332, %get3A_334 : vector<16xi32>
      %get3A_336 = arith.constant 800 : index
      %get3A_337 = tpu.vector_load %arg10[%get3A_336] {strides = array<i32>} : memref<2048xi32, #tpu.memory_space<vmem>>, vector<16xi32>,
      %add3A_338 = arith.addi %add3A_335, %get3A_337 : vector<16xi32>
      %get3A_339 = arith.constant 1056 : index
      %get3A_340 = tpu.vector_load %arg10[%get3A_339] {strides = array<i32>} : memref<2048xi32, #tpu.memory_space<vmem>>, vector<16xi32>,
      %add3A_341 = arith.addi %add3A_338, %get3A_340 : vector<16xi32>
      %get3A_342 = arith.constant 1312 : index
      %get3A_343 = tpu.vector_load %arg10[%get3A_342] {strides = array<i32>} : memref<2048xi32, #tpu.memory_space<vmem>>, vector<16xi32>,
      %add3A_344 = arith.addi %add3A_341, %get3A_343 : vector<16xi32>
      %get3A_345 = arith.constant 1568 : index
      %get3A_346 = tpu.vector_load %arg10[%get3A_345] {strides = array<i32>} : memref<2048xi32, #tpu.memory_space<vmem>>, vector<16xi32>,
      %add3A_347 = arith.addi %add3A_344, %get3A_346 : vector<16xi32>
      %get3A_348 = arith.constant 1824 : index
      %get3A_349 = tpu.vector_load %arg10[%get3A_348] {strides = array<i32>} : memref<2048xi32, #tpu.memory_space<vmem>>, vector<16xi32>,
      %add3A_350 = arith.addi %add3A_347, %get3A_349 : vector<16xi32>
      %get3A_351 = arith.constant 48 : index
      %get3A_352 = tpu.vector_load %arg10[%get3A_351] {strides = array<i32>} : memref<2048xi32, #tpu.memory_space<vmem>>, vector<16xi32>,
      %get3A_353 = arith.constant 304 : index
      %get3A_354 = tpu.vector_load %arg10[%get3A_353] {strides = array<i32>} : memref<2048xi32, #tpu.memory_space<vmem>>, vector<16xi32>,
      %add3A_355 = arith.addi %get3A_352, %get3A_354 : vector<16xi32>
      %get3A_356 = arith.constant 560 : index
      %get3A_357 = tpu.vector_load %arg10[%get3A_356] {strides = array<i32>} : memref<2048xi32, #tpu.memory_space<vmem>>, vector<16xi32>,
      %add3A_358 = arith.addi %add3A_355, %get3A_357 : vector<16xi32>
      %get3A_359 = arith.constant 816 : index
      %get3A_360 = tpu.vector_load %arg10[%get3A_359] {strides = array<i32>} : memref<2048xi32, #tpu.memory_space<vmem>>, vector<16xi32>,
      %add3A_361 = arith.addi %add3A_358, %get3A_360 : vector<16xi32>
      %get3A_362 = arith.constant 1072 : index
      %get3A_363 = tpu.vector_load %arg10[%get3A_362] {strides = array<i32>} : memref<2048xi32, #tpu.memory_space<vmem>>, vector<16xi32>,
      %add3A_364 = arith.addi %add3A_361, %get3A_363 : vector<16xi32>
      %get3A_365 = arith.constant 1328 : index
      %get3A_366 = tpu.vector_load %arg10[%get3A_365] {strides = array<i32>} : memref<2048xi32, #tpu.memory_space<vmem>>, vector<16xi32>,
      %add3A_367 = arith.addi %add3A_364, %get3A_366 : vector<16xi32>
      %get3A_368 = arith.constant 1584 : index
      %get3A_369 = tpu.vector_load %arg10[%get3A_368] {strides = array<i32>} : memref<2048xi32, #tpu.memory_space<vmem>>, vector<16xi32>,
      %add3A_370 = arith.addi %add3A_367, %get3A_369 : vector<16xi32>
      %get3A_371 = arith.constant 1840 : index
      %get3A_372 = tpu.vector_load %arg10[%get3A_371] {strides = array<i32>} : memref<2048xi32, #tpu.memory_space<vmem>>, vector<16xi32>,
      %add3A_373 = arith.addi %add3A_370, %get3A_372 : vector<16xi32>
      %get3A_374 = arith.constant 64 : index
      %get3A_375 = tpu.vector_load %arg10[%get3A_374] {strides = array<i32>} : memref<2048xi32, #tpu.memory_space<vmem>>, vector<16xi32>,
      %get3A_376 = arith.constant 320 : index
      %get3A_377 = tpu.vector_load %arg10[%get3A_376] {strides = array<i32>} : memref<2048xi32, #tpu.memory_space<vmem>>, vector<16xi32>,
      %add3A_378 = arith.addi %get3A_375, %get3A_377 : vector<16xi32>
      %get3A_379 = arith.constant 576 : index
      %get3A_380 = tpu.vector_load %arg10[%get3A_379] {strides = array<i32>} : memref<2048xi32, #tpu.memory_space<vmem>>, vector<16xi32>,
      %add3A_381 = arith.addi %add3A_378, %get3A_380 : vector<16xi32>
      %get3A_382 = arith.constant 832 : index
      %get3A_383 = tpu.vector_load %arg10[%get3A_382] {strides = array<i32>} : memref<2048xi32, #tpu.memory_space<vmem>>, vector<16xi32>,
      %add3A_384 = arith.addi %add3A_381, %get3A_383 : vector<16xi32>
      %get3A_385 = arith.constant 1088 : index
      %get3A_386 = tpu.vector_load %arg10[%get3A_385] {strides = array<i32>} : memref<2048xi32, #tpu.memory_space<vmem>>, vector<16xi32>,
      %add3A_387 = arith.addi %add3A_384, %get3A_386 : vector<16xi32>
      %get3A_388 = arith.constant 1344 : index
      %get3A_389 = tpu.vector_load %arg10[%get3A_388] {strides = array<i32>} : memref<2048xi32, #tpu.memory_space<vmem>>, vector<16xi32>,
      %add3A_390 = arith.addi %add3A_387, %get3A_389 : vector<16xi32>
      %get3A_391 = arith.constant 1600 : index
      %get3A_392 = tpu.vector_load %arg10[%get3A_391] {strides = array<i32>} : memref<2048xi32, #tpu.memory_space<vmem>>, vector<16xi32>,
      %add3A_393 = arith.addi %add3A_390, %get3A_392 : vector<16xi32>
      %get3A_394 = arith.constant 1856 : index
      %get3A_395 = tpu.vector_load %arg10[%get3A_394] {strides = array<i32>} : memref<2048xi32, #tpu.memory_space<vmem>>, vector<16xi32>,
      %add3A_396 = arith.addi %add3A_393, %get3A_395 : vector<16xi32>
      %get3A_397 = arith.constant 80 : index
      %get3A_398 = tpu.vector_load %arg10[%get3A_397] {strides = array<i32>} : memref<2048xi32, #tpu.memory_space<vmem>>, vector<16xi32>,
      %get3A_399 = arith.constant 336 : index
      %get3A_400 = tpu.vector_load %arg10[%get3A_399] {strides = array<i32>} : memref<2048xi32, #tpu.memory_space<vmem>>, vector<16xi32>,
      %add3A_401 = arith.addi %get3A_398, %get3A_400 : vector<16xi32>
      %get3A_402 = arith.constant 592 : index
      %get3A_403 = tpu.vector_load %arg10[%get3A_402] {strides = array<i32>} : memref<2048xi32, #tpu.memory_space<vmem>>, vector<16xi32>,
      %add3A_404 = arith.addi %add3A_401, %get3A_403 : vector<16xi32>
      %get3A_405 = arith.constant 848 : index
      %get3A_406 = tpu.vector_load %arg10[%get3A_405] {strides = array<i32>} : memref<2048xi32, #tpu.memory_space<vmem>>, vector<16xi32>,
      %add3A_407 = arith.addi %add3A_404, %get3A_406 : vector<16xi32>
      %get3A_408 = arith.constant 1104 : index
      %get3A_409 = tpu.vector_load %arg10[%get3A_408] {strides = array<i32>} : memref<2048xi32, #tpu.memory_space<vmem>>, vector<16xi32>,
      %add3A_410 = arith.addi %add3A_407, %get3A_409 : vector<16xi32>
      %get3A_411 = arith.constant 1360 : index
      %get3A_412 = tpu.vector_load %arg10[%get3A_411] {strides = array<i32>} : memref<2048xi32, #tpu.memory_space<vmem>>, vector<16xi32>,
      %add3A_413 = arith.addi %add3A_410, %get3A_412 : vector<16xi32>
      %get3A_414 = arith.constant 1616 : index
      %get3A_415 = tpu.vector_load %arg10[%get3A_414] {strides = array<i32>} : memref<2048xi32, #tpu.memory_space<vmem>>, vector<16xi32>,
      %add3A_416 = arith.addi %add3A_413, %get3A_415 : vector<16xi32>
      %get3A_417 = arith.constant 1872 : index
      %get3A_418 = tpu.vector_load %arg10[%get3A_417] {strides = array<i32>} : memref<2048xi32, #tpu.memory_space<vmem>>, vector<16xi32>,
      %add3A_419 = arith.addi %add3A_416, %get3A_418 : vector<16xi32>
      %get3A_420 = arith.constant 96 : index
      %get3A_421 = tpu.vector_load %arg10[%get3A_420] {strides = array<i32>} : memref<2048xi32, #tpu.memory_space<vmem>>, vector<16xi32>,
      %get3A_422 = arith.constant 352 : index
      %get3A_423 = tpu.vector_load %arg10[%get3A_422] {strides = array<i32>} : memref<2048xi32, #tpu.memory_space<vmem>>, vector<16xi32>,
      %add3A_424 = arith.addi %get3A_421, %get3A_423 : vector<16xi32>
      %get3A_425 = arith.constant 608 : index
      %get3A_426 = tpu.vector_load %arg10[%get3A_425] {strides = array<i32>} : memref<2048xi32, #tpu.memory_space<vmem>>, vector<16xi32>,
      %add3A_427 = arith.addi %add3A_424, %get3A_426 : vector<16xi32>
      %get3A_428 = arith.constant 864 : index
      %get3A_429 = tpu.vector_load %arg10[%get3A_428] {strides = array<i32>} : memref<2048xi32, #tpu.memory_space<vmem>>, vector<16xi32>,
      %add3A_430 = arith.addi %add3A_427, %get3A_429 : vector<16xi32>
      %get3A_431 = arith.constant 1120 : index
      %get3A_432 = tpu.vector_load %arg10[%get3A_431] {strides = array<i32>} : memref<2048xi32, #tpu.memory_space<vmem>>, vector<16xi32>,
      %add3A_433 = arith.addi %add3A_430, %get3A_432 : vector<16xi32>
      %get3A_434 = arith.constant 1376 : index
      %get3A_435 = tpu.vector_load %arg10[%get3A_434] {strides = array<i32>} : memref<2048xi32, #tpu.memory_space<vmem>>, vector<16xi32>,
      %add3A_436 = arith.addi %add3A_433, %get3A_435 : vector<16xi32>
      %get3A_437 = arith.constant 1632 : index
      %get3A_438 = tpu.vector_load %arg10[%get3A_437] {strides = array<i32>} : memref<2048xi32, #tpu.memory_space<vmem>>, vector<16xi32>,
      %add3A_439 = arith.addi %add3A_436, %get3A_438 : vector<16xi32>
      %get3A_440 = arith.constant 1888 : index
      %get3A_441 = tpu.vector_load %arg10[%get3A_440] {strides = array<i32>} : memref<2048xi32, #tpu.memory_space<vmem>>, vector<16xi32>,
      %add3A_442 = arith.addi %add3A_439, %get3A_441 : vector<16xi32>
      %get3A_443 = arith.constant 112 : index
      %get3A_444 = tpu.vector_load %arg10[%get3A_443] {strides = array<i32>} : memref<2048xi32, #tpu.memory_space<vmem>>, vector<16xi32>,
      %get3A_445 = arith.constant 368 : index
      %get3A_446 = tpu.vector_load %arg10[%get3A_445] {strides = array<i32>} : memref<2048xi32, #tpu.memory_space<vmem>>, vector<16xi32>,
      %add3A_447 = arith.addi %get3A_444, %get3A_446 : vector<16xi32>
      %get3A_448 = arith.constant 624 : index
      %get3A_449 = tpu.vector_load %arg10[%get3A_448] {strides = array<i32>} : memref<2048xi32, #tpu.memory_space<vmem>>, vector<16xi32>,
      %add3A_450 = arith.addi %add3A_447, %get3A_449 : vector<16xi32>
      %get3A_451 = arith.constant 880 : index
      %get3A_452 = tpu.vector_load %arg10[%get3A_451] {strides = array<i32>} : memref<2048xi32, #tpu.memory_space<vmem>>, vector<16xi32>,
      %add3A_453 = arith.addi %add3A_450, %get3A_452 : vector<16xi32>
      %get3A_454 = arith.constant 1136 : index
      %get3A_455 = tpu.vector_load %arg10[%get3A_454] {strides = array<i32>} : memref<2048xi32, #tpu.memory_space<vmem>>, vector<16xi32>,
      %add3A_456 = arith.addi %add3A_453, %get3A_455 : vector<16xi32>
      %get3A_457 = arith.constant 1392 : index
      %get3A_458 = tpu.vector_load %arg10[%get3A_457] {strides = array<i32>} : memref<2048xi32, #tpu.memory_space<vmem>>, vector<16xi32>,
      %add3A_459 = arith.addi %add3A_456, %get3A_458 : vector<16xi32>
      %get3A_460 = arith.constant 1648 : index
      %get3A_461 = tpu.vector_load %arg10[%get3A_460] {strides = array<i32>} : memref<2048xi32, #tpu.memory_space<vmem>>, vector<16xi32>,
      %add3A_462 = arith.addi %add3A_459, %get3A_461 : vector<16xi32>
      %get3A_463 = arith.constant 1904 : index
      %get3A_464 = tpu.vector_load %arg10[%get3A_463] {strides = array<i32>} : memref<2048xi32, #tpu.memory_space<vmem>>, vector<16xi32>,
      %add3A_465 = arith.addi %add3A_462, %get3A_464 : vector<16xi32>
      %get3A_466 = arith.constant 128 : index
      %get3A_467 = tpu.vector_load %arg10[%get3A_466] {strides = array<i32>} : memref<2048xi32, #tpu.memory_space<vmem>>, vector<16xi32>,
      %get3A_468 = arith.constant 384 : index
      %get3A_469 = tpu.vector_load %arg10[%get3A_468] {strides = array<i32>} : memref<2048xi32, #tpu.memory_space<vmem>>, vector<16xi32>,
      %add3A_470 = arith.addi %get3A_467, %get3A_469 : vector<16xi32>
      %get3A_471 = arith.constant 640 : index
      %get3A_472 = tpu.vector_load %arg10[%get3A_471] {strides = array<i32>} : memref<2048xi32, #tpu.memory_space<vmem>>, vector<16xi32>,
      %add3A_473 = arith.addi %add3A_470, %get3A_472 : vector<16xi32>
      %get3A_474 = arith.constant 896 : index
      %get3A_475 = tpu.vector_load %arg10[%get3A_474] {strides = array<i32>} : memref<2048xi32, #tpu.memory_space<vmem>>, vector<16xi32>,
      %add3A_476 = arith.addi %add3A_473, %get3A_475 : vector<16xi32>
      %get3A_477 = arith.constant 1152 : index
      %get3A_478 = tpu.vector_load %arg10[%get3A_477] {strides = array<i32>} : memref<2048xi32, #tpu.memory_space<vmem>>, vector<16xi32>,
      %add3A_479 = arith.addi %add3A_476, %get3A_478 : vector<16xi32>
      %get3A_480 = arith.constant 1408 : index
      %get3A_481 = tpu.vector_load %arg10[%get3A_480] {strides = array<i32>} : memref<2048xi32, #tpu.memory_space<vmem>>, vector<16xi32>,
      %add3A_482 = arith.addi %add3A_479, %get3A_481 : vector<16xi32>
      %get3A_483 = arith.constant 1664 : index
      %get3A_484 = tpu.vector_load %arg10[%get3A_483] {strides = array<i32>} : memref<2048xi32, #tpu.memory_space<vmem>>, vector<16xi32>,
      %add3A_485 = arith.addi %add3A_482, %get3A_484 : vector<16xi32>
      %get3A_486 = arith.constant 1920 : index
      %get3A_487 = tpu.vector_load %arg10[%get3A_486] {strides = array<i32>} : memref<2048xi32, #tpu.memory_space<vmem>>, vector<16xi32>,
      %add3A_488 = arith.addi %add3A_485, %get3A_487 : vector<16xi32>
      %get3A_489 = arith.constant 144 : index
      %get3A_490 = tpu.vector_load %arg10[%get3A_489] {strides = array<i32>} : memref<2048xi32, #tpu.memory_space<vmem>>, vector<16xi32>,
      %get3A_491 = arith.constant 400 : index
      %get3A_492 = tpu.vector_load %arg10[%get3A_491] {strides = array<i32>} : memref<2048xi32, #tpu.memory_space<vmem>>, vector<16xi32>,
      %add3A_493 = arith.addi %get3A_490, %get3A_492 : vector<16xi32>
      %get3A_494 = arith.constant 656 : index
      %get3A_495 = tpu.vector_load %arg10[%get3A_494] {strides = array<i32>} : memref<2048xi32, #tpu.memory_space<vmem>>, vector<16xi32>,
      %add3A_496 = arith.addi %add3A_493, %get3A_495 : vector<16xi32>
      %get3A_497 = arith.constant 912 : index
      %get3A_498 = tpu.vector_load %arg10[%get3A_497] {strides = array<i32>} : memref<2048xi32, #tpu.memory_space<vmem>>, vector<16xi32>,
      %add3A_499 = arith.addi %add3A_496, %get3A_498 : vector<16xi32>
      %get3A_500 = arith.constant 1168 : index
      %get3A_501 = tpu.vector_load %arg10[%get3A_500] {strides = array<i32>} : memref<2048xi32, #tpu.memory_space<vmem>>, vector<16xi32>,
      %add3A_502 = arith.addi %add3A_499, %get3A_501 : vector<16xi32>
      %get3A_503 = arith.constant 1424 : index
      %get3A_504 = tpu.vector_load %arg10[%get3A_503] {strides = array<i32>} : memref<2048xi32, #tpu.memory_space<vmem>>, vector<16xi32>,
      %add3A_505 = arith.addi %add3A_502, %get3A_504 : vector<16xi32>
      %get3A_506 = arith.constant 1680 : index
      %get3A_507 = tpu.vector_load %arg10[%get3A_506] {strides = array<i32>} : memref<2048xi32, #tpu.memory_space<vmem>>, vector<16xi32>,
      %add3A_508 = arith.addi %add3A_505, %get3A_507 : vector<16xi32>
      %get3A_509 = arith.constant 1936 : index
      %get3A_510 = tpu.vector_load %arg10[%get3A_509] {strides = array<i32>} : memref<2048xi32, #tpu.memory_space<vmem>>, vector<16xi32>,
      %add3A_511 = arith.addi %add3A_508, %get3A_510 : vector<16xi32>
      %get3A_512 = arith.constant 160 : index
      %get3A_513 = tpu.vector_load %arg10[%get3A_512] {strides = array<i32>} : memref<2048xi32, #tpu.memory_space<vmem>>, vector<16xi32>,
      %get3A_514 = arith.constant 416 : index
      %get3A_515 = tpu.vector_load %arg10[%get3A_514] {strides = array<i32>} : memref<2048xi32, #tpu.memory_space<vmem>>, vector<16xi32>,
      %add3A_516 = arith.addi %get3A_513, %get3A_515 : vector<16xi32>
      %get3A_517 = arith.constant 672 : index
      %get3A_518 = tpu.vector_load %arg10[%get3A_517] {strides = array<i32>} : memref<2048xi32, #tpu.memory_space<vmem>>, vector<16xi32>,
      %add3A_519 = arith.addi %add3A_516, %get3A_518 : vector<16xi32>
      %get3A_520 = arith.constant 928 : index
      %get3A_521 = tpu.vector_load %arg10[%get3A_520] {strides = array<i32>} : memref<2048xi32, #tpu.memory_space<vmem>>, vector<16xi32>,
      %add3A_522 = arith.addi %add3A_519, %get3A_521 : vector<16xi32>
      %get3A_523 = arith.constant 1184 : index
      %get3A_524 = tpu.vector_load %arg10[%get3A_523] {strides = array<i32>} : memref<2048xi32, #tpu.memory_space<vmem>>, vector<16xi32>,
      %add3A_525 = arith.addi %add3A_522, %get3A_524 : vector<16xi32>
      %get3A_526 = arith.constant 1440 : index
      %get3A_527 = tpu.vector_load %arg10[%get3A_526] {strides = array<i32>} : memref<2048xi32, #tpu.memory_space<vmem>>, vector<16xi32>,
      %add3A_528 = arith.addi %add3A_525, %get3A_527 : vector<16xi32>
      %get3A_529 = arith.constant 1696 : index
      %get3A_530 = tpu.vector_load %arg10[%get3A_529] {strides = array<i32>} : memref<2048xi32, #tpu.memory_space<vmem>>, vector<16xi32>,
      %add3A_531 = arith.addi %add3A_528, %get3A_530 : vector<16xi32>
      %get3A_532 = arith.constant 1952 : index
      %get3A_533 = tpu.vector_load %arg10[%get3A_532] {strides = array<i32>} : memref<2048xi32, #tpu.memory_space<vmem>>, vector<16xi32>,
      %add3A_534 = arith.addi %add3A_531, %get3A_533 : vector<16xi32>
      %get3A_535 = arith.constant 176 : index
      %get3A_536 = tpu.vector_load %arg10[%get3A_535] {strides = array<i32>} : memref<2048xi32, #tpu.memory_space<vmem>>, vector<16xi32>,
      %get3A_537 = arith.constant 432 : index
      %get3A_538 = tpu.vector_load %arg10[%get3A_537] {strides = array<i32>} : memref<2048xi32, #tpu.memory_space<vmem>>, vector<16xi32>,
      %add3A_539 = arith.addi %get3A_536, %get3A_538 : vector<16xi32>
      %get3A_540 = arith.constant 688 : index
      %get3A_541 = tpu.vector_load %arg10[%get3A_540] {strides = array<i32>} : memref<2048xi32, #tpu.memory_space<vmem>>, vector<16xi32>,
      %add3A_542 = arith.addi %add3A_539, %get3A_541 : vector<16xi32>
      %get3A_543 = arith.constant 944 : index
      %get3A_544 = tpu.vector_load %arg10[%get3A_543] {strides = array<i32>} : memref<2048xi32, #tpu.memory_space<vmem>>, vector<16xi32>,
      %add3A_545 = arith.addi %add3A_542, %get3A_544 : vector<16xi32>
      %get3A_546 = arith.constant 1200 : index
      %get3A_547 = tpu.vector_load %arg10[%get3A_546] {strides = array<i32>} : memref<2048xi32, #tpu.memory_space<vmem>>, vector<16xi32>,
      %add3A_548 = arith.addi %add3A_545, %get3A_547 : vector<16xi32>
      %get3A_549 = arith.constant 1456 : index
      %get3A_550 = tpu.vector_load %arg10[%get3A_549] {strides = array<i32>} : memref<2048xi32, #tpu.memory_space<vmem>>, vector<16xi32>,
      %add3A_551 = arith.addi %add3A_548, %get3A_550 : vector<16xi32>
      %get3A_552 = arith.constant 1712 : index
      %get3A_553 = tpu.vector_load %arg10[%get3A_552] {strides = array<i32>} : memref<2048xi32, #tpu.memory_space<vmem>>, vector<16xi32>,
      %add3A_554 = arith.addi %add3A_551, %get3A_553 : vector<16xi32>
      %get3A_555 = arith.constant 1968 : index
      %get3A_556 = tpu.vector_load %arg10[%get3A_555] {strides = array<i32>} : memref<2048xi32, #tpu.memory_space<vmem>>, vector<16xi32>,
      %add3A_557 = arith.addi %add3A_554, %get3A_556 : vector<16xi32>
      %get3A_558 = arith.constant 192 : index
      %get3A_559 = tpu.vector_load %arg10[%get3A_558] {strides = array<i32>} : memref<2048xi32, #tpu.memory_space<vmem>>, vector<16xi32>,
      %get3A_560 = arith.constant 448 : index
      %get3A_561 = tpu.vector_load %arg10[%get3A_560] {strides = array<i32>} : memref<2048xi32, #tpu.memory_space<vmem>>, vector<16xi32>,
      %add3A_562 = arith.addi %get3A_559, %get3A_561 : vector<16xi32>
      %get3A_563 = arith.constant 704 : index
      %get3A_564 = tpu.vector_load %arg10[%get3A_563] {strides = array<i32>} : memref<2048xi32, #tpu.memory_space<vmem>>, vector<16xi32>,
      %add3A_565 = arith.addi %add3A_562, %get3A_564 : vector<16xi32>
      %get3A_566 = arith.constant 960 : index
      %get3A_567 = tpu.vector_load %arg10[%get3A_566] {strides = array<i32>} : memref<2048xi32, #tpu.memory_space<vmem>>, vector<16xi32>,
      %add3A_568 = arith.addi %add3A_565, %get3A_567 : vector<16xi32>
      %get3A_569 = arith.constant 1216 : index
      %get3A_570 = tpu.vector_load %arg10[%get3A_569] {strides = array<i32>} : memref<2048xi32, #tpu.memory_space<vmem>>, vector<16xi32>,
      %add3A_571 = arith.addi %add3A_568, %get3A_570 : vector<16xi32>
      %get3A_572 = arith.constant 1472 : index
      %get3A_573 = tpu.vector_load %arg10[%get3A_572] {strides = array<i32>} : memref<2048xi32, #tpu.memory_space<vmem>>, vector<16xi32>,
      %add3A_574 = arith.addi %add3A_571, %get3A_573 : vector<16xi32>
      %get3A_575 = arith.constant 1728 : index
      %get3A_576 = tpu.vector_load %arg10[%get3A_575] {strides = array<i32>} : memref<2048xi32, #tpu.memory_space<vmem>>, vector<16xi32>,
      %add3A_577 = arith.addi %add3A_574, %get3A_576 : vector<16xi32>
      %get3A_578 = arith.constant 1984 : index
      %get3A_579 = tpu.vector_load %arg10[%get3A_578] {strides = array<i32>} : memref<2048xi32, #tpu.memory_space<vmem>>, vector<16xi32>,
      %add3A_580 = arith.addi %add3A_577, %get3A_579 : vector<16xi32>
      %get3A_581 = arith.constant 208 : index
      %get3A_582 = tpu.vector_load %arg10[%get3A_581] {strides = array<i32>} : memref<2048xi32, #tpu.memory_space<vmem>>, vector<16xi32>,
      %get3A_583 = arith.constant 464 : index
      %get3A_584 = tpu.vector_load %arg10[%get3A_583] {strides = array<i32>} : memref<2048xi32, #tpu.memory_space<vmem>>, vector<16xi32>,
      %add3A_585 = arith.addi %get3A_582, %get3A_584 : vector<16xi32>
      %get3A_586 = arith.constant 720 : index
      %get3A_587 = tpu.vector_load %arg10[%get3A_586] {strides = array<i32>} : memref<2048xi32, #tpu.memory_space<vmem>>, vector<16xi32>,
      %add3A_588 = arith.addi %add3A_585, %get3A_587 : vector<16xi32>
      %get3A_589 = arith.constant 976 : index
      %get3A_590 = tpu.vector_load %arg10[%get3A_589] {strides = array<i32>} : memref<2048xi32, #tpu.memory_space<vmem>>, vector<16xi32>,
      %add3A_591 = arith.addi %add3A_588, %get3A_590 : vector<16xi32>
      %get3A_592 = arith.constant 1232 : index
      %get3A_593 = tpu.vector_load %arg10[%get3A_592] {strides = array<i32>} : memref<2048xi32, #tpu.memory_space<vmem>>, vector<16xi32>,
      %add3A_594 = arith.addi %add3A_591, %get3A_593 : vector<16xi32>
      %get3A_595 = arith.constant 1488 : index
      %get3A_596 = tpu.vector_load %arg10[%get3A_595] {strides = array<i32>} : memref<2048xi32, #tpu.memory_space<vmem>>, vector<16xi32>,
      %add3A_597 = arith.addi %add3A_594, %get3A_596 : vector<16xi32>
      %get3A_598 = arith.constant 1744 : index
      %get3A_599 = tpu.vector_load %arg10[%get3A_598] {strides = array<i32>} : memref<2048xi32, #tpu.memory_space<vmem>>, vector<16xi32>,
      %add3A_600 = arith.addi %add3A_597, %get3A_599 : vector<16xi32>
      %get3A_601 = arith.constant 2000 : index
      %get3A_602 = tpu.vector_load %arg10[%get3A_601] {strides = array<i32>} : memref<2048xi32, #tpu.memory_space<vmem>>, vector<16xi32>,
      %add3A_603 = arith.addi %add3A_600, %get3A_602 : vector<16xi32>
      %get3A_604 = arith.constant 224 : index
      %get3A_605 = tpu.vector_load %arg10[%get3A_604] {strides = array<i32>} : memref<2048xi32, #tpu.memory_space<vmem>>, vector<16xi32>,
      %get3A_606 = arith.constant 480 : index
      %get3A_607 = tpu.vector_load %arg10[%get3A_606] {strides = array<i32>} : memref<2048xi32, #tpu.memory_space<vmem>>, vector<16xi32>,
      %add3A_608 = arith.addi %get3A_605, %get3A_607 : vector<16xi32>
      %get3A_609 = arith.constant 736 : index
      %get3A_610 = tpu.vector_load %arg10[%get3A_609] {strides = array<i32>} : memref<2048xi32, #tpu.memory_space<vmem>>, vector<16xi32>,
      %add3A_611 = arith.addi %add3A_608, %get3A_610 : vector<16xi32>
      %get3A_612 = arith.constant 992 : index
      %get3A_613 = tpu.vector_load %arg10[%get3A_612] {strides = array<i32>} : memref<2048xi32, #tpu.memory_space<vmem>>, vector<16xi32>,
      %add3A_614 = arith.addi %add3A_611, %get3A_613 : vector<16xi32>
      %get3A_615 = arith.constant 1248 : index
      %get3A_616 = tpu.vector_load %arg10[%get3A_615] {strides = array<i32>} : memref<2048xi32, #tpu.memory_space<vmem>>, vector<16xi32>,
      %add3A_617 = arith.addi %add3A_614, %get3A_616 : vector<16xi32>
      %get3A_618 = arith.constant 1504 : index
      %get3A_619 = tpu.vector_load %arg10[%get3A_618] {strides = array<i32>} : memref<2048xi32, #tpu.memory_space<vmem>>, vector<16xi32>,
      %add3A_620 = arith.addi %add3A_617, %get3A_619 : vector<16xi32>
      %get3A_621 = arith.constant 1760 : index
      %get3A_622 = tpu.vector_load %arg10[%get3A_621] {strides = array<i32>} : memref<2048xi32, #tpu.memory_space<vmem>>, vector<16xi32>,
      %add3A_623 = arith.addi %add3A_620, %get3A_622 : vector<16xi32>
      %get3A_624 = arith.constant 2016 : index
      %get3A_625 = tpu.vector_load %arg10[%get3A_624] {strides = array<i32>} : memref<2048xi32, #tpu.memory_space<vmem>>, vector<16xi32>,
      %add3A_626 = arith.addi %add3A_623, %get3A_625 : vector<16xi32>
      %get3A_627 = arith.constant 240 : index
      %get3A_628 = tpu.vector_load %arg10[%get3A_627] {strides = array<i32>} : memref<2048xi32, #tpu.memory_space<vmem>>, vector<16xi32>,
      %get3A_629 = arith.constant 496 : index
      %get3A_630 = tpu.vector_load %arg10[%get3A_629] {strides = array<i32>} : memref<2048xi32, #tpu.memory_space<vmem>>, vector<16xi32>,
      %add3A_631 = arith.addi %get3A_628, %get3A_630 : vector<16xi32>
      %get3A_632 = arith.constant 752 : index
      %get3A_633 = tpu.vector_load %arg10[%get3A_632] {strides = array<i32>} : memref<2048xi32, #tpu.memory_space<vmem>>, vector<16xi32>,
      %add3A_634 = arith.addi %add3A_631, %get3A_633 : vector<16xi32>
      %get3A_635 = arith.constant 1008 : index
      %get3A_636 = tpu.vector_load %arg10[%get3A_635] {strides = array<i32>} : memref<2048xi32, #tpu.memory_space<vmem>>, vector<16xi32>,
      %add3A_637 = arith.addi %add3A_634, %get3A_636 : vector<16xi32>
      %get3A_638 = arith.constant 1264 : index
      %get3A_639 = tpu.vector_load %arg10[%get3A_638] {strides = array<i32>} : memref<2048xi32, #tpu.memory_space<vmem>>, vector<16xi32>,
      %add3A_640 = arith.addi %add3A_637, %get3A_639 : vector<16xi32>
      %get3A_641 = arith.constant 1520 : index
      %get3A_642 = tpu.vector_load %arg10[%get3A_641] {strides = array<i32>} : memref<2048xi32, #tpu.memory_space<vmem>>, vector<16xi32>,
      %add3A_643 = arith.addi %add3A_640, %get3A_642 : vector<16xi32>
      %get3A_644 = arith.constant 1776 : index
      %get3A_645 = tpu.vector_load %arg10[%get3A_644] {strides = array<i32>} : memref<2048xi32, #tpu.memory_space<vmem>>, vector<16xi32>,
      %add3A_646 = arith.addi %add3A_643, %get3A_645 : vector<16xi32>
      %get3A_647 = arith.constant 2032 : index
      %get3A_648 = tpu.vector_load %arg10[%get3A_647] {strides = array<i32>} : memref<2048xi32, #tpu.memory_space<vmem>>, vector<16xi32>,
      %add3A_649 = arith.addi %add3A_646, %get3A_648 : vector<16xi32>
      %reduce_sum3A = arith.constant true
      %reduce_sum3A_650 = vector.broadcast %reduce_sum3A : i1 to vector<16xi1>
      %reduce_sum3A_651 = tpu.scan <sum>, %add3A_304 masked %reduce_sum3A_650 : vector<16xi32>, vector<16xi1> -> vector<16xi32>
      %reduce_sum3A_652 = vector.extract %reduce_sum3A_651[15] : i32 from vector<16xi32>
      %reduce_sum3A_653 = arith.constant true
      %reduce_sum3A_654 = vector.broadcast %reduce_sum3A_653 : i1 to vector<16xi1>
      %reduce_sum3A_655 = tpu.scan <sum>, %add3A_327 masked %reduce_sum3A_654 : vector<16xi32>, vector<16xi1> -> vector<16xi32>
      %reduce_sum3A_656 = vector.extract %reduce_sum3A_655[15] : i32 from vector<16xi32>
      %reduce_sum3A_657 = arith.constant true
      %reduce_sum3A_658 = vector.broadcast %reduce_sum3A_657 : i1 to vector<16xi1>
      %reduce_sum3A_659 = tpu.scan <sum>, %add3A_350 masked %reduce_sum3A_658 : vector<16xi32>, vector<16xi1> -> vector<16xi32>
      %reduce_sum3A_660 = vector.extract %reduce_sum3A_659[15] : i32 from vector<16xi32>
      %reduce_sum3A_661 = arith.constant true
      %reduce_sum3A_662 = vector.broadcast %reduce_sum3A_661 : i1 to vector<16xi1>
      %reduce_sum3A_663 = tpu.scan <sum>, %add3A_373 masked %reduce_sum3A_662 : vector<16xi32>, vector<16xi1> -> vector<16xi32>
      %reduce_sum3A_664 = vector.extract %reduce_sum3A_663[15] : i32 from vector<16xi32>
      %reduce_sum3A_665 = arith.constant true
      %reduce_sum3A_666 = vector.broadcast %reduce_sum3A_665 : i1 to vector<16xi1>
      %reduce_sum3A_667 = tpu.scan <sum>, %add3A_396 masked %reduce_sum3A_666 : vector<16xi32>, vector<16xi1> -> vector<16xi32>
      %reduce_sum3A_668 = vector.extract %reduce_sum3A_667[15] : i32 from vector<16xi32>
      %reduce_sum3A_669 = arith.constant true
      %reduce_sum3A_670 = vector.broadcast %reduce_sum3A_669 : i1 to vector<16xi1>
      %reduce_sum3A_671 = tpu.scan <sum>, %add3A_419 masked %reduce_sum3A_670 : vector<16xi32>, vector<16xi1> -> vector<16xi32>
      %reduce_sum3A_672 = vector.extract %reduce_sum3A_671[15] : i32 from vector<16xi32>
      %reduce_sum3A_673 = arith.constant true
      %reduce_sum3A_674 = vector.broadcast %reduce_sum3A_673 : i1 to vector<16xi1>
      %reduce_sum3A_675 = tpu.scan <sum>, %add3A_442 masked %reduce_sum3A_674 : vector<16xi32>, vector<16xi1> -> vector<16xi32>
      %reduce_sum3A_676 = vector.extract %reduce_sum3A_675[15] : i32 from vector<16xi32>
      %reduce_sum3A_677 = arith.constant true
      %reduce_sum3A_678 = vector.broadcast %reduce_sum3A_677 : i1 to vector<16xi1>
      %reduce_sum3A_679 = tpu.scan <sum>, %add3A_465 masked %reduce_sum3A_678 : vector<16xi32>, vector<16xi1> -> vector<16xi32>
      %reduce_sum3A_680 = vector.extract %reduce_sum3A_679[15] : i32 from vector<16xi32>
      %reduce_sum3A_681 = arith.constant true
      %reduce_sum3A_682 = vector.broadcast %reduce_sum3A_681 : i1 to vector<16xi1>
      %reduce_sum3A_683 = tpu.scan <sum>, %add3A_488 masked %reduce_sum3A_682 : vector<16xi32>, vector<16xi1> -> vector<16xi32>
      %reduce_sum3A_684 = vector.extract %reduce_sum3A_683[15] : i32 from vector<16xi32>
      %reduce_sum3A_685 = arith.constant true
      %reduce_sum3A_686 = vector.broadcast %reduce_sum3A_685 : i1 to vector<16xi1>
      %reduce_sum3A_687 = tpu.scan <sum>, %add3A_511 masked %reduce_sum3A_686 : vector<16xi32>, vector<16xi1> -> vector<16xi32>
      %reduce_sum3A_688 = vector.extract %reduce_sum3A_687[15] : i32 from vector<16xi32>
      %reduce_sum3A_689 = arith.constant true
      %reduce_sum3A_690 = vector.broadcast %reduce_sum3A_689 : i1 to vector<16xi1>
      %reduce_sum3A_691 = tpu.scan <sum>, %add3A_534 masked %reduce_sum3A_690 : vector<16xi32>, vector<16xi1> -> vector<16xi32>
      %reduce_sum3A_692 = vector.extract %reduce_sum3A_691[15] : i32 from vector<16xi32>
      %reduce_sum3A_693 = arith.constant true
      %reduce_sum3A_694 = vector.broadcast %reduce_sum3A_693 : i1 to vector<16xi1>
      %reduce_sum3A_695 = tpu.scan <sum>, %add3A_557 masked %reduce_sum3A_694 : vector<16xi32>, vector<16xi1> -> vector<16xi32>
      %reduce_sum3A_696 = vector.extract %reduce_sum3A_695[15] : i32 from vector<16xi32>
      %reduce_sum3A_697 = arith.constant true
      %reduce_sum3A_698 = vector.broadcast %reduce_sum3A_697 : i1 to vector<16xi1>
      %reduce_sum3A_699 = tpu.scan <sum>, %add3A_580 masked %reduce_sum3A_698 : vector<16xi32>, vector<16xi1> -> vector<16xi32>
      %reduce_sum3A_700 = vector.extract %reduce_sum3A_699[15] : i32 from vector<16xi32>
      %reduce_sum3A_701 = arith.constant true
      %reduce_sum3A_702 = vector.broadcast %reduce_sum3A_701 : i1 to vector<16xi1>
      %reduce_sum3A_703 = tpu.scan <sum>, %add3A_603 masked %reduce_sum3A_702 : vector<16xi32>, vector<16xi1> -> vector<16xi32>
      %reduce_sum3A_704 = vector.extract %reduce_sum3A_703[15] : i32 from vector<16xi32>
      %reduce_sum3A_705 = arith.constant true
      %reduce_sum3A_706 = vector.broadcast %reduce_sum3A_705 : i1 to vector<16xi1>
      %reduce_sum3A_707 = tpu.scan <sum>, %add3A_626 masked %reduce_sum3A_706 : vector<16xi32>, vector<16xi1> -> vector<16xi32>
      %reduce_sum3A_708 = vector.extract %reduce_sum3A_707[15] : i32 from vector<16xi32>
      %reduce_sum3A_709 = arith.constant true
      %reduce_sum3A_710 = vector.broadcast %reduce_sum3A_709 : i1 to vector<16xi1>
      %reduce_sum3A_711 = tpu.scan <sum>, %add3A_649 masked %reduce_sum3A_710 : vector<16xi32>, vector<16xi1> -> vector<16xi32>
      %reduce_sum3A_712 = vector.extract %reduce_sum3A_711[15] : i32 from vector<16xi32>
      %add3A_713 = arith.constant 0 : i32
      %add3A_714 = arith.addi %add3A_713, %reduce_sum3A_712 : i32
      %add3A_715 = arith.addi %add3A_714, %reduce_sum3A_708 : i32
      %add3A_716 = arith.addi %add3A_715, %reduce_sum3A_704 : i32
      %add3A_717 = arith.addi %add3A_716, %reduce_sum3A_700 : i32
      %add3A_718 = arith.addi %add3A_717, %reduce_sum3A_696 : i32
      %add3A_719 = arith.addi %add3A_718, %reduce_sum3A_692 : i32
      %add3A_720 = arith.addi %add3A_719, %reduce_sum3A_688 : i32
      %add3A_721 = arith.addi %add3A_720, %reduce_sum3A_684 : i32
      %add3A_722 = arith.addi %add3A_721, %reduce_sum3A_680 : i32
      %add3A_723 = arith.addi %add3A_722, %reduce_sum3A_676 : i32
      %add3A_724 = arith.addi %add3A_723, %reduce_sum3A_672 : i32
      %add3A_725 = arith.addi %add3A_724, %reduce_sum3A_668 : i32
      %add3A_726 = arith.addi %add3A_725, %reduce_sum3A_664 : i32
      %add3A_727 = arith.addi %add3A_726, %reduce_sum3A_660 : i32
      %add3A_728 = arith.addi %add3A_727, %reduce_sum3A_656 : i32
      %add3A_729 = arith.addi %add3A_728, %reduce_sum3A_652 : i32
      %broadcast_in_dim3A_730 = arith.constant 0 : i32
      %broadcast_in_dim3A_731 = vector.broadcast %broadcast_in_dim3A_730 : i32 to vector<16xi32>
      %ge3A = arith.constant 32 : i32
      %ge3A_732 = arith.cmpi sge, %add3A_729, %ge3A : i32
      %lt3A = arith.constant 32 : i32
      %lt3A_733 = arith.cmpi slt, %add3A_728, %lt3A : i32
      %and3A = arith.andi %ge3A_732, %lt3A_733 : i1
      %jit3A = arith.constant 0 : i32
      %jit3A_734 = arith.constant 0 : i32
      %select_n3A = arith.select %and3A, %jit3A, %jit3A_734 : i32
      %add3A_735 = arith.constant 0 : i32
      %add3A_736 = arith.addi %add3A_735, %select_n3A : i32
      %select_n3A_737 = arith.select %and3A, %add3A_304, %broadcast_in_dim3A_731 : vector<16xi32>
      %add3A_738 = arith.addi %broadcast_in_dim3A_731, %select_n3A_737 : vector<16xi32>
      %jit3A_739 = arith.constant 0 : i32
      %select_n3A_740 = arith.select %and3A, %add3A_728, %jit3A_739 : i32
      %add3A_741 = arith.constant 0 : i32
      %add3A_742 = arith.addi %add3A_741, %select_n3A_740 : i32
      %ge3A_743 = arith.constant 32 : i32
      %ge3A_744 = arith.cmpi sge, %add3A_728, %ge3A_743 : i32
      %lt3A_745 = arith.constant 32 : i32
      %lt3A_746 = arith.cmpi slt, %add3A_727, %lt3A_745 : i32
      %and3A_747 = arith.andi %ge3A_744, %lt3A_746 : i1
      %jit3A_748 = arith.constant 1 : i32
      %jit3A_749 = arith.constant 0 : i32
      %select_n3A_750 = arith.select %and3A_747, %jit3A_748, %jit3A_749 : i32
      %add3A_751 = arith.addi %add3A_736, %select_n3A_750 : i32
      %select_n3A_752 = arith.select %and3A_747, %add3A_327, %broadcast_in_dim3A_731 : vector<16xi32>
      %add3A_753 = arith.addi %add3A_738, %select_n3A_752 : vector<16xi32>
      %jit3A_754 = arith.constant 0 : i32
      %select_n3A_755 = arith.select %and3A_747, %add3A_727, %jit3A_754 : i32
      %add3A_756 = arith.addi %add3A_742, %select_n3A_755 : i32
      %ge3A_757 = arith.constant 32 : i32
      %ge3A_758 = arith.cmpi sge, %add3A_727, %ge3A_757 : i32
      %lt3A_759 = arith.constant 32 : i32
      %lt3A_760 = arith.cmpi slt, %add3A_726, %lt3A_759 : i32
      %and3A_761 = arith.andi %ge3A_758, %lt3A_760 : i1
      %jit3A_762 = arith.constant 2 : i32
      %jit3A_763 = arith.constant 0 : i32
      %select_n3A_764 = arith.select %and3A_761, %jit3A_762, %jit3A_763 : i32
      %add3A_765 = arith.addi %add3A_751, %select_n3A_764 : i32
      %select_n3A_766 = arith.select %and3A_761, %add3A_350, %broadcast_in_dim3A_731 : vector<16xi32>
      %add3A_767 = arith.addi %add3A_753, %select_n3A_766 : vector<16xi32>
      %jit3A_768 = arith.constant 0 : i32
      %select_n3A_769 = arith.select %and3A_761, %add3A_726, %jit3A_768 : i32
      %add3A_770 = arith.addi %add3A_756, %select_n3A_769 : i32
      %ge3A_771 = arith.constant 32 : i32
      %ge3A_772 = arith.cmpi sge, %add3A_726, %ge3A_771 : i32
      %lt3A_773 = arith.constant 32 : i32
      %lt3A_774 = arith.cmpi slt, %add3A_725, %lt3A_773 : i32
      %and3A_775 = arith.andi %ge3A_772, %lt3A_774 : i1
      %jit3A_776 = arith.constant 3 : i32
      %jit3A_777 = arith.constant 0 : i32
      %select_n3A_778 = arith.select %and3A_775, %jit3A_776, %jit3A_777 : i32
      %add3A_779 = arith.addi %add3A_765, %select_n3A_778 : i32
      %select_n3A_780 = arith.select %and3A_775, %add3A_373, %broadcast_in_dim3A_731 : vector<16xi32>
      %add3A_781 = arith.addi %add3A_767, %select_n3A_780 : vector<16xi32>
      %jit3A_782 = arith.constant 0 : i32
      %select_n3A_783 = arith.select %and3A_775, %add3A_725, %jit3A_782 : i32
      %add3A_784 = arith.addi %add3A_770, %select_n3A_783 : i32
      %ge3A_785 = arith.constant 32 : i32
      %ge3A_786 = arith.cmpi sge, %add3A_725, %ge3A_785 : i32
      %lt3A_787 = arith.constant 32 : i32
      %lt3A_788 = arith.cmpi slt, %add3A_724, %lt3A_787 : i32
      %and3A_789 = arith.andi %ge3A_786, %lt3A_788 : i1
      %jit3A_790 = arith.constant 4 : i32
      %jit3A_791 = arith.constant 0 : i32
      %select_n3A_792 = arith.select %and3A_789, %jit3A_790, %jit3A_791 : i32
      %add3A_793 = arith.addi %add3A_779, %select_n3A_792 : i32
      %select_n3A_794 = arith.select %and3A_789, %add3A_396, %broadcast_in_dim3A_731 : vector<16xi32>
      %add3A_795 = arith.addi %add3A_781, %select_n3A_794 : vector<16xi32>
      %jit3A_796 = arith.constant 0 : i32
      %select_n3A_797 = arith.select %and3A_789, %add3A_724, %jit3A_796 : i32
      %add3A_798 = arith.addi %add3A_784, %select_n3A_797 : i32
      %ge3A_799 = arith.constant 32 : i32
      %ge3A_800 = arith.cmpi sge, %add3A_724, %ge3A_799 : i32
      %lt3A_801 = arith.constant 32 : i32
      %lt3A_802 = arith.cmpi slt, %add3A_723, %lt3A_801 : i32
      %and3A_803 = arith.andi %ge3A_800, %lt3A_802 : i1
      %jit3A_804 = arith.constant 5 : i32
      %jit3A_805 = arith.constant 0 : i32
      %select_n3A_806 = arith.select %and3A_803, %jit3A_804, %jit3A_805 : i32
      %add3A_807 = arith.addi %add3A_793, %select_n3A_806 : i32
      %select_n3A_808 = arith.select %and3A_803, %add3A_419, %broadcast_in_dim3A_731 : vector<16xi32>
      %add3A_809 = arith.addi %add3A_795, %select_n3A_808 : vector<16xi32>
      %jit3A_810 = arith.constant 0 : i32
      %select_n3A_811 = arith.select %and3A_803, %add3A_723, %jit3A_810 : i32
      %add3A_812 = arith.addi %add3A_798, %select_n3A_811 : i32
      %ge3A_813 = arith.constant 32 : i32
      %ge3A_814 = arith.cmpi sge, %add3A_723, %ge3A_813 : i32
      %lt3A_815 = arith.constant 32 : i32
      %lt3A_816 = arith.cmpi slt, %add3A_722, %lt3A_815 : i32
      %and3A_817 = arith.andi %ge3A_814, %lt3A_816 : i1
      %jit3A_818 = arith.constant 6 : i32
      %jit3A_819 = arith.constant 0 : i32
      %select_n3A_820 = arith.select %and3A_817, %jit3A_818, %jit3A_819 : i32
      %add3A_821 = arith.addi %add3A_807, %select_n3A_820 : i32
      %select_n3A_822 = arith.select %and3A_817, %add3A_442, %broadcast_in_dim3A_731 : vector<16xi32>
      %add3A_823 = arith.addi %add3A_809, %select_n3A_822 : vector<16xi32>
      %jit3A_824 = arith.constant 0 : i32
      %select_n3A_825 = arith.select %and3A_817, %add3A_722, %jit3A_824 : i32
      %add3A_826 = arith.addi %add3A_812, %select_n3A_825 : i32
      %ge3A_827 = arith.constant 32 : i32
      %ge3A_828 = arith.cmpi sge, %add3A_722, %ge3A_827 : i32
      %lt3A_829 = arith.constant 32 : i32
      %lt3A_830 = arith.cmpi slt, %add3A_721, %lt3A_829 : i32
      %and3A_831 = arith.andi %ge3A_828, %lt3A_830 : i1
      %jit3A_832 = arith.constant 7 : i32
      %jit3A_833 = arith.constant 0 : i32
      %select_n3A_834 = arith.select %and3A_831, %jit3A_832, %jit3A_833 : i32
      %add3A_835 = arith.addi %add3A_821, %select_n3A_834 : i32
      %select_n3A_836 = arith.select %and3A_831, %add3A_465, %broadcast_in_dim3A_731 : vector<16xi32>
      %add3A_837 = arith.addi %add3A_823, %select_n3A_836 : vector<16xi32>
      %jit3A_838 = arith.constant 0 : i32
      %select_n3A_839 = arith.select %and3A_831, %add3A_721, %jit3A_838 : i32
      %add3A_840 = arith.addi %add3A_826, %select_n3A_839 : i32
      %ge3A_841 = arith.constant 32 : i32
      %ge3A_842 = arith.cmpi sge, %add3A_721, %ge3A_841 : i32
      %lt3A_843 = arith.constant 32 : i32
      %lt3A_844 = arith.cmpi slt, %add3A_720, %lt3A_843 : i32
      %and3A_845 = arith.andi %ge3A_842, %lt3A_844 : i1
      %jit3A_846 = arith.constant 8 : i32
      %jit3A_847 = arith.constant 0 : i32
      %select_n3A_848 = arith.select %and3A_845, %jit3A_846, %jit3A_847 : i32
      %add3A_849 = arith.addi %add3A_835, %select_n3A_848 : i32
      %select_n3A_850 = arith.select %and3A_845, %add3A_488, %broadcast_in_dim3A_731 : vector<16xi32>
      %add3A_851 = arith.addi %add3A_837, %select_n3A_850 : vector<16xi32>
      %jit3A_852 = arith.constant 0 : i32
      %select_n3A_853 = arith.select %and3A_845, %add3A_720, %jit3A_852 : i32
      %add3A_854 = arith.addi %add3A_840, %select_n3A_853 : i32
      %ge3A_855 = arith.constant 32 : i32
      %ge3A_856 = arith.cmpi sge, %add3A_720, %ge3A_855 : i32
      %lt3A_857 = arith.constant 32 : i32
      %lt3A_858 = arith.cmpi slt, %add3A_719, %lt3A_857 : i32
      %and3A_859 = arith.andi %ge3A_856, %lt3A_858 : i1
      %jit3A_860 = arith.constant 9 : i32
      %jit3A_861 = arith.constant 0 : i32
      %select_n3A_862 = arith.select %and3A_859, %jit3A_860, %jit3A_861 : i32
      %add3A_863 = arith.addi %add3A_849, %select_n3A_862 : i32
      %select_n3A_864 = arith.select %and3A_859, %add3A_511, %broadcast_in_dim3A_731 : vector<16xi32>
      %add3A_865 = arith.addi %add3A_851, %select_n3A_864 : vector<16xi32>
      %jit3A_866 = arith.constant 0 : i32
      %select_n3A_867 = arith.select %and3A_859, %add3A_719, %jit3A_866 : i32
      %add3A_868 = arith.addi %add3A_854, %select_n3A_867 : i32
      %ge3A_869 = arith.constant 32 : i32
      %ge3A_870 = arith.cmpi sge, %add3A_719, %ge3A_869 : i32
      %lt3A_871 = arith.constant 32 : i32
      %lt3A_872 = arith.cmpi slt, %add3A_718, %lt3A_871 : i32
      %and3A_873 = arith.andi %ge3A_870, %lt3A_872 : i1
      %jit3A_874 = arith.constant 10 : i32
      %jit3A_875 = arith.constant 0 : i32
      %select_n3A_876 = arith.select %and3A_873, %jit3A_874, %jit3A_875 : i32
      %add3A_877 = arith.addi %add3A_863, %select_n3A_876 : i32
      %select_n3A_878 = arith.select %and3A_873, %add3A_534, %broadcast_in_dim3A_731 : vector<16xi32>
      %add3A_879 = arith.addi %add3A_865, %select_n3A_878 : vector<16xi32>
      %jit3A_880 = arith.constant 0 : i32
      %select_n3A_881 = arith.select %and3A_873, %add3A_718, %jit3A_880 : i32
      %add3A_882 = arith.addi %add3A_868, %select_n3A_881 : i32
      %ge3A_883 = arith.constant 32 : i32
      %ge3A_884 = arith.cmpi sge, %add3A_718, %ge3A_883 : i32
      %lt3A_885 = arith.constant 32 : i32
      %lt3A_886 = arith.cmpi slt, %add3A_717, %lt3A_885 : i32
      %and3A_887 = arith.andi %ge3A_884, %lt3A_886 : i1
      %jit3A_888 = arith.constant 11 : i32
      %jit3A_889 = arith.constant 0 : i32
      %select_n3A_890 = arith.select %and3A_887, %jit3A_888, %jit3A_889 : i32
      %add3A_891 = arith.addi %add3A_877, %select_n3A_890 : i32
      %select_n3A_892 = arith.select %and3A_887, %add3A_557, %broadcast_in_dim3A_731 : vector<16xi32>
      %add3A_893 = arith.addi %add3A_879, %select_n3A_892 : vector<16xi32>
      %jit3A_894 = arith.constant 0 : i32
      %select_n3A_895 = arith.select %and3A_887, %add3A_717, %jit3A_894 : i32
      %add3A_896 = arith.addi %add3A_882, %select_n3A_895 : i32
      %ge3A_897 = arith.constant 32 : i32
      %ge3A_898 = arith.cmpi sge, %add3A_717, %ge3A_897 : i32
      %lt3A_899 = arith.constant 32 : i32
      %lt3A_900 = arith.cmpi slt, %add3A_716, %lt3A_899 : i32
      %and3A_901 = arith.andi %ge3A_898, %lt3A_900 : i1
      %jit3A_902 = arith.constant 12 : i32
      %jit3A_903 = arith.constant 0 : i32
      %select_n3A_904 = arith.select %and3A_901, %jit3A_902, %jit3A_903 : i32
      %add3A_905 = arith.addi %add3A_891, %select_n3A_904 : i32
      %select_n3A_906 = arith.select %and3A_901, %add3A_580, %broadcast_in_dim3A_731 : vector<16xi32>
      %add3A_907 = arith.addi %add3A_893, %select_n3A_906 : vector<16xi32>
      %jit3A_908 = arith.constant 0 : i32
      %select_n3A_909 = arith.select %and3A_901, %add3A_716, %jit3A_908 : i32
      %add3A_910 = arith.addi %add3A_896, %select_n3A_909 : i32
      %ge3A_911 = arith.constant 32 : i32
      %ge3A_912 = arith.cmpi sge, %add3A_716, %ge3A_911 : i32
      %lt3A_913 = arith.constant 32 : i32
      %lt3A_914 = arith.cmpi slt, %add3A_715, %lt3A_913 : i32
      %and3A_915 = arith.andi %ge3A_912, %lt3A_914 : i1
      %jit3A_916 = arith.constant 13 : i32
      %jit3A_917 = arith.constant 0 : i32
      %select_n3A_918 = arith.select %and3A_915, %jit3A_916, %jit3A_917 : i32
      %add3A_919 = arith.addi %add3A_905, %select_n3A_918 : i32
      %select_n3A_920 = arith.select %and3A_915, %add3A_603, %broadcast_in_dim3A_731 : vector<16xi32>
      %add3A_921 = arith.addi %add3A_907, %select_n3A_920 : vector<16xi32>
      %jit3A_922 = arith.constant 0 : i32
      %select_n3A_923 = arith.select %and3A_915, %add3A_715, %jit3A_922 : i32
      %add3A_924 = arith.addi %add3A_910, %select_n3A_923 : i32
      %ge3A_925 = arith.constant 32 : i32
      %ge3A_926 = arith.cmpi sge, %add3A_715, %ge3A_925 : i32
      %lt3A_927 = arith.constant 32 : i32
      %lt3A_928 = arith.cmpi slt, %add3A_714, %lt3A_927 : i32
      %and3A_929 = arith.andi %ge3A_926, %lt3A_928 : i1
      %jit3A_930 = arith.constant 14 : i32
      %jit3A_931 = arith.constant 0 : i32
      %select_n3A_932 = arith.select %and3A_929, %jit3A_930, %jit3A_931 : i32
      %add3A_933 = arith.addi %add3A_919, %select_n3A_932 : i32
      %select_n3A_934 = arith.select %and3A_929, %add3A_626, %broadcast_in_dim3A_731 : vector<16xi32>
      %add3A_935 = arith.addi %add3A_921, %select_n3A_934 : vector<16xi32>
      %jit3A_936 = arith.constant 0 : i32
      %select_n3A_937 = arith.select %and3A_929, %add3A_714, %jit3A_936 : i32
      %add3A_938 = arith.addi %add3A_924, %select_n3A_937 : i32
      %ge3A_939 = arith.constant 32 : i32
      %ge3A_940 = arith.cmpi sge, %add3A_714, %ge3A_939 : i32
      %lt3A_941 = arith.constant 0 : i32
      %lt3A_942 = arith.constant 32 : i32
      %lt3A_943 = arith.cmpi slt, %lt3A_941, %lt3A_942 : i32
      %and3A_944 = arith.andi %ge3A_940, %lt3A_943 : i1
      %jit3A_945 = arith.constant 15 : i32
      %jit3A_946 = arith.constant 0 : i32
      %select_n3A_947 = arith.select %and3A_944, %jit3A_945, %jit3A_946 : i32
      %add3A_948 = arith.addi %add3A_933, %select_n3A_947 : i32
      %select_n3A_949 = arith.select %and3A_944, %add3A_649, %broadcast_in_dim3A_731 : vector<16xi32>
      %add3A_950 = arith.addi %add3A_935, %select_n3A_949 : vector<16xi32>
      %jit3A_951 = arith.constant 0 : i32
      %jit3A_952 = arith.constant 0 : i32
      %select_n3A_953 = arith.select %and3A_944, %jit3A_951, %jit3A_952 : i32
      %add3A_954 = arith.addi %add3A_938, %select_n3A_953 : i32
      %rev3A = arith.constant 15 : i32
      %rev3A_955 = vector.broadcast %rev3A : i32 to vector<16xi32>
      %rev3A_956 = tpu.iota {dimensions = array<i32: 0>} : vector<16xi32>
      %rev3A_957 = arith.subi %rev3A_955, %rev3A_956 : vector<16xi32>
      %rev3A_958 = tpu.dynamic_gather %add3A_950[%rev3A_957] in [0] : vector<16xi32>, vector<16xi32> -> vector<16xi32>
      %broadcast_in_dim3A_959 = arith.constant true
      %broadcast_in_dim3A_960 = vector.broadcast %broadcast_in_dim3A_959 : i1 to vector<16xi1>
      %masked_cumsum3A = tpu.scan <sum>, %rev3A_958 masked %broadcast_in_dim3A_960 : vector<16xi32>, vector<16xi1> -> vector<16xi32>
      %add3A_961 = vector.broadcast %add3A_954 : i32 to vector<16xi32>
      %add3A_962 = arith.addi %masked_cumsum3A, %add3A_961 : vector<16xi32>
      %ge3A_963 = arith.constant 32 : i32
      %ge3A_964 = vector.broadcast %ge3A_963 : i32 to vector<16xi32>
      %ge3A_965 = arith.cmpi sge, %add3A_962, %ge3A_964 : vector<16xi32>
      %all_reduce_ffs3A = tpu.all_reduce %ge3A_965 {dim = 0 : i64, kind = #tpu.reduction_kind<find_first_set>} : vector<16xi1> -> vector<16xi32>
      %reduce_max3A = arith.constant true
      %reduce_max3A_966 = vector.broadcast %reduce_max3A : i1 to vector<16xi1>
      %reduce_max3A_967 = arith.constant -2147483648 : i32
      %reduce_max3A_968 = vector.broadcast %reduce_max3A_967 : i32 to vector<16xi32>
      %reduce_max3A_969 = arith.xori %all_reduce_ffs3A, %reduce_max3A_968 : vector<16xi32>
      %reduce_max3A_970 = tpu.scan <max>, %reduce_max3A_969 masked %reduce_max3A_966 : vector<16xi32>, vector<16xi1> -> vector<16xi32>
      %reduce_max3A_971 = arith.xori %reduce_max3A_970, %reduce_max3A_968 : vector<16xi32>
      %reduce_max3A_972 = vector.extract %reduce_max3A_971[15] : i32 from vector<16xi32>
      %iota3A_973 = tpu.iota {dimensions = array<i32: 0>} : vector<16xi32>
      %eq3A = vector.broadcast %reduce_max3A_972 : i32 to vector<16xi32>
      %eq3A_974 = arith.cmpi eq, %iota3A_973, %eq3A : vector<16xi32>
      %select_n3A_975 = arith.select %eq3A_974, %rev3A_958, %broadcast_in_dim3A_731 : vector<16xi1>, vector<16xi32>
      %reduce_sum3A_976 = arith.constant true
      %reduce_sum3A_977 = vector.broadcast %reduce_sum3A_976 : i1 to vector<16xi1>
      %reduce_sum3A_978 = tpu.scan <sum>, %select_n3A_975 masked %reduce_sum3A_977 : vector<16xi32>, vector<16xi1> -> vector<16xi32>
      %reduce_sum3A_979 = vector.extract %reduce_sum3A_978[15] : i32 from vector<16xi32>
      %select_n3A_980 = arith.select %eq3A_974, %add3A_962, %broadcast_in_dim3A_731 : vector<16xi1>, vector<16xi32>
      %reduce_sum3A_981 = arith.constant true
      %reduce_sum3A_982 = vector.broadcast %reduce_sum3A_981 : i1 to vector<16xi1>
      %reduce_sum3A_983 = tpu.scan <sum>, %select_n3A_980 masked %reduce_sum3A_982 : vector<16xi32>, vector<16xi1> -> vector<16xi32>
      %reduce_sum3A_984 = vector.extract %reduce_sum3A_983[15] : i32 from vector<16xi32>
      %mul3A_985 = arith.constant 16 : i32
      %mul3A_986 = arith.muli %add3A_948, %mul3A_985 : i32
      %sub3A_987 = arith.constant 15 : i32
      %sub3A_988 = arith.subi %sub3A_987, %reduce_max3A_972 : i32
      %add3A_989 = arith.addi %mul3A_986, %sub3A_988 : i32
      %sub3A_990 = arith.subi %reduce_sum3A_984, %reduce_sum3A_979 : i32
      %sub3A_991 = arith.constant 32 : i32
      %sub3A_992 = arith.subi %sub3A_991, %sub3A_990 : i32
      %convert_element_type3A = arith.sitofp %add3A_989 : i32 to f32
      %scan3A_993 = arith.constant 0 : i32
      %scan3A_994 = arith.constant 0 : i32
      %scan3A_995 = arith.constant 64 : i32
      %scan3A_996 = arith.addi %scan3A_994, %scan3A_995 : i32
      %scan3A_997 = arith.constant 1 : i32
      %scan3A_998 = scf.for %scan3A_1039 = %scan3A_994 to %scan3A_996 step %scan3A_997 iter_args(%scan3A_1040 = %scan3A_993) -> (i32)  : i32 {
        %mul3A_1041 = arith.constant 4 : i32
        %mul3A_1042 = arith.muli %scan3A_1039, %mul3A_1041 : i32
        %add3A_1043 = arith.constant 0 : i32
        %add3A_1044 = arith.addi %mul3A_1042, %add3A_1043 : i32
        %mul3A_1045 = arith.constant 16 : i32
        %mul3A_1046 = arith.muli %add3A_1044, %mul3A_1045 : i32
        %get3A_1047 = arith.index_cast %mul3A_1046 : i32 to index
        %get3A_1048 = tpu.vector_load %arg7[%get3A_1047] {strides = array<i32>} : memref<4096xf32, #tpu.memory_space<vmem>>, vector<16xf32>,
        %mul3A_1049 = arith.constant 84.7682114 : f32
        %mul3A_1050 = vector.broadcast %mul3A_1049 : f32 to vector<16xf32>
        %mul3A_1051 = arith.mulf %get3A_1048, %mul3A_1050 : vector<16xf32>
        %convert_element_type3A_1052 = arith.fptosi %mul3A_1051 : vector<16xf32> to vector<16xi32>
        %min3A = arith.constant 255 : i32
        %min3A_1053 = vector.broadcast %min3A : i32 to vector<16xi32>
        %min3A_1054 = arith.minsi %convert_element_type3A_1052, %min3A_1053 : vector<16xi32>
        %eq3A_1055 = vector.broadcast %add3A_989 : i32 to vector<16xi32>
        %eq3A_1056 = arith.cmpi eq, %min3A_1054, %eq3A_1055 : vector<16xi32>
        %swap3A_1057 = arith.index_cast %scan3A_1040 : i32 to index
        %swap3A_1058 = tpu.vector_load %arg9[%swap3A_1057] masked %eq3A_1056 {strides = array<i32>} : memref<4112xf32, #tpu.memory_space<vmem>>, vector<16xf32>, vector<16xi1>
        tpu.vector_store %arg9[%swap3A_1057], %get3A_1048 masked %eq3A_1056 {strides = array<i32>} : memref<4112xf32, #tpu.memory_space<vmem>>, vector<16xf32>, vector<16xi1>
        %all_reduce_population_count3A = tpu.all_reduce %eq3A_1056 {dim = 0 : i64, kind = #tpu.reduction_kind<sum>} : vector<16xi1> -> vector<16xi32>
        %slice3A = vector.extract_strided_slice %all_reduce_population_count3A {offsets = [0], sizes = [1], strides = [1]} : vector<16xi32> to vector<1xi32>
        %squeeze3A = vector.extract %slice3A[0] : i32 from vector<1xi32>
        %add3A_1059 = arith.addi %scan3A_1040, %squeeze3A : i32
        %mul3A_1060 = arith.constant 4 : i32
        %mul3A_1061 = arith.muli %scan3A_1039, %mul3A_1060 : i32
        %add3A_1062 = arith.constant 1 : i32
        %add3A_1063 = arith.addi %mul3A_1061, %add3A_1062 : i32
        %mul3A_1064 = arith.constant 16 : i32
        %mul3A_1065 = arith.muli %add3A_1063, %mul3A_1064 : i32
        %get3A_1066 = arith.index_cast %mul3A_1065 : i32 to index
        %get3A_1067 = tpu.vector_load %arg7[%get3A_1066] {strides = array<i32>} : memref<4096xf32, #tpu.memory_space<vmem>>, vector<16xf32>,
        %mul3A_1068 = arith.constant 84.7682114 : f32
        %mul3A_1069 = vector.broadcast %mul3A_1068 : f32 to vector<16xf32>
        %mul3A_1070 = arith.mulf %get3A_1067, %mul3A_1069 : vector<16xf32>
        %convert_element_type3A_1071 = arith.fptosi %mul3A_1070 : vector<16xf32> to vector<16xi32>
        %min3A_1072 = arith.constant 255 : i32
        %min3A_1073 = vector.broadcast %min3A_1072 : i32 to vector<16xi32>
        %min3A_1074 = arith.minsi %convert_element_type3A_1071, %min3A_1073 : vector<16xi32>
        %eq3A_1075 = vector.broadcast %add3A_989 : i32 to vector<16xi32>
        %eq3A_1076 = arith.cmpi eq, %min3A_1074, %eq3A_1075 : vector<16xi32>
        %swap3A_1077 = arith.index_cast %add3A_1059 : i32 to index
        %swap3A_1078 = tpu.vector_load %arg9[%swap3A_1077] masked %eq3A_1076 {strides = array<i32>} : memref<4112xf32, #tpu.memory_space<vmem>>, vector<16xf32>, vector<16xi1>
        tpu.vector_store %arg9[%swap3A_1077], %get3A_1067 masked %eq3A_1076 {strides = array<i32>} : memref<4112xf32, #tpu.memory_space<vmem>>, vector<16xf32>, vector<16xi1>
        %all_reduce_population_count3A_1079 = tpu.all_reduce %eq3A_1076 {dim = 0 : i64, kind = #tpu.reduction_kind<sum>} : vector<16xi1> -> vector<16xi32>
        %slice3A_1080 = vector.extract_strided_slice %all_reduce_population_count3A_1079 {offsets = [0], sizes = [1], strides = [1]} : vector<16xi32> to vector<1xi32>
        %squeeze3A_1081 = vector.extract %slice3A_1080[0] : i32 from vector<1xi32>
        %add3A_1082 = arith.addi %add3A_1059, %squeeze3A_1081 : i32
        %mul3A_1083 = arith.constant 4 : i32
        %mul3A_1084 = arith.muli %scan3A_1039, %mul3A_1083 : i32
        %add3A_1085 = arith.constant 2 : i32
        %add3A_1086 = arith.addi %mul3A_1084, %add3A_1085 : i32
        %mul3A_1087 = arith.constant 16 : i32
        %mul3A_1088 = arith.muli %add3A_1086, %mul3A_1087 : i32
        %get3A_1089 = arith.index_cast %mul3A_1088 : i32 to index
        %get3A_1090 = tpu.vector_load %arg7[%get3A_1089] {strides = array<i32>} : memref<4096xf32, #tpu.memory_space<vmem>>, vector<16xf32>,
        %mul3A_1091 = arith.constant 84.7682114 : f32
        %mul3A_1092 = vector.broadcast %mul3A_1091 : f32 to vector<16xf32>
        %mul3A_1093 = arith.mulf %get3A_1090, %mul3A_1092 : vector<16xf32>
        %convert_element_type3A_1094 = arith.fptosi %mul3A_1093 : vector<16xf32> to vector<16xi32>
        %min3A_1095 = arith.constant 255 : i32
        %min3A_1096 = vector.broadcast %min3A_1095 : i32 to vector<16xi32>
        %min3A_1097 = arith.minsi %convert_element_type3A_1094, %min3A_1096 : vector<16xi32>
        %eq3A_1098 = vector.broadcast %add3A_989 : i32 to vector<16xi32>
        %eq3A_1099 = arith.cmpi eq, %min3A_1097, %eq3A_1098 : vector<16xi32>
        %swap3A_1100 = arith.index_cast %add3A_1082 : i32 to index
        %swap3A_1101 = tpu.vector_load %arg9[%swap3A_1100] masked %eq3A_1099 {strides = array<i32>} : memref<4112xf32, #tpu.memory_space<vmem>>, vector<16xf32>, vector<16xi1>
        tpu.vector_store %arg9[%swap3A_1100], %get3A_1090 masked %eq3A_1099 {strides = array<i32>} : memref<4112xf32, #tpu.memory_space<vmem>>, vector<16xf32>, vector<16xi1>
        %all_reduce_population_count3A_1102 = tpu.all_reduce %eq3A_1099 {dim = 0 : i64, kind = #tpu.reduction_kind<sum>} : vector<16xi1> -> vector<16xi32>
        %slice3A_1103 = vector.extract_strided_slice %all_reduce_population_count3A_1102 {offsets = [0], sizes = [1], strides = [1]} : vector<16xi32> to vector<1xi32>
        %squeeze3A_1104 = vector.extract %slice3A_1103[0] : i32 from vector<1xi32>
        %add3A_1105 = arith.addi %add3A_1082, %squeeze3A_1104 : i32
        %mul3A_1106 = arith.constant 4 : i32
        %mul3A_1107 = arith.muli %scan3A_1039, %mul3A_1106 : i32
        %add3A_1108 = arith.constant 3 : i32
        %add3A_1109 = arith.addi %mul3A_1107, %add3A_1108 : i32
        %mul3A_1110 = arith.constant 16 : i32
        %mul3A_1111 = arith.muli %add3A_1109, %mul3A_1110 : i32
        %get3A_1112 = arith.index_cast %mul3A_1111 : i32 to index
        %get3A_1113 = tpu.vector_load %arg7[%get3A_1112] {strides = array<i32>} : memref<4096xf32, #tpu.memory_space<vmem>>, vector<16xf32>,
        %mul3A_1114 = arith.constant 84.7682114 : f32
        %mul3A_1115 = vector.broadcast %mul3A_1114 : f32 to vector<16xf32>
        %mul3A_1116 = arith.mulf %get3A_1113, %mul3A_1115 : vector<16xf32>
        %convert_element_type3A_1117 = arith.fptosi %mul3A_1116 : vector<16xf32> to vector<16xi32>
        %min3A_1118 = arith.constant 255 : i32
        %min3A_1119 = vector.broadcast %min3A_1118 : i32 to vector<16xi32>
        %min3A_1120 = arith.minsi %convert_element_type3A_1117, %min3A_1119 : vector<16xi32>
        %eq3A_1121 = vector.broadcast %add3A_989 : i32 to vector<16xi32>
        %eq3A_1122 = arith.cmpi eq, %min3A_1120, %eq3A_1121 : vector<16xi32>
        %swap3A_1123 = arith.index_cast %add3A_1105 : i32 to index
        %swap3A_1124 = tpu.vector_load %arg9[%swap3A_1123] masked %eq3A_1122 {strides = array<i32>} : memref<4112xf32, #tpu.memory_space<vmem>>, vector<16xf32>, vector<16xi1>
        tpu.vector_store %arg9[%swap3A_1123], %get3A_1113 masked %eq3A_1122 {strides = array<i32>} : memref<4112xf32, #tpu.memory_space<vmem>>, vector<16xf32>, vector<16xi1>
        %all_reduce_population_count3A_1125 = tpu.all_reduce %eq3A_1122 {dim = 0 : i64, kind = #tpu.reduction_kind<sum>} : vector<16xi1> -> vector<16xi32>
        %slice3A_1126 = vector.extract_strided_slice %all_reduce_population_count3A_1125 {offsets = [0], sizes = [1], strides = [1]} : vector<16xi32> to vector<1xi32>
        %squeeze3A_1127 = vector.extract %slice3A_1126[0] : i32 from vector<1xi32>
        %add3A_1128 = arith.addi %add3A_1105, %squeeze3A_1127 : i32
        scf.yield %add3A_1128 : i32
      }
      %scan3A_999 = arith.constant 64 : i32
      %add3A_1000 = arith.constant 15 : i32
      %add3A_1001 = arith.addi %scan3A_998, %add3A_1000 : i32
      %shift_right_logical3A = arith.constant 4 : i32
      %shift_right_logical3A_1002 = arith.shrui %add3A_1001, %shift_right_logical3A : i32
      %mul3A_1003 = arith.constant 0.0117968749 : f32
      %mul3A_1004 = arith.mulf %convert_element_type3A, %mul3A_1003 : f32
      %mul3A_1005 = arith.constant 0.999998986 : f32
      %mul3A_1006 = arith.mulf %mul3A_1004, %mul3A_1005 : f32
      %sub3A_1007 = arith.constant 9.99999971E-10 : f32
      %sub3A_1008 = arith.subf %mul3A_1006, %sub3A_1007 : f32
      %add3A_1009 = arith.constant 1.000000e+00 : f32
      %add3A_1010 = arith.addf %convert_element_type3A, %add3A_1009 : f32
      %mul3A_1011 = arith.constant 0.0117968749 : f32
      %mul3A_1012 = arith.mulf %add3A_1010, %mul3A_1011 : f32
      %mul3A_1013 = arith.constant 1.00000095 : f32
      %mul3A_1014 = arith.mulf %mul3A_1012, %mul3A_1013 : f32
      %add3A_1015 = arith.constant 9.99999971E-10 : f32
      %add3A_1016 = arith.addf %mul3A_1014, %add3A_1015 : f32
      %scan3A_1017 = arith.constant 0 : i32
      %scan3A_1018 = arith.constant 28 : i32
      %scan3A_1019 = arith.addi %scan3A_1017, %scan3A_1018 : i32
      %scan3A_1020 = arith.constant 1 : i32
      %scan3A_1021:2 = scf.for %scan3A_1039 = %scan3A_1017 to %scan3A_1019 step %scan3A_1020 iter_args(%scan3A_1040 = %sub3A_1008, %scan3A_1041 = %add3A_1016) -> (f32, f32)  : i32 {
        %add3A_1042 = arith.addf %scan3A_1040, %scan3A_1041 : f32
        %mul3A_1043 = arith.constant 5.000000e-01 : f32
        %mul3A_1044 = arith.mulf %add3A_1042, %mul3A_1043 : f32
        %while3A = arith.constant 0 : i32
        %while3A_1045 = arith.subi %shift_right_logical3A_1002, %while3A : i32
        %while3A_1046 = arith.addi %while3A, %while3A_1045 : i32
        %while3A_1047 = arith.constant 1 : i32
        %while3A_1048 = arith.divsi %while3A_1045, %while3A_1047 : i32
        %while3A_1049 = arith.muli %while3A_1048, %while3A_1047 : i32
        %while3A_1050 = arith.addi %while3A, %while3A_1049 : i32
        %while3A_1051 = arith.constant 1 : i32
        %while3A_1052 = scf.for %while3A_1062 = %while3A to %while3A_1050 step %while3A_1051 iter_args(%while3A_1063 = %broadcast_in_dim3A_3) -> (vector<16xi32>)  : i32 {
          %mul3A_1064 = arith.constant 16 : i32
          %mul3A_1065 = arith.muli %while3A_1062, %mul3A_1064 : i32
          %get3A_1066 = arith.index_cast %mul3A_1065 : i32 to index
          %get3A_1067 = tpu.vector_load %arg9[%get3A_1066] {strides = array<i32>} : memref<4112xf32, #tpu.memory_space<vmem>>, vector<16xf32>,
          %mul3A_1068 = arith.constant 16 : i32
          %mul3A_1069 = arith.muli %while3A_1062, %mul3A_1068 : i32
          %add3A_1070 = vector.broadcast %mul3A_1069 : i32 to vector<16xi32>
          %add3A_1071 = arith.addi %iota3A, %add3A_1070 : vector<16xi32>
          %lt3A_1072 = vector.broadcast %scan3A_998 : i32 to vector<16xi32>
          %lt3A_1073 = arith.cmpi slt, %add3A_1071, %lt3A_1072 : vector<16xi32>
          %ge3A_1074 = vector.broadcast %mul3A_1044 : f32 to vector<16xf32>
          %ge3A_1075 = arith.cmpf oge, %get3A_1067, %ge3A_1074 : vector<16xf32>
          %and3A_1076 = arith.andi %lt3A_1073, %ge3A_1075 : vector<16xi1>
          %jit3A_1077 = arith.constant 1 : i32
          %jit3A_1078 = arith.constant 0 : i32
          %broadcast_in_dim3A_1079 = vector.broadcast %jit3A_1077 : i32 to vector<16xi32>
          %broadcast_in_dim3A_1080 = vector.broadcast %jit3A_1078 : i32 to vector<16xi32>
          %select_n3A_1081 = arith.select %and3A_1076, %broadcast_in_dim3A_1079, %broadcast_in_dim3A_1080 : vector<16xi1>, vector<16xi32>
          %add3A_1082 = arith.addi %while3A_1063, %select_n3A_1081 : vector<16xi32>
          scf.yield %add3A_1082 : vector<16xi32>
        }
        %while3A_1053 = arith.constant 1 : i32
        %while3A_1054 = scf.for %while3A_1062 = %while3A_1050 to %while3A_1046 step %while3A_1053 iter_args(%while3A_1063 = %while3A_1052) -> (vector<16xi32>)  : i32 {
          %mul3A_1064 = arith.constant 16 : i32
          %mul3A_1065 = arith.muli %while3A_1062, %mul3A_1064 : i32
          %get3A_1066 = arith.index_cast %mul3A_1065 : i32 to index
          %get3A_1067 = tpu.vector_load %arg9[%get3A_1066] {strides = array<i32>} : memref<4112xf32, #tpu.memory_space<vmem>>, vector<16xf32>,
          %mul3A_1068 = arith.constant 16 : i32
          %mul3A_1069 = arith.muli %while3A_1062, %mul3A_1068 : i32
          %add3A_1070 = vector.broadcast %mul3A_1069 : i32 to vector<16xi32>
          %add3A_1071 = arith.addi %iota3A, %add3A_1070 : vector<16xi32>
          %lt3A_1072 = vector.broadcast %scan3A_998 : i32 to vector<16xi32>
          %lt3A_1073 = arith.cmpi slt, %add3A_1071, %lt3A_1072 : vector<16xi32>
          %ge3A_1074 = vector.broadcast %mul3A_1044 : f32 to vector<16xf32>
          %ge3A_1075 = arith.cmpf oge, %get3A_1067, %ge3A_1074 : vector<16xf32>
          %and3A_1076 = arith.andi %lt3A_1073, %ge3A_1075 : vector<16xi1>
          %jit3A_1077 = arith.constant 1 : i32
          %jit3A_1078 = arith.constant 0 : i32
          %broadcast_in_dim3A_1079 = vector.broadcast %jit3A_1077 : i32 to vector<16xi32>
          %broadcast_in_dim3A_1080 = vector.broadcast %jit3A_1078 : i32 to vector<16xi32>
          %select_n3A_1081 = arith.select %and3A_1076, %broadcast_in_dim3A_1079, %broadcast_in_dim3A_1080 : vector<16xi1>, vector<16xi32>
          %add3A_1082 = arith.addi %while3A_1063, %select_n3A_1081 : vector<16xi32>
          scf.yield %add3A_1082 : vector<16xi32>
        }
        %reduce_sum3A_1055 = arith.constant true
        %reduce_sum3A_1056 = vector.broadcast %reduce_sum3A_1055 : i1 to vector<16xi1>
        %reduce_sum3A_1057 = tpu.scan <sum>, %while3A_1054 masked %reduce_sum3A_1056 : vector<16xi32>, vector<16xi1> -> vector<16xi32>
        %reduce_sum3A_1058 = vector.extract %reduce_sum3A_1057[15] : i32 from vector<16xi32>
        %ge3A_1059 = arith.cmpi sge, %reduce_sum3A_1058, %sub3A_992 : i32
        %select_n3A_1060 = arith.select %ge3A_1059, %mul3A_1044, %scan3A_1040 : f32
        %select_n3A_1061 = arith.select %ge3A_1059, %scan3A_1041, %mul3A_1044 : f32
        scf.yield %select_n3A_1060, %select_n3A_1061 : f32, f32
      }
      %scan3A_1022 = arith.constant 28 : i32
      %gt3A = arith.constant 0 : i32
      %gt3A_1023 = arith.cmpi sgt, %scan3A_18, %gt3A : i32
      %convert_element_type3A_1024 = arith.extui %gt3A_1023 : i1 to i32
      %cond3A = arith.constant 0 : i32
      %cond3A_1025 = arith.cmpi ne, %convert_element_type3A_1024, %cond3A : i32
      scf.if %cond3A_1025 {
        %sub3A_1039 = arith.constant 1 : i32
        %sub3A_1040 = arith.subi %add3A_20, %sub3A_1039 : i32
        %dma_wait3A_1041 = arith.constant 0 : i32
        %dma_wait3A_1042 = tpu.memref_slice %arg4[%sub3A_1040, %dma_wait3A_1041] : memref<4096x4096xf32, #tpu.memory_space<hbm>> -> memref<1x4096xf32, #tpu.memory_space<hbm>>
        %dma_wait3A_1043 = tpu.memref_squeeze %dma_wait3A_1042 : memref<1x4096xf32, #tpu.memory_space<hbm>> -> memref<4096xf32, #tpu.memory_space<hbm>>
        %dma_wait3A_1044 = arith.constant 0 : i32
        %dma_wait3A_1045 = tpu.memref_slice %arg4[%sub3A_1040, %dma_wait3A_1044] : memref<4096x4096xf32, #tpu.memory_space<hbm>> -> memref<1x4096xf32, #tpu.memory_space<hbm>>
        %dma_wait3A_1046 = tpu.memref_squeeze %dma_wait3A_1045 : memref<1x4096xf32, #tpu.memory_space<hbm>> -> memref<4096xf32, #tpu.memory_space<hbm>>
        tpu.wait_dma2 semaphore(%arg11 : memref<!tpu.dma_semaphore, #tpu.memory_space<semaphore_mem>>) src(%arg8 : memref<4096xf32, #tpu.memory_space<vmem>>) dst(%dma_wait3A_1046 : memref<4096xf32, #tpu.memory_space<hbm>>)
      } else {
      }
      %scan3A_1026 = arith.constant 0 : i32
      %scan3A_1027 = arith.constant 0 : i32
      %scan3A_1028 = arith.constant 32 : i32
      %scan3A_1029 = arith.addi %scan3A_1027, %scan3A_1028 : i32
      %scan3A_1030 = arith.constant 1 : i32
      %scan3A_1031 = scf.for %scan3A_1039 = %scan3A_1027 to %scan3A_1029 step %scan3A_1030 iter_args(%scan3A_1040 = %scan3A_1026) -> (i32)  : i32 {
        %mul3A_1041 = arith.constant 8 : i32
        %mul3A_1042 = arith.muli %scan3A_1039, %mul3A_1041 : i32
        %add3A_1043 = arith.constant 0 : i32
        %add3A_1044 = arith.addi %mul3A_1042, %add3A_1043 : i32
        %mul3A_1045 = arith.constant 16 : i32
        %mul3A_1046 = arith.muli %add3A_1044, %mul3A_1045 : i32
        %get3A_1047 = arith.index_cast %mul3A_1046 : i32 to index
        %get3A_1048 = tpu.vector_load %arg7[%get3A_1047] {strides = array<i32>} : memref<4096xf32, #tpu.memory_space<vmem>>, vector<16xf32>,
        %ge3A_1049 = vector.broadcast %scan3A_1021#0 : f32 to vector<16xf32>
        %ge3A_1050 = arith.cmpf oge, %get3A_1048, %ge3A_1049 : vector<16xf32>
        %get3A_1051 = arith.index_cast %mul3A_1046 : i32 to index
        %get3A_1052 = tpu.vector_load %arg5[%get3A_1051] {strides = array<i32>} : memref<4096xf32, #tpu.memory_space<vmem>>, vector<16xf32>,
        %jit3A_1053 = arith.constant 0.000000e+00 : f32
        %broadcast_in_dim3A_1054 = vector.broadcast %jit3A_1053 : f32 to vector<16xf32>
        %select_n3A_1055 = arith.select %ge3A_1050, %get3A_1052, %broadcast_in_dim3A_1054 : vector<16xi1>, vector<16xf32>
        %swap3A_1056 = arith.index_cast %mul3A_1046 : i32 to index
        %swap3A_1057 = tpu.vector_load %arg8[%swap3A_1056] {strides = array<i32>} : memref<4096xf32, #tpu.memory_space<vmem>>, vector<16xf32>,
        tpu.vector_store %arg8[%swap3A_1056], %select_n3A_1055 {strides = array<i32>} : memref<4096xf32, #tpu.memory_space<vmem>>, vector<16xf32>,
        %mul3A_1058 = arith.constant 8 : i32
        %mul3A_1059 = arith.muli %scan3A_1039, %mul3A_1058 : i32
        %add3A_1060 = arith.constant 1 : i32
        %add3A_1061 = arith.addi %mul3A_1059, %add3A_1060 : i32
        %mul3A_1062 = arith.constant 16 : i32
        %mul3A_1063 = arith.muli %add3A_1061, %mul3A_1062 : i32
        %get3A_1064 = arith.index_cast %mul3A_1063 : i32 to index
        %get3A_1065 = tpu.vector_load %arg7[%get3A_1064] {strides = array<i32>} : memref<4096xf32, #tpu.memory_space<vmem>>, vector<16xf32>,
        %ge3A_1066 = vector.broadcast %scan3A_1021#0 : f32 to vector<16xf32>
        %ge3A_1067 = arith.cmpf oge, %get3A_1065, %ge3A_1066 : vector<16xf32>
        %get3A_1068 = arith.index_cast %mul3A_1063 : i32 to index
        %get3A_1069 = tpu.vector_load %arg5[%get3A_1068] {strides = array<i32>} : memref<4096xf32, #tpu.memory_space<vmem>>, vector<16xf32>,
        %jit3A_1070 = arith.constant 0.000000e+00 : f32
        %broadcast_in_dim3A_1071 = vector.broadcast %jit3A_1070 : f32 to vector<16xf32>
        %select_n3A_1072 = arith.select %ge3A_1067, %get3A_1069, %broadcast_in_dim3A_1071 : vector<16xi1>, vector<16xf32>
        %swap3A_1073 = arith.index_cast %mul3A_1063 : i32 to index
        %swap3A_1074 = tpu.vector_load %arg8[%swap3A_1073] {strides = array<i32>} : memref<4096xf32, #tpu.memory_space<vmem>>, vector<16xf32>,
        tpu.vector_store %arg8[%swap3A_1073], %select_n3A_1072 {strides = array<i32>} : memref<4096xf32, #tpu.memory_space<vmem>>, vector<16xf32>,
        %mul3A_1075 = arith.constant 8 : i32
        %mul3A_1076 = arith.muli %scan3A_1039, %mul3A_1075 : i32
        %add3A_1077 = arith.constant 2 : i32
        %add3A_1078 = arith.addi %mul3A_1076, %add3A_1077 : i32
        %mul3A_1079 = arith.constant 16 : i32
        %mul3A_1080 = arith.muli %add3A_1078, %mul3A_1079 : i32
        %get3A_1081 = arith.index_cast %mul3A_1080 : i32 to index
        %get3A_1082 = tpu.vector_load %arg7[%get3A_1081] {strides = array<i32>} : memref<4096xf32, #tpu.memory_space<vmem>>, vector<16xf32>,
        %ge3A_1083 = vector.broadcast %scan3A_1021#0 : f32 to vector<16xf32>
        %ge3A_1084 = arith.cmpf oge, %get3A_1082, %ge3A_1083 : vector<16xf32>
        %get3A_1085 = arith.index_cast %mul3A_1080 : i32 to index
        %get3A_1086 = tpu.vector_load %arg5[%get3A_1085] {strides = array<i32>} : memref<4096xf32, #tpu.memory_space<vmem>>, vector<16xf32>,
        %jit3A_1087 = arith.constant 0.000000e+00 : f32
        %broadcast_in_dim3A_1088 = vector.broadcast %jit3A_1087 : f32 to vector<16xf32>
        %select_n3A_1089 = arith.select %ge3A_1084, %get3A_1086, %broadcast_in_dim3A_1088 : vector<16xi1>, vector<16xf32>
        %swap3A_1090 = arith.index_cast %mul3A_1080 : i32 to index
        %swap3A_1091 = tpu.vector_load %arg8[%swap3A_1090] {strides = array<i32>} : memref<4096xf32, #tpu.memory_space<vmem>>, vector<16xf32>,
        tpu.vector_store %arg8[%swap3A_1090], %select_n3A_1089 {strides = array<i32>} : memref<4096xf32, #tpu.memory_space<vmem>>, vector<16xf32>,
        %mul3A_1092 = arith.constant 8 : i32
        %mul3A_1093 = arith.muli %scan3A_1039, %mul3A_1092 : i32
        %add3A_1094 = arith.constant 3 : i32
        %add3A_1095 = arith.addi %mul3A_1093, %add3A_1094 : i32
        %mul3A_1096 = arith.constant 16 : i32
        %mul3A_1097 = arith.muli %add3A_1095, %mul3A_1096 : i32
        %get3A_1098 = arith.index_cast %mul3A_1097 : i32 to index
        %get3A_1099 = tpu.vector_load %arg7[%get3A_1098] {strides = array<i32>} : memref<4096xf32, #tpu.memory_space<vmem>>, vector<16xf32>,
        %ge3A_1100 = vector.broadcast %scan3A_1021#0 : f32 to vector<16xf32>
        %ge3A_1101 = arith.cmpf oge, %get3A_1099, %ge3A_1100 : vector<16xf32>
        %get3A_1102 = arith.index_cast %mul3A_1097 : i32 to index
        %get3A_1103 = tpu.vector_load %arg5[%get3A_1102] {strides = array<i32>} : memref<4096xf32, #tpu.memory_space<vmem>>, vector<16xf32>,
        %jit3A_1104 = arith.constant 0.000000e+00 : f32
        %broadcast_in_dim3A_1105 = vector.broadcast %jit3A_1104 : f32 to vector<16xf32>
        %select_n3A_1106 = arith.select %ge3A_1101, %get3A_1103, %broadcast_in_dim3A_1105 : vector<16xi1>, vector<16xf32>
        %swap3A_1107 = arith.index_cast %mul3A_1097 : i32 to index
        %swap3A_1108 = tpu.vector_load %arg8[%swap3A_1107] {strides = array<i32>} : memref<4096xf32, #tpu.memory_space<vmem>>, vector<16xf32>,
        tpu.vector_store %arg8[%swap3A_1107], %select_n3A_1106 {strides = array<i32>} : memref<4096xf32, #tpu.memory_space<vmem>>, vector<16xf32>,
        %mul3A_1109 = arith.constant 8 : i32
        %mul3A_1110 = arith.muli %scan3A_1039, %mul3A_1109 : i32
        %add3A_1111 = arith.constant 4 : i32
        %add3A_1112 = arith.addi %mul3A_1110, %add3A_1111 : i32
        %mul3A_1113 = arith.constant 16 : i32
        %mul3A_1114 = arith.muli %add3A_1112, %mul3A_1113 : i32
        %get3A_1115 = arith.index_cast %mul3A_1114 : i32 to index
        %get3A_1116 = tpu.vector_load %arg7[%get3A_1115] {strides = array<i32>} : memref<4096xf32, #tpu.memory_space<vmem>>, vector<16xf32>,
        %ge3A_1117 = vector.broadcast %scan3A_1021#0 : f32 to vector<16xf32>
        %ge3A_1118 = arith.cmpf oge, %get3A_1116, %ge3A_1117 : vector<16xf32>
        %get3A_1119 = arith.index_cast %mul3A_1114 : i32 to index
        %get3A_1120 = tpu.vector_load %arg5[%get3A_1119] {strides = array<i32>} : memref<4096xf32, #tpu.memory_space<vmem>>, vector<16xf32>,
        %jit3A_1121 = arith.constant 0.000000e+00 : f32
        %broadcast_in_dim3A_1122 = vector.broadcast %jit3A_1121 : f32 to vector<16xf32>
        %select_n3A_1123 = arith.select %ge3A_1118, %get3A_1120, %broadcast_in_dim3A_1122 : vector<16xi1>, vector<16xf32>
        %swap3A_1124 = arith.index_cast %mul3A_1114 : i32 to index
        %swap3A_1125 = tpu.vector_load %arg8[%swap3A_1124] {strides = array<i32>} : memref<4096xf32, #tpu.memory_space<vmem>>, vector<16xf32>,
        tpu.vector_store %arg8[%swap3A_1124], %select_n3A_1123 {strides = array<i32>} : memref<4096xf32, #tpu.memory_space<vmem>>, vector<16xf32>,
        %mul3A_1126 = arith.constant 8 : i32
        %mul3A_1127 = arith.muli %scan3A_1039, %mul3A_1126 : i32
        %add3A_1128 = arith.constant 5 : i32
        %add3A_1129 = arith.addi %mul3A_1127, %add3A_1128 : i32
        %mul3A_1130 = arith.constant 16 : i32
        %mul3A_1131 = arith.muli %add3A_1129, %mul3A_1130 : i32
        %get3A_1132 = arith.index_cast %mul3A_1131 : i32 to index
        %get3A_1133 = tpu.vector_load %arg7[%get3A_1132] {strides = array<i32>} : memref<4096xf32, #tpu.memory_space<vmem>>, vector<16xf32>,
        %ge3A_1134 = vector.broadcast %scan3A_1021#0 : f32 to vector<16xf32>
        %ge3A_1135 = arith.cmpf oge, %get3A_1133, %ge3A_1134 : vector<16xf32>
        %get3A_1136 = arith.index_cast %mul3A_1131 : i32 to index
        %get3A_1137 = tpu.vector_load %arg5[%get3A_1136] {strides = array<i32>} : memref<4096xf32, #tpu.memory_space<vmem>>, vector<16xf32>,
        %jit3A_1138 = arith.constant 0.000000e+00 : f32
        %broadcast_in_dim3A_1139 = vector.broadcast %jit3A_1138 : f32 to vector<16xf32>
        %select_n3A_1140 = arith.select %ge3A_1135, %get3A_1137, %broadcast_in_dim3A_1139 : vector<16xi1>, vector<16xf32>
        %swap3A_1141 = arith.index_cast %mul3A_1131 : i32 to index
        %swap3A_1142 = tpu.vector_load %arg8[%swap3A_1141] {strides = array<i32>} : memref<4096xf32, #tpu.memory_space<vmem>>, vector<16xf32>,
        tpu.vector_store %arg8[%swap3A_1141], %select_n3A_1140 {strides = array<i32>} : memref<4096xf32, #tpu.memory_space<vmem>>, vector<16xf32>,
        %mul3A_1143 = arith.constant 8 : i32
        %mul3A_1144 = arith.muli %scan3A_1039, %mul3A_1143 : i32
        %add3A_1145 = arith.constant 6 : i32
        %add3A_1146 = arith.addi %mul3A_1144, %add3A_1145 : i32
        %mul3A_1147 = arith.constant 16 : i32
        %mul3A_1148 = arith.muli %add3A_1146, %mul3A_1147 : i32
        %get3A_1149 = arith.index_cast %mul3A_1148 : i32 to index
        %get3A_1150 = tpu.vector_load %arg7[%get3A_1149] {strides = array<i32>} : memref<4096xf32, #tpu.memory_space<vmem>>, vector<16xf32>,
        %ge3A_1151 = vector.broadcast %scan3A_1021#0 : f32 to vector<16xf32>
        %ge3A_1152 = arith.cmpf oge, %get3A_1150, %ge3A_1151 : vector<16xf32>
        %get3A_1153 = arith.index_cast %mul3A_1148 : i32 to index
        %get3A_1154 = tpu.vector_load %arg5[%get3A_1153] {strides = array<i32>} : memref<4096xf32, #tpu.memory_space<vmem>>, vector<16xf32>,
        %jit3A_1155 = arith.constant 0.000000e+00 : f32
        %broadcast_in_dim3A_1156 = vector.broadcast %jit3A_1155 : f32 to vector<16xf32>
        %select_n3A_1157 = arith.select %ge3A_1152, %get3A_1154, %broadcast_in_dim3A_1156 : vector<16xi1>, vector<16xf32>
        %swap3A_1158 = arith.index_cast %mul3A_1148 : i32 to index
        %swap3A_1159 = tpu.vector_load %arg8[%swap3A_1158] {strides = array<i32>} : memref<4096xf32, #tpu.memory_space<vmem>>, vector<16xf32>,
        tpu.vector_store %arg8[%swap3A_1158], %select_n3A_1157 {strides = array<i32>} : memref<4096xf32, #tpu.memory_space<vmem>>, vector<16xf32>,
        %mul3A_1160 = arith.constant 8 : i32
        %mul3A_1161 = arith.muli %scan3A_1039, %mul3A_1160 : i32
        %add3A_1162 = arith.constant 7 : i32
        %add3A_1163 = arith.addi %mul3A_1161, %add3A_1162 : i32
        %mul3A_1164 = arith.constant 16 : i32
        %mul3A_1165 = arith.muli %add3A_1163, %mul3A_1164 : i32
        %get3A_1166 = arith.index_cast %mul3A_1165 : i32 to index
        %get3A_1167 = tpu.vector_load %arg7[%get3A_1166] {strides = array<i32>} : memref<4096xf32, #tpu.memory_space<vmem>>, vector<16xf32>,
        %ge3A_1168 = vector.broadcast %scan3A_1021#0 : f32 to vector<16xf32>
        %ge3A_1169 = arith.cmpf oge, %get3A_1167, %ge3A_1168 : vector<16xf32>
        %get3A_1170 = arith.index_cast %mul3A_1165 : i32 to index
        %get3A_1171 = tpu.vector_load %arg5[%get3A_1170] {strides = array<i32>} : memref<4096xf32, #tpu.memory_space<vmem>>, vector<16xf32>,
        %jit3A_1172 = arith.constant 0.000000e+00 : f32
        %broadcast_in_dim3A_1173 = vector.broadcast %jit3A_1172 : f32 to vector<16xf32>
        %select_n3A_1174 = arith.select %ge3A_1169, %get3A_1171, %broadcast_in_dim3A_1173 : vector<16xi1>, vector<16xf32>
        %swap3A_1175 = arith.index_cast %mul3A_1165 : i32 to index
        %swap3A_1176 = tpu.vector_load %arg8[%swap3A_1175] {strides = array<i32>} : memref<4096xf32, #tpu.memory_space<vmem>>, vector<16xf32>,
        tpu.vector_store %arg8[%swap3A_1175], %select_n3A_1174 {strides = array<i32>} : memref<4096xf32, #tpu.memory_space<vmem>>, vector<16xf32>,
        %scan3A_1177 = arith.constant 0 : i32
        scf.yield %scan3A_1177 : i32
      }
      %scan3A_1032 = arith.constant 32 : i32
      %dma_start3A = arith.constant 0 : i32
      %dma_start3A_1033 = tpu.memref_slice %arg4[%add3A_20, %dma_start3A] : memref<4096x4096xf32, #tpu.memory_space<hbm>> -> memref<1x4096xf32, #tpu.memory_space<hbm>>
      %dma_start3A_1034 = tpu.memref_squeeze %dma_start3A_1033 : memref<1x4096xf32, #tpu.memory_space<hbm>> -> memref<4096xf32, #tpu.memory_space<hbm>>
      %dma_start3A_1035 = arith.constant 0 : i32
      %dma_start3A_1036 = tpu.memref_slice %arg4[%add3A_20, %dma_start3A_1035] : memref<4096x4096xf32, #tpu.memory_space<hbm>> -> memref<1x4096xf32, #tpu.memory_space<hbm>>
      %dma_start3A_1037 = tpu.memref_squeeze %dma_start3A_1036 : memref<1x4096xf32, #tpu.memory_space<hbm>> -> memref<4096xf32, #tpu.memory_space<hbm>>
      tpu.enqueue_dma source(%arg8 : memref<4096xf32, #tpu.memory_space<vmem>>) target(%dma_start3A_1037 : memref<4096xf32, #tpu.memory_space<hbm>>) target_semaphore(%arg11 : memref<!tpu.dma_semaphore, #tpu.memory_space<semaphore_mem>>)
      %scan3A_1038 = arith.constant 0 : i32
      scf.yield %scan3A_1038 : i32
    }
    %scan3A_9 = arith.constant 128 : i32
    %add3A_10 = arith.constant 128 : i32
    %add3A_11 = arith.addi %mul3A_2, %add3A_10 : i32
    %sub3A = arith.constant 1 : i32
    %sub3A_12 = arith.subi %add3A_11, %sub3A : i32
    %dma_wait3A = arith.constant 0 : i32
    %dma_wait3A_13 = tpu.memref_slice %arg4[%sub3A_12, %dma_wait3A] : memref<4096x4096xf32, #tpu.memory_space<hbm>> -> memref<1x4096xf32, #tpu.memory_space<hbm>>
    %dma_wait3A_14 = tpu.memref_squeeze %dma_wait3A_13 : memref<1x4096xf32, #tpu.memory_space<hbm>> -> memref<4096xf32, #tpu.memory_space<hbm>>
    %dma_wait3A_15 = arith.constant 0 : i32
    %dma_wait3A_16 = tpu.memref_slice %arg4[%sub3A_12, %dma_wait3A_15] : memref<4096x4096xf32, #tpu.memory_space<hbm>> -> memref<1x4096xf32, #tpu.memory_space<hbm>>
    %dma_wait3A_17 = tpu.memref_squeeze %dma_wait3A_16 : memref<1x4096xf32, #tpu.memory_space<hbm>> -> memref<4096xf32, #tpu.memory_space<hbm>>
    tpu.wait_dma2 semaphore(%arg11 : memref<!tpu.dma_semaphore, #tpu.memory_space<semaphore_mem>>) src(%arg8 : memref<4096xf32, #tpu.memory_space<vmem>>) dst(%dma_wait3A_17 : memref<4096xf32, #tpu.memory_space<hbm>>)
    return
  }
}

module attributes {stable_mosaic.version = 14 : i64} {
  func.func @_stats_body(%arg0: memref<4096x768xf32, #tpu.memory_space<vmem>>, %arg1: memref<2xf32, #tpu.memory_space<smem>>) attributes {dimension_semantics = [], scalar_prefetch = 0 : i64, scratch_operands = 0 : i64, tpu.core_type = #tpu.core_type<tc>} {
    %get3A = arith.constant 0 : index
    %get3A_0 = arith.constant 0 : index
    %get3A_1 = vector.load %arg0[%get3A, %get3A_0] : memref<4096x768xf32, #tpu.memory_space<vmem>>, vector<4096x768xf32>
    %dot_general3A = arith.constant dense<0.000000e+00> : vector<768x768xf32>
    %dot_general3A_2 = tpu.matmul %get3A_1, %get3A_1, %dot_general3A {dimension_numbers = #tpu.dot_dimension_numbers<[0], [0], [1], [1], [0, 1, 1, 1], [], []>, transpose_lhs_hint = false} : vector<4096x768xf32>, vector<4096x768xf32>, vector<768x768xf32> -> vector<768x768xf32>
    %mul3A = arith.mulf %dot_general3A_2, %dot_general3A_2 : vector<768x768xf32>
    %reduce_sum3A = vector.shape_cast %mul3A : vector<768x768xf32> to vector<1x768x768xf32>
    %reduce_sum3A_3 = arith.constant dense<0.000000e+00> : vector<1xf32>
    %reduce_sum3A_4 = vector.multi_reduction <add>, %reduce_sum3A, %reduce_sum3A_3 [1, 2] : vector<1x768x768xf32> to vector<1xf32>
    %reduce_sum3A_5 = vector.shape_cast %reduce_sum3A_4 : vector<1xf32> to vector<1x1x1xf32>
    %reduce_sum3A_6 = vector.extract %reduce_sum3A_5[0, 0, 0] : f32 from vector<1x1x1xf32>
    %reduce_sum3A_7 = arith.constant dense<0.000000e+00> : vector<768xf32>
    %reduce_sum3A_8 = vector.multi_reduction <add>, %get3A_1, %reduce_sum3A_7 [0] : vector<4096x768xf32> to vector<768xf32>
    %broadcast_in_dim3A = vector.shape_cast %reduce_sum3A_8 : vector<768xf32> to vector<1x768xf32>
    %mul3A_9 = arith.mulf %broadcast_in_dim3A, %broadcast_in_dim3A : vector<1x768xf32>
    %reduce_sum3A_10 = vector.shape_cast %mul3A_9 : vector<1x768xf32> to vector<1x1x768xf32>
    %reduce_sum3A_11 = arith.constant dense<0.000000e+00> : vector<1xf32>
    %reduce_sum3A_12 = vector.multi_reduction <add>, %reduce_sum3A_10, %reduce_sum3A_11 [1, 2] : vector<1x1x768xf32> to vector<1xf32>
    %reduce_sum3A_13 = vector.shape_cast %reduce_sum3A_12 : vector<1xf32> to vector<1x1x1xf32>
    %reduce_sum3A_14 = vector.extract %reduce_sum3A_13[0, 0, 0] : f32 from vector<1x1x1xf32>
    %div3A = arith.constant 0x4B800000 : f32
    %div3A_15 = arith.divf %reduce_sum3A_14, %div3A : f32
    %div3A_16 = arith.constant 0x4B800000 : f32
    %div3A_17 = arith.divf %reduce_sum3A_14, %div3A_16 : f32
    %mul3A_18 = arith.mulf %reduce_sum3A_14, %div3A_17 : f32
    %sub3A = arith.subf %reduce_sum3A_6, %mul3A_18 : f32
    %div3A_19 = arith.constant 0x4B7FFFFF : f32
    %div3A_20 = arith.divf %sub3A, %div3A_19 : f32
    %swap3A = arith.constant 0 : index
    %swap3A_21 = memref.load %arg1[%swap3A] : memref<2xf32, #tpu.memory_space<smem>>
    memref.store %div3A_15, %arg1[%swap3A] : memref<2xf32, #tpu.memory_space<smem>>
    %sqrt3A = math.sqrt %div3A_20 : f32
    %swap3A_22 = arith.constant 1 : index
    %swap3A_23 = memref.load %arg1[%swap3A_22] : memref<2xf32, #tpu.memory_space<smem>>
    memref.store %sqrt3A, %arg1[%swap3A_22] : memref<2xf32, #tpu.memory_space<smem>>
    return
  }
}

module attributes {stable_mosaic.version = 14 : i64} {
  func.func @_tc_body(%arg0: i32, %arg1: memref<256x768xf32, #tpu.memory_space<vmem>>, %arg2: memref<768x4096xf32, #tpu.memory_space<vmem>>, %arg3: memref<256x1xf32, #tpu.memory_space<vmem>>, %arg4: memref<1x4096xf32, #tpu.memory_space<vmem>>, %arg5: memref<2xf32, #tpu.memory_space<smem>>, %arg6: memref<256x4096xf32, #tpu.memory_space<vmem>>) attributes {dimension_semantics = [#tpu.dimension_semantics<arbitrary>], iteration_bounds = array<i64: 16>, scalar_prefetch = 0 : i64, scratch_operands = 0 : i64, tpu.core_type = #tpu.core_type<tc>, window_params = [{transform_indices = @transform_0, window_bounds = array<i64: 256, 768>}, {pipeline_mode = #tpu.pipeline_mode<synchronous>, transform_indices = @transform_1, window_bounds = array<i64: 768, 4096>}, {transform_indices = @transform_2, window_bounds = array<i64: 256, 1>}, {pipeline_mode = #tpu.pipeline_mode<synchronous>, transform_indices = @transform_3, window_bounds = array<i64: 1, 4096>}, {transform_indices = @transform_4, window_bounds = array<i64: 2>}, {transform_indices = @transform_5, window_bounds = array<i64: 256, 4096>}]} {
    %mul3A = arith.constant 256 : i32
    %mul3A_0 = arith.muli %arg0, %mul3A : i32
    %get3A = arith.constant 0 : index
    %get3A_1 = arith.constant 0 : index
    %get3A_2 = vector.load %arg1[%get3A, %get3A_1] : memref<256x768xf32, #tpu.memory_space<vmem>>, vector<256x768xf32>
    %get3A_3 = arith.constant 0 : index
    %get3A_4 = arith.constant 0 : index
    %get3A_5 = vector.load %arg2[%get3A_3, %get3A_4] : memref<768x4096xf32, #tpu.memory_space<vmem>>, vector<768x4096xf32>
    %dot_general3A = arith.constant dense<0.000000e+00> : vector<256x4096xf32>
    %dot_general3A_6 = tpu.matmul %get3A_2, %get3A_5, %dot_general3A {dimension_numbers = #tpu.dot_dimension_numbers<[1], [0], [0], [1], [0, 0, 1, 1], [], []>, transpose_lhs_hint = false} : vector<256x768xf32>, vector<768x4096xf32>, vector<256x4096xf32> -> vector<256x4096xf32>
    %get3A_7 = arith.constant 0 : index
    %get3A_8 = memref.load %arg5[%get3A_7] : memref<2xf32, #tpu.memory_space<smem>>
    %get3A_9 = arith.constant 1 : index
    %get3A_10 = memref.load %arg5[%get3A_9] : memref<2xf32, #tpu.memory_space<smem>>
    %sub3A = vector.broadcast %get3A_8 : f32 to vector<256x4096xf32>
    %sub3A_11 = arith.subf %dot_general3A_6, %sub3A : vector<256x4096xf32>
    %add3A = arith.constant 9.99999993E-9 : f32
    %add3A_12 = arith.addf %get3A_10, %add3A : f32
    %div3A = vector.broadcast %add3A_12 : f32 to vector<256x4096xf32>
    %div3A_13 = arith.divf %sub3A_11, %div3A : vector<256x4096xf32>
    %logistic3A = arith.negf %div3A_13 : vector<256x4096xf32>
    %logistic3A_14 = math.exp %logistic3A : vector<256x4096xf32>
    %logistic3A_15 = arith.constant 1.000000e+00 : f32
    %logistic3A_16 = vector.broadcast %logistic3A_15 : f32 to vector<256x4096xf32>
    %logistic3A_17 = arith.addf %logistic3A_16, %logistic3A_14 : vector<256x4096xf32>
    %logistic3A_18 = arith.divf %logistic3A_16, %logistic3A_17 : vector<256x4096xf32>
    %get3A_19 = arith.constant 0 : index
    %get3A_20 = arith.constant 0 : index
    %get3A_21 = vector.load %arg3[%get3A_19, %get3A_20] : memref<256x1xf32, #tpu.memory_space<vmem>>, vector<256x1xf32>
    %get3A_22 = arith.constant 0 : index
    %get3A_23 = arith.constant 0 : index
    %get3A_24 = vector.load %arg4[%get3A_22, %get3A_23] : memref<1x4096xf32, #tpu.memory_space<vmem>>, vector<1x4096xf32>
    %add3A_25 = vector.broadcast %get3A_21 : vector<256x1xf32> to vector<256x4096xf32>
    %add3A_26 = arith.addf %logistic3A_18, %add3A_25 : vector<256x4096xf32>
    %add3A_27 = vector.broadcast %get3A_24 : vector<1x4096xf32> to vector<256x4096xf32>
    %add3A_28 = arith.addf %add3A_26, %add3A_27 : vector<256x4096xf32>
    %iota3A = tpu.iota {dimensions = array<i32: 1>} : vector<256x4096xi32>
    %iota3A_29 = tpu.iota {dimensions = array<i32: 0>} : vector<256x4096xi32>
    %add3A_30 = vector.broadcast %mul3A_0 : i32 to vector<256x4096xi32>
    %add3A_31 = arith.addi %iota3A_29, %add3A_30 : vector<256x4096xi32>
    %eq3A = arith.cmpi eq, %iota3A, %add3A_31 : vector<256x4096xi32>
    %jit3A = arith.constant 0.000000e+00 : f32
    %broadcast_in_dim3A = vector.shape_cast %get3A_21 : vector<256x1xf32> to vector<256x1xf32>
    %broadcast_in_dim3A_32 = vector.broadcast %broadcast_in_dim3A : vector<256x1xf32> to vector<256x4096xf32>
    %broadcast_in_dim3A_33 = vector.broadcast %jit3A : f32 to vector<256x4096xf32>
    %select_n3A = arith.select %eq3A, %broadcast_in_dim3A_32, %broadcast_in_dim3A_33 : vector<256x4096xi1>, vector<256x4096xf32>
    %sub3A_34 = arith.subf %add3A_28, %select_n3A : vector<256x4096xf32>
    %swap3A = arith.constant 0 : index
    %swap3A_35 = arith.constant 0 : index
    %swap3A_36 = vector.load %arg6[%swap3A, %swap3A_35] : memref<256x4096xf32, #tpu.memory_space<vmem>>, vector<256x4096xf32>
    tpu.vector_store %arg6[%swap3A, %swap3A_35], %sub3A_34 {strides = array<i32>} : memref<256x4096xf32, #tpu.memory_space<vmem>>, vector<256x4096xf32>,
    return
  }
  func.func @transform_0(%arg0: i32) -> (i32, i32) {
    %c0_i32 = arith.constant 0 : i32
    %c0_i32_0 = arith.constant 0 : i32
    return %arg0, %c0_i32 : i32, i32
  }
  func.func @transform_1(%arg0: i32) -> (i32, i32) {
    %c0_i32 = arith.constant 0 : i32
    %c0_i32_0 = arith.constant 0 : i32
    %c0_i32_1 = arith.constant 0 : i32
    return %c0_i32, %c0_i32_0 : i32, i32
  }
  func.func @transform_2(%arg0: i32) -> (i32, i32) {
    %c0_i32 = arith.constant 0 : i32
    %c0_i32_0 = arith.constant 0 : i32
    return %arg0, %c0_i32 : i32, i32
  }
  func.func @transform_3(%arg0: i32) -> (i32, i32) {
    %c0_i32 = arith.constant 0 : i32
    %c0_i32_0 = arith.constant 0 : i32
    %c0_i32_1 = arith.constant 0 : i32
    return %c0_i32, %c0_i32_0 : i32, i32
  }
  func.func @transform_4(%arg0: i32) -> i32 {
    %c0_i32 = arith.constant 0 : i32
    %c0_i32_0 = arith.constant 0 : i32
    return %c0_i32 : i32
  }
  func.func @transform_5(%arg0: i32) -> (i32, i32) {
    %c0_i32 = arith.constant 0 : i32
    %c0_i32_0 = arith.constant 0 : i32
    return %arg0, %c0_i32 : i32, i32
  }
}

</mosaic_0001>

<sc_bundles>
// kernel: kernel.5.cloned.1.call-start
scs
__scs_entry_jumppad:
0x0: {  	(pc) =	sbr.rel $0x88, $3  }
0x1: {  	(tag) =	ssettag $0x0;
	lr =	simm.s32 $0x1  }
0x2: {  	[smem:$0x3F9E] =	sst lr;
	_ =	strace $0xD0000000  }
0x3: {  	_ = 	snop  }
0x4: {  	_ = 	snop  }
0x5: {  	_ = 	snop  }
0x6: {  	_ = 	snop  }
0x7: {  	_ = 	snop  }
__scs_overlays_trampoline_lowered:
0x8: {  	[smem:$0x3FAD] =	sst s0  }
0x9: {  	[smem:$0x3FAE] =	sst s1  }
0xa: {  	[smem:$0x3FAF] =	sst s2  }
0xb: {  	[smem:$0x3FB0] =	sst s3  }
0xc: {  	[smem:$0x3FB1] =	sst s4  }
0xd: {  	[smem:$0x3FB2] =	sst s5  }
0xe: {  	[smem:$0x3FB3] =	sst s6  }
0xf: {  	[smem:$0x3FB4] =	sst s7  }
0x10: {  	[smem:$0x3FB5] =	sst s8  }
0x11: {  	[smem:$0x3FB6] =	sst s9;
	s0 =	simm.s32 @!p0 $0x0  }
0x12: {  	s1 =	sld [smem:$0x3F9C];
	s0 =	simm.s32 @p0 $0x1  }
0x13: {  	[smem:$0x3FB7] =	sst s0;
	s0 =	simm.s32 @!p1 $0x0  }
0x14: {  	s2 =	sld [smem:$0x3F9B];
	s0 =	simm.s32 @p1 $0x1  }
0x15: {  	[smem:$0x3FB8] =	sst s0;
	s0 =	simm.s32 @!p2 $0x0  }
0x16: {  	s3 =	sld [smem:$0x3FDB];
	s0 =	simm.s32 @p2 $0x1  }
0x17: {  	s4 =	simm.s32 $0x1BF5;
	[smem:$0x3FBA] =	sst s0  }
0x18: {  	s0 =	sld [smem:$0x3F9D];
	_ =	swait.ge [sflag:s4], $0x0  }
0x19: {  	s7 =	sld [smem:$0x3F9E]  }
0x1a: {  	s8 =	sadd.s32 $0xFFFFE003, lr  }
0x1b: {  	s9 =	sadd.s32 $0xFFFFFEF7, lr;
	s5 =	simm.s32 $0xFFFFFFFF;
	p2 =	slt.u32 s8, $0xFFFFF086  }
0x1c: {  	p1 =	slt.u32 s9, $0xF7A;
	s5 =	simm.s32 @!p2 $0x0  }
0x1d: {  	s5 =	simm.s32 @p1 $0x1;
	p0 =	seq.s32 s7, s2  }
0x1e: {  	s7 =	smul.u32 @!p0 $0xF7A, s2;
	p2 =	seq.s32 @!p0 s5, $0x0  }
0x1f: {  	s9 =	smul.u32 $0xF7A, s1;
	s8 =	simm.s32 @!p0 $0x1BF5;
	p2 =	por !p2, p0  }
0x20: {  	[sflag:s8] =	ssyncset.s32 @!p0 $0xFFFFF086;
	s6 =	sadd.s32 @!p0 s3, s7;
	s7 =	simm.s32 @!p0 $0x108  }
0x21: {  	s3 =	sadd.s32 s3, s9;
	s6 =	sadd.s32 @!p0 $0x88, s6;
	s7 =	simm.s32 @p2 $0x1082  }
0x22: {  	[simem:s7], [sflag:s8] =	dma.local @!p0 [hbm:s6], $0xF7A  }
0x23: {  	s9 =	sor.u32 $0xD0000000, s2;
	s6 =	simm.s32 $0x108;
	_ =	swait.ge @!p0 [sflag:s8], $0x0  }
0x24: {  	s3 =	sadd.s32 $0x88, s3;
	s6 =	simm.s32 @!p1 $0x1082;
	[sflag:s4] =	ssyncset.s32 $0xFFFFF086  }
0x25: {  	[simem:s6], [sflag:s4] =	dma.local [hbm:s3], $0xF7A  }
0x26: {  	[smem:$0x3F9E] =	sst s1;
	(tag) =	ssettag s2;
	_ =	strace s9  }
0x27: {  	s1 =	sld [smem:$0x3FAE]  }
0x28: {  	s2 =	sld [smem:$0x3FAF]  }
0x29: {  	s4 =	sld [smem:$0x3FB1]  }
0x2a: {  	p0 =	seq.s32 s5, $0x0;
	s5 =	sld [smem:$0x3FB2]  }
0x2b: {  	s6 =	sld [smem:$0x3FB3]  }
0x2c: {  	s7 =	sld [smem:$0x3FB4]  }
0x2d: {  	s3 =	simm.s32 $0x108;
	s8 =	sld [smem:$0x3FB5]  }
0x2e: {  	s3 =	simm.s32 @!p0 $0x1082;
	s9 =	sld [smem:$0x3FB6]  }
0x2f: {  	lr =	sadd.s32 s0, s3;
	s0 =	sld [smem:$0x3FAD]  }
0x30: {  	s3 =	sld [smem:$0x3FB0]  }
0x31: {  	[smem:$0x3FB9] =	sst s10  }
0x32: {  	s10 =	sld [smem:$0x3FB7];
	_ =	sdelay $0x3  }
0x33: {  	p0 =	seq.s32 s10, $0x1;
	s10 =	sld [smem:$0x3FB9];
	_ =	sdelay $0x3  }
0x34: {  	[smem:$0x3FB9] =	sst s10  }
0x35: {  	s10 =	sld [smem:$0x3FB8];
	_ =	sdelay $0x3  }
0x36: {  	p1 =	seq.s32 s10, $0x1;
	s10 =	sld [smem:$0x3FB9];
	_ =	sdelay $0x3  }
0x37: {  	[smem:$0x3FB9] =	sst s10  }
0x38: {  	s10 =	sld [smem:$0x3FBA]  }
0x39: {  	_ = 	snop;
	(pc) =	sbr.ind lr, $3  }
0x3a: {  	_ = 	snop  }
0x3b: {  	_ = 	snop  }
0x3c: {  	p2 =	seq.s32 s10, $0x1;
	s10 =	sld [smem:$0x3FB9]  }
0x3d: {  	_ =	shalt  }
0x3e: {  	_ =	shalt  }
0x3f: {  	_ =	shalt  }
0x40: {  	_ =	shalt  }
0x41: {  	_ =	shalt  }
0x42: {  	_ =	shalt  }
0x43: {  	_ =	shalt  }
0x44: {  	_ =	shalt  }
0x45: {  	_ =	shalt  }
0x46: {  	_ =	shalt  }
0x47: {  	_ =	shalt  }
0x48: {  	_ =	shalt  }
0x49: {  	_ =	shalt  }
0x4a: {  	_ =	shalt  }
0x4b: {  	_ =	shalt  }
0x4c: {  	_ =	shalt  }
0x4d: {  	_ =	shalt  }
0x4e: {  	_ =	shalt  }
0x4f: {  	_ =	shalt  }
0x50: {  	_ =	shalt  }
0x51: {  	_ =	shalt  }
0x52: {  	_ =	shalt  }
0x53: {  	_ =	shalt  }
0x54: {  	_ =	shalt  }
0x55: {  	_ =	shalt  }
0x56: {  	_ =	shalt  }
0x57: {  	_ =	shalt  }
0x58: {  	_ =	shalt  }
0x59: {  	_ =	shalt  }
0x5a: {  	_ =	shalt  }
0x5b: {  	_ =	shalt  }
0x5c: {  	_ =	shalt  }
0x5d: {  	_ =	shalt  }
0x5e: {  	_ =	shalt  }
0x5f: {  	_ =	shalt  }
0x60: {  	_ =	shalt  }
0x61: {  	_ =	shalt  }
0x62: {  	_ =	shalt  }
0x63: {  	_ =	shalt  }
0x64: {  	_ =	shalt  }
0x65: {  	_ =	shalt  }
0x66: {  	_ =	shalt  }
0x67: {  	_ =	shalt  }
0x68: {  	_ =	shalt  }
0x69: {  	_ =	shalt  }
0x6a: {  	_ =	shalt  }
0x6b: {  	_ =	shalt  }
0x6c: {  	_ =	shalt  }
0x6d: {  	_ =	shalt  }
0x6e: {  	_ =	shalt  }
0x6f: {  	_ =	shalt  }
0x70: {  	_ =	shalt  }
0x71: {  	_ =	shalt  }
0x72: {  	_ =	shalt  }
0x73: {  	_ =	shalt  }
0x74: {  	_ =	shalt  }
0x75: {  	_ =	shalt  }
0x76: {  	_ =	shalt  }
0x77: {  	_ =	shalt  }
0x78: {  	_ =	shalt  }
0x79: {  	_ =	shalt  }
0x7a: {  	_ =	shalt  }
0x7b: {  	_ =	shalt  }
0x7c: {  	_ =	shalt  }
0x7d: {  	_ =	shalt  }
0x7e: {  	_ =	shalt  }
0x7f: {  	_ =	shalt  }
0x80: {  	_ =	shalt  }
0x81: {  	_ =	shalt  }
0x82: {  	_ =	shalt  }
0x83: {  	_ =	shalt  }
0x84: {  	_ =	shalt  }
0x85: {  	_ =	shalt  }
0x86: {  	_ =	shalt  }
0x87: {  	_ =	shalt  }
.Lfunc_end0:
.L_simem_size_0:
called_computation_lowered:
.L_overlay_start_0:
0x88: {  	s2 =	sld [smem:$0x3FD9]  }
0x89: {  	s3 =	sld [smem:$0x3FFE];
	_ =	sdelay $0x1  }
0x8a: {  	s1 =	srdreg.scid  }
0x8b: {  	s0 =	sand.u32 $0x1, s1  }
0x8c: {  	s17 =	sshll.u32 s0, $0xA;
	s2 =	sadd.s32 s3, s2  }
0x8d: {  	s2 =	sadd.s32 s2, s17  }
0x8e: {  	[smem:$0x3FC5] =	sst s2  }
0x8f: {  	_ = 	snop  }
0x90: {  	s2 =	sld [smem:$0x3FD0];
	(tm) =	ssettm $0x1  }
0x91: {  	s18 =	sld [smem:$0x3FFB];
	_ =	sdelay $0x3  }
0x92: {  	_ =	strace s18  }
0x93: {  	s3 =	sld [smem:$0x3FFC];
	_ =	sdelay $0x3  }
0x94: {  	_ =	strace s3  }
0x95: {  	s3 =	sld [smem:$0x3FFD];
	_ =	sdelay $0x3  }
0x96: {  	_ =	strace s3  }
0x97: {  	_ =	strace $0x8FFFFFFF  }
0x98: {  	s19 =	sld [smem:$0x3FDB];
	_ =	sdelay $0x1  }
0x99: {  	s4 =	simm.s32 $_scs_section_size  }
0x9a: {  	s5 =	simm.s32 $_size__tile_overlayer_lowered;
	s6 =	simm.s32 $_tile_overlayer_lowered  }
0x9b: {  	s22 =	simm.s32 $0x1BFF;
	s21 =	sshll.u32 s6, $0x1;
	s3 =	sadd.s32 s4, s19  }
0x9c: {  	s7 =	simm.s32 $0x0;
	s20 =	sshll.u32 s5, $0x1;
	s5 =	sadd.s32 s21, s3  }
0x9d: {  	[timem:s7], [sflag:s22] =	dma.local [hbm:s5], s20  }
0x9e: {  	_ =	swait.ge [sflag:s22], s20  }
0x9f: {  	s4 =	ssub.s32 $0x0, s20;
	[sflag:s22] =	ssyncset.done $0x0  }
0xa0: {  	[sflag:s22] =	ssyncadd.s32 s4;
	_ =	sdelay $0x1  }
0xa1: {  	s23 =	simm.s32 $0x1B8B  }
0xa2: {  	_ =	swait.ge [sflag:s23], $0x1  }
0xa3: {  	[sflag:s23] =	ssyncset.done $0x0  }
0xa4: {  	s25 =	simm.s32 $0x1B8E;
	s24 =	sld [smem:$0x3FFE];
	[sflag:s23] =	ssyncadd.s32 $0xFFFFFFFF  }
0xa5: {  	s26 =	simm.s32 $execute0_lowered;
	[smem:$0x3FD2] =	sst s25  }
0xa6: {  	s5 =	sshll.u32 s26, $0x1;
	_ =	strace $0x80000046;
	[dreg:$0x1] =	wrdreg $0xFFFFFFFF  }
0xa7: {  	s28 =	simm.s32 $_size_execute0_lowered;
	s3 =	sadd.s32 s3, s5;
	[dreg:$0x0] =	wrdreg $0x0  }
0xa8: {  	s5 =	sshll.u32 s28, $0x1;
	[dreg:$0x2] =	wrdreg s3  }
0xa9: {  	[dreg:$0x3] =	wrdreg s5  }
0xaa: {  	[dreg:$0x4] =	wrdreg $0xC0  }
0xab: {  	_ =	task [dreg:s7], $0x5FFFF  }
0xac: {  	[dreg:$0x1] =	wrdreg $0xFFFFFFFF  }
0xad: {  	[dreg:$0x0] =	wrdreg $0x60  }
0xae: {  	[dreg:$0x2] =	wrdreg s24  }
0xaf: {  	[dreg:$0x3] =	wrdreg s2  }
0xb0: {  	[dreg:$0x4] =	wrdreg $0x9  }
0xb1: {  	_ =	task.clear_ibuf [dreg:s7], $0x5FFFF;
	_ =	strace $0x90000046  }
0xb2: {  	s29 =	simm.s32 $0x9;
	_ =	strace $0x80000048  }
0xb3: {  	_ =	swait.ge [sflag:s29], $0x1  }
0xb4: {  	[sflag:s29] =	ssyncadd.s32 $0xFFFFFFFF  }
0xb5: {  	_ =	strace $0x90000048  }
0xb6: {  	_ =	sfence  }
0xb7: {  	s30 =	sld [smem:$0x0];
	_ =	sdelay $0x2  }
0xb8: {  	s31 =	sshll.u32 s1, $0xD;
	s1 =	sshrl.u32 s1, $0x2  }
0xb9: {  	s3 =	sand.u32 $0x4000, s31;
	s1 =	sadd.s32 s1, s30  }
0xba: {  	s0 =	sor.u32 s3, s0;
	s1 =	sshll.u32 s1, $0x11  }
0xbb: {  	s0 =	sor.u32 s1, s0  }
0xbc: {  	s0 =	sadd.s32 $0x8F2B, s0  }
0xbd: {  	[sflag:s0] =	ssyncadd.remote.s32 $0x1  }
0xbe: {  	_ =	sfence.sel $0xFFFF  }
0xbf: {  	[dreg:$0x0] =	wrdreg $0xFFFFFFFF;
	(pc) =	sbr.abs _section_cstart, $3  }
0xc0: {  	[dreg:$0x1] =	wrdreg $0xFFFFFFFF  }
0xc1: {  	_ =	task.clear_ibuf [dreg:s7], $0x2FFFF;
	_ =	strace $0x9FFFFFFF  }
0xc2: {  	(tm) =	ssettm $0x7FFFFFFF  }
0xc3: {  	_ =	shalt  }
tec
execute0_lowered:
.L_overlay_start_1:
0x0: {  	(tag) =	ssettag $0x1  }
0x1: {  	s1 =	rddreg [dreg:$0x0]  }
0x2: {  	s2 =	rddreg [dreg:$0x1]  }
0x3: {  	s3 =	simm.s32 $0x0;
	s0 =	srdreg.scid;
	s4 =	stileid.u32  }
0x4: {  	s8 =	simm.s32 $0x80;
	s9 =	simm.s32 $0x400;
	s10 =	simm.s32 $0x2  }
0x5: {  	v0 =	vlaneseq.u32;
	s11 =	simm.s32 $0x1000;
	s12 =	simm.s32 $0x5080;
	s0 =	sand.u32 $0x1, s0  }
0x6: {  	s13 =	simm.s32 $0x1;
	s14 =	simm.s32 $0x3000;
	v2 =	vmul.u32 $0xFFFFFFFF, v0;
	s6 =	ssub.s32 $0x2, s0  }
0x7: {  	[smem:$0x7FF] =	sst s3;
	s5 =	sadd.s32 $0x200000, s1;
	s7 =	sshrl.u32 s6, $0x1  }
0x8: {  	s31 =	sshll.u32 s4, $0x8;
	s0 =	sshll.u32 s0, $0x7;
	v2 =	vadd.s32 $0xF, v2;
	s7 =	ssub.s32 s6, s7  }
0x9: {  	v1 =	vimm.s32 $0x0;
	_ =	strace $0x80000047;
	s6 =	sor.u32 s0, s31;
	[tilespmem:$0x1FFF0] =	vst v2;
	s7 =	smax.u32 s7, $0x1  }
.LBB2_1:
0xa: {  	s15 =	simm.s32 $0x0  }
.LBB2_2:
0xb: {  	s0 =	sadd.s32 s6, s15  }
0xc: {  	s16 =	sshll.u32 s15, $0x4;
	s0 =	sshll.u32 s0, $0x9  }
0xd: {  	s16 =	sand.u32 $0x70, s16;
	s0 =	sand.u32 $0x1FF000, s0  }
0xe: {  	s16 =	sor.u32 s16, s0  }
0xf: {  	s17 =	simm.s32 $0x0;
	s0 =	sadd.s32 s5, s16  }
0x10: {  	[tilespmem:s17], [sflag:$0x2] =	stream.strided.gather [hbm4b:s0+s8], $0x1000, s9, s8, $0x38;
	[tilespmem:$0x5880] =	vst v63  }
0x11: {  	_ =	swait.ge [sflag:s10], $0x1000  }
0x12: {  	[sflag:s10] =	ssyncset.done $0x0  }
0x13: {  	s31 =	sadd.s32 s1, s16;
	[sflag:s10] =	ssyncadd.s32 $0xFFFFF000  }
0x14: {  	[tilespmem:s11], [sflag:$0x2] =	stream.strided.gather [hbm4b:s31+s8], $0x1000, s9, s8, $0x38;
	[tilespmem:$0x5880] =	vst v63  }
0x15: {  	_ =	swait.ge [sflag:s10], $0x1000  }
0x16: {  	[sflag:s10] =	ssyncset.done $0x0  }
0x17: {  	[sflag:s10] =	ssyncadd.s32 $0xFFFFF000  }
0x18: {  	[tilespmem:$0x5080] =	vst v1  }
0x19: {  	[tilespmem:$0x5090] =	vst v1  }
0x1a: {  	[tilespmem:$0x50A0] =	vst v1  }
0x1b: {  	[tilespmem:$0x50B0] =	vst v1  }
0x1c: {  	[tilespmem:$0x50C0] =	vst v1  }
0x1d: {  	[tilespmem:$0x50D0] =	vst v1  }
0x1e: {  	[tilespmem:$0x50E0] =	vst v1  }
0x1f: {  	[tilespmem:$0x50F0] =	vst v1  }
0x20: {  	[tilespmem:$0x5100] =	vst v1  }
0x21: {  	[tilespmem:$0x5110] =	vst v1  }
0x22: {  	[tilespmem:$0x5120] =	vst v1  }
0x23: {  	[tilespmem:$0x5130] =	vst v1  }
0x24: {  	[tilespmem:$0x5140] =	vst v1  }
0x25: {  	[tilespmem:$0x5150] =	vst v1  }
0x26: {  	[tilespmem:$0x5160] =	vst v1  }
0x27: {  	[tilespmem:$0x5170] =	vst v1  }
0x28: {  	[tilespmem:$0x5180] =	vst v1  }
0x29: {  	[tilespmem:$0x5190] =	vst v1  }
0x2a: {  	[tilespmem:$0x51A0] =	vst v1  }
0x2b: {  	[tilespmem:$0x51B0] =	vst v1  }
0x2c: {  	[tilespmem:$0x51C0] =	vst v1  }
0x2d: {  	[tilespmem:$0x51D0] =	vst v1  }
0x2e: {  	[tilespmem:$0x51E0] =	vst v1  }
0x2f: {  	[tilespmem:$0x51F0] =	vst v1  }
0x30: {  	[tilespmem:$0x5200] =	vst v1  }
0x31: {  	[tilespmem:$0x5210] =	vst v1  }
0x32: {  	[tilespmem:$0x5220] =	vst v1  }
0x33: {  	[tilespmem:$0x5230] =	vst v1  }
0x34: {  	[tilespmem:$0x5240] =	vst v1  }
0x35: {  	[tilespmem:$0x5250] =	vst v1  }
0x36: {  	[tilespmem:$0x5260] =	vst v1  }
0x37: {  	[tilespmem:$0x5270] =	vst v1  }
0x38: {  	[tilespmem:$0x5280] =	vst v1  }
0x39: {  	[tilespmem:$0x5290] =	vst v1  }
0x3a: {  	[tilespmem:$0x52A0] =	vst v1  }
0x3b: {  	[tilespmem:$0x52B0] =	vst v1  }
0x3c: {  	[tilespmem:$0x52C0] =	vst v1  }
0x3d: {  	[tilespmem:$0x52D0] =	vst v1  }
0x3e: {  	[tilespmem:$0x52E0] =	vst v1  }
0x3f: {  	[tilespmem:$0x52F0] =	vst v1  }
0x40: {  	[tilespmem:$0x5300] =	vst v1  }
0x41: {  	[tilespmem:$0x5310] =	vst v1  }
0x42: {  	[tilespmem:$0x5320] =	vst v1  }
0x43: {  	[tilespmem:$0x5330] =	vst v1  }
0x44: {  	[tilespmem:$0x5340] =	vst v1  }
0x45: {  	[tilespmem:$0x5350] =	vst v1  }
0x46: {  	[tilespmem:$0x5360] =	vst v1  }
0x47: {  	[tilespmem:$0x5370] =	vst v1  }
0x48: {  	[tilespmem:$0x5380] =	vst v1  }
0x49: {  	[tilespmem:$0x5390] =	vst v1  }
0x4a: {  	[tilespmem:$0x53A0] =	vst v1  }
0x4b: {  	[tilespmem:$0x53B0] =	vst v1  }
0x4c: {  	[tilespmem:$0x53C0] =	vst v1  }
0x4d: {  	[tilespmem:$0x53D0] =	vst v1  }
0x4e: {  	[tilespmem:$0x53E0] =	vst v1  }
0x4f: {  	[tilespmem:$0x53F0] =	vst v1  }
0x50: {  	[tilespmem:$0x5400] =	vst v1  }
0x51: {  	[tilespmem:$0x5410] =	vst v1  }
0x52: {  	[tilespmem:$0x5420] =	vst v1  }
0x53: {  	[tilespmem:$0x5430] =	vst v1  }
0x54: {  	[tilespmem:$0x5440] =	vst v1  }
0x55: {  	[tilespmem:$0x5450] =	vst v1  }
0x56: {  	[tilespmem:$0x5460] =	vst v1  }
0x57: {  	[tilespmem:$0x5470] =	vst v1  }
0x58: {  	[tilespmem:$0x5480] =	vst v1  }
0x59: {  	[tilespmem:$0x5490] =	vst v1  }
0x5a: {  	[tilespmem:$0x54A0] =	vst v1  }
0x5b: {  	[tilespmem:$0x54B0] =	vst v1  }
0x5c: {  	[tilespmem:$0x54C0] =	vst v1  }
0x5d: {  	[tilespmem:$0x54D0] =	vst v1  }
0x5e: {  	[tilespmem:$0x54E0] =	vst v1  }
0x5f: {  	[tilespmem:$0x54F0] =	vst v1  }
0x60: {  	[tilespmem:$0x5500] =	vst v1  }
0x61: {  	[tilespmem:$0x5510] =	vst v1  }
0x62: {  	[tilespmem:$0x5520] =	vst v1  }
0x63: {  	[tilespmem:$0x5530] =	vst v1  }
0x64: {  	[tilespmem:$0x5540] =	vst v1  }
0x65: {  	[tilespmem:$0x5550] =	vst v1  }
0x66: {  	[tilespmem:$0x5560] =	vst v1  }
0x67: {  	[tilespmem:$0x5570] =	vst v1  }
0x68: {  	[tilespmem:$0x5580] =	vst v1  }
0x69: {  	[tilespmem:$0x5590] =	vst v1  }
0x6a: {  	[tilespmem:$0x55A0] =	vst v1  }
0x6b: {  	[tilespmem:$0x55B0] =	vst v1  }
0x6c: {  	[tilespmem:$0x55C0] =	vst v1  }
0x6d: {  	[tilespmem:$0x55D0] =	vst v1  }
0x6e: {  	[tilespmem:$0x55E0] =	vst v1  }
0x6f: {  	[tilespmem:$0x55F0] =	vst v1  }
0x70: {  	[tilespmem:$0x5600] =	vst v1  }
0x71: {  	[tilespmem:$0x5610] =	vst v1  }
0x72: {  	[tilespmem:$0x5620] =	vst v1  }
0x73: {  	[tilespmem:$0x5630] =	vst v1  }
0x74: {  	[tilespmem:$0x5640] =	vst v1  }
0x75: {  	[tilespmem:$0x5650] =	vst v1  }
0x76: {  	[tilespmem:$0x5660] =	vst v1  }
0x77: {  	[tilespmem:$0x5670] =	vst v1  }
0x78: {  	[tilespmem:$0x5680] =	vst v1  }
0x79: {  	[tilespmem:$0x5690] =	vst v1  }
0x7a: {  	[tilespmem:$0x56A0] =	vst v1  }
0x7b: {  	[tilespmem:$0x56B0] =	vst v1  }
0x7c: {  	[tilespmem:$0x56C0] =	vst v1  }
0x7d: {  	[tilespmem:$0x56D0] =	vst v1  }
0x7e: {  	[tilespmem:$0x56E0] =	vst v1  }
0x7f: {  	[tilespmem:$0x56F0] =	vst v1  }
0x80: {  	[tilespmem:$0x5700] =	vst v1  }
0x81: {  	[tilespmem:$0x5710] =	vst v1  }
0x82: {  	[tilespmem:$0x5720] =	vst v1  }
0x83: {  	[tilespmem:$0x5730] =	vst v1  }
0x84: {  	[tilespmem:$0x5740] =	vst v1  }
0x85: {  	[tilespmem:$0x5750] =	vst v1  }
0x86: {  	[tilespmem:$0x5760] =	vst v1  }
0x87: {  	[tilespmem:$0x5770] =	vst v1  }
0x88: {  	[tilespmem:$0x5780] =	vst v1  }
0x89: {  	[tilespmem:$0x5790] =	vst v1  }
0x8a: {  	[tilespmem:$0x57A0] =	vst v1  }
0x8b: {  	[tilespmem:$0x57B0] =	vst v1  }
0x8c: {  	[tilespmem:$0x57C0] =	vst v1  }
0x8d: {  	[tilespmem:$0x57D0] =	vst v1  }
0x8e: {  	[tilespmem:$0x57E0] =	vst v1  }
0x8f: {  	[tilespmem:$0x57F0] =	vst v1  }
0x90: {  	[tilespmem:$0x5800] =	vst v1  }
0x91: {  	[tilespmem:$0x5810] =	vst v1  }
0x92: {  	[tilespmem:$0x5820] =	vst v1  }
0x93: {  	[tilespmem:$0x5830] =	vst v1  }
0x94: {  	[tilespmem:$0x5840] =	vst v1  }
0x95: {  	[tilespmem:$0x5850] =	vst v1  }
0x96: {  	[tilespmem:$0x5860] =	vst v1  }
0x97: {  	[tilespmem:$0x5870] =	vst v1  }
.LBB2_3:
0x98: {  	s18 =	sshra.s32 s17, $0x2  }
0x99: {  	v3 =	vld [tilespmem:s18+$0x0]  }
0x9a: {  	v4 =	vld [tilespmem:s18+$0x1000];
	_ =	sdelay $0x4  }
0x9b: {  	v3 =	vadd.f32 v4, v3;
	_ =	sdelay $0x1  }
0x9c: {  	v4 =	vmul.f32 $8.476821140e+01, v3;
	_ =	sdelay $0x1  }
0x9d: {  	v4 =	vtrunc.f32 v4  }
0x9e: {  	v4 =	vcvt.f32.s32 v4;
	_ =	sdelay $0x1  }
0x9f: {  	vm0 =	vlt.s32 v4, $0xFF  }
0xa0: {  	v4 =	vnsel vm0, $0xFF, v4  }
0xa1: {  	(xrf1) =	vunique.msk.u32 $0xffff, v4;
	_ =	sdelay $0xd  }
0xa2: {  	_, v5, vm13 =	vpop (xrf1);
	_ =	sdelay $0x4  }
0xa3: {  	[tilespmem:s18+$0x2000] =	vst v3  }
0xa4: {  	[tilespmem:v4+s12+$0x0] =	vst.idx.add.s32.msk vm13, v5  }
0xa5: {  	v3 =	vld [tilespmem:s18+$0x10]  }
0xa6: {  	v4 =	vld [tilespmem:s18+$0x1010];
	_ =	sdelay $0x4  }
0xa7: {  	v3 =	vadd.f32 v4, v3;
	_ =	sdelay $0x1  }
0xa8: {  	v4 =	vmul.f32 $8.476821140e+01, v3;
	_ =	sdelay $0x1  }
0xa9: {  	v4 =	vtrunc.f32 v4  }
0xaa: {  	v4 =	vcvt.f32.s32 v4;
	_ =	sdelay $0x1  }
0xab: {  	vm14 =	vlt.s32 v4, $0xFF  }
0xac: {  	v4 =	vnsel vm14, $0xFF, v4  }
0xad: {  	(xrf1) =	vunique.msk.u32 $0xffff, v4;
	_ =	sdelay $0xd  }
0xae: {  	_, v57, vm15 =	vpop (xrf1)  }
0xaf: {  	v4 =	vadd.s32 $0x100, v4;
	_ =	sdelay $0x3  }
0xb0: {  	[tilespmem:s18+$0x2010] =	vst v3  }
0xb1: {  	[tilespmem:v4+s12+$0x0] =	vst.idx.add.s32.msk vm15, v57  }
0xb2: {  	v3 =	vld [tilespmem:s18+$0x20]  }
0xb3: {  	v4 =	vld [tilespmem:s18+$0x1020];
	_ =	sdelay $0x4  }
0xb4: {  	v3 =	vadd.f32 v4, v3;
	_ =	sdelay $0x1  }
0xb5: {  	v4 =	vmul.f32 $8.476821140e+01, v3;
	_ =	sdelay $0x1  }
0xb6: {  	v4 =	vtrunc.f32 v4  }
0xb7: {  	v4 =	vcvt.f32.s32 v4;
	_ =	sdelay $0x1  }
0xb8: {  	vm4 =	vlt.s32 v4, $0xFF  }
0xb9: {  	v4 =	vnsel vm4, $0xFF, v4  }
0xba: {  	(xrf1) =	vunique.msk.u32 $0xffff, v4;
	_ =	sdelay $0xd  }
0xbb: {  	_, v58, vm5 =	vpop (xrf1)  }
0xbc: {  	v4 =	vadd.s32 $0x200, v4;
	_ =	sdelay $0x3  }
0xbd: {  	[tilespmem:s18+$0x2020] =	vst v3  }
0xbe: {  	[tilespmem:v4+s12+$0x0] =	vst.idx.add.s32.msk vm5, v58  }
0xbf: {  	v3 =	vld [tilespmem:s18+$0x30]  }
0xc0: {  	v4 =	vld [tilespmem:s18+$0x1030];
	_ =	sdelay $0x4  }
0xc1: {  	v3 =	vadd.f32 v4, v3;
	_ =	sdelay $0x1  }
0xc2: {  	v4 =	vmul.f32 $8.476821140e+01, v3;
	_ =	sdelay $0x1  }
0xc3: {  	v4 =	vtrunc.f32 v4  }
0xc4: {  	v4 =	vcvt.f32.s32 v4;
	_ =	sdelay $0x1  }
0xc5: {  	vm6 =	vlt.s32 v4, $0xFF  }
0xc6: {  	v4 =	vnsel vm6, $0xFF, v4  }
0xc7: {  	(xrf1) =	vunique.msk.u32 $0xffff, v4;
	_ =	sdelay $0xd  }
0xc8: {  	_, v59, vm7 =	vpop (xrf1)  }
0xc9: {  	v4 =	vadd.s32 $0x300, v4;
	_ =	sdelay $0x3  }
0xca: {  	[tilespmem:s18+$0x2030] =	vst v3  }
0xcb: {  	[tilespmem:v4+s12+$0x0] =	vst.idx.add.s32.msk vm7, v59  }
0xcc: {  	v3 =	vld [tilespmem:s18+$0x40]  }
0xcd: {  	v4 =	vld [tilespmem:s18+$0x1040];
	_ =	sdelay $0x4  }
0xce: {  	v3 =	vadd.f32 v4, v3;
	_ =	sdelay $0x1  }
0xcf: {  	v4 =	vmul.f32 $8.476821140e+01, v3;
	_ =	sdelay $0x1  }
0xd0: {  	v4 =	vtrunc.f32 v4  }
0xd1: {  	v4 =	vcvt.f32.s32 v4;
	_ =	sdelay $0x1  }
0xd2: {  	vm8 =	vlt.s32 v4, $0xFF  }
0xd3: {  	v4 =	vnsel vm8, $0xFF, v4  }
0xd4: {  	(xrf1) =	vunique.msk.u32 $0xffff, v4;
	_ =	sdelay $0xd  }
0xd5: {  	_, v60, vm9 =	vpop (xrf1)  }
0xd6: {  	v4 =	vadd.s32 $0x400, v4;
	_ =	sdelay $0x3  }
0xd7: {  	[tilespmem:s18+$0x2040] =	vst v3  }
0xd8: {  	[tilespmem:v4+s12+$0x0] =	vst.idx.add.s32.msk vm9, v60  }
0xd9: {  	v3 =	vld [tilespmem:s18+$0x50]  }
0xda: {  	v4 =	vld [tilespmem:s18+$0x1050];
	_ =	sdelay $0x4  }
0xdb: {  	v3 =	vadd.f32 v4, v3;
	_ =	sdelay $0x1  }
0xdc: {  	v4 =	vmul.f32 $8.476821140e+01, v3;
	_ =	sdelay $0x1  }
0xdd: {  	v4 =	vtrunc.f32 v4  }
0xde: {  	v4 =	vcvt.f32.s32 v4;
	_ =	sdelay $0x1  }
0xdf: {  	vm10 =	vlt.s32 v4, $0xFF  }
0xe0: {  	v4 =	vnsel vm10, $0xFF, v4  }
0xe1: {  	(xrf1) =	vunique.msk.u32 $0xffff, v4;
	_ =	sdelay $0xd  }
0xe2: {  	_, v61, vm11 =	vpop (xrf1)  }
0xe3: {  	v4 =	vadd.s32 $0x500, v4;
	_ =	sdelay $0x3  }
0xe4: {  	[tilespmem:s18+$0x2050] =	vst v3  }
0xe5: {  	[tilespmem:v4+s12+$0x0] =	vst.idx.add.s32.msk vm11, v61  }
0xe6: {  	v3 =	vld [tilespmem:s18+$0x60]  }
0xe7: {  	v4 =	vld [tilespmem:s18+$0x1060];
	_ =	sdelay $0x4  }
0xe8: {  	v3 =	vadd.f32 v4, v3;
	_ =	sdelay $0x1  }
0xe9: {  	v4 =	vmul.f32 $8.476821140e+01, v3;
	_ =	sdelay $0x1  }
0xea: {  	v4 =	vtrunc.f32 v4  }
0xeb: {  	v4 =	vcvt.f32.s32 v4;
	_ =	sdelay $0x1  }
0xec: {  	vm12 =	vlt.s32 v4, $0xFF  }
0xed: {  	v4 =	vnsel vm12, $0xFF, v4  }
0xee: {  	(xrf1) =	vunique.msk.u32 $0xffff, v4;
	_ =	sdelay $0xd  }
0xef: {  	_, v62, vm13 =	vpop (xrf1)  }
0xf0: {  	v4 =	vadd.s32 $0x600, v4;
	_ =	sdelay $0x3  }
0xf1: {  	[tilespmem:s18+$0x2060] =	vst v3  }
0xf2: {  	[tilespmem:v4+s12+$0x0] =	vst.idx.add.s32.msk vm13, v62  }
0xf3: {  	v3 =	vld [tilespmem:s18+$0x70]  }
0xf4: {  	v4 =	vld [tilespmem:s18+$0x1070];
	_ =	sdelay $0x4  }
0xf5: {  	v3 =	vadd.f32 v4, v3;
	_ =	sdelay $0x1  }
0xf6: {  	v4 =	vmul.f32 $8.476821140e+01, v3;
	_ =	sdelay $0x1  }
0xf7: {  	v4 =	vtrunc.f32 v4  }
0xf8: {  	v4 =	vcvt.f32.s32 v4;
	_ =	sdelay $0x1  }
0xf9: {  	vm14 =	vlt.s32 v4, $0xFF  }
0xfa: {  	v4 =	vnsel vm14, $0xFF, v4  }
0xfb: {  	(xrf1) =	vunique.msk.u32 $0xffff, v4;
	_ =	sdelay $0xd  }
0xfc: {  	_, v63, vm15 =	vpop (xrf1)  }
0xfd: {  	p0 =	sne.s32 s17, $0x3E00;
	v4 =	vadd.s32 $0x700, v4  }
.Ltmp0:
0xfe: {  	_ = 	snop;
	(pc) =	sbr.rel @p0 .LBB2_3-.Ltmp0, $3  }
0xff: {  	_ =	sdelay $0x1  }
0x100: {  	[tilespmem:s18+$0x2070] =	vst v3  }
0x101: {  	s17 =	sadd.s32 $0x200, s17;
	[tilespmem:v4+s12+$0x0] =	vst.idx.add.s32.msk vm15, v63  }
0x102: {  	v3 =	vld [tilespmem:$0x5080]  }
0x103: {  	v4 =	vld [tilespmem:$0x5180]  }
0x104: {  	v5 =	vld [tilespmem:$0x5280]  }
0x105: {  	v6 =	vld [tilespmem:$0x5380]  }
0x106: {  	v8 =	vld [tilespmem:$0x5480]  }
0x107: {  	v23 =	vld [tilespmem:$0x5580]  }
0x108: {  	v26 =	vld [tilespmem:$0x5680]  }
0x109: {  	v46 =	vld [tilespmem:$0x5780]  }
0x10a: {  	v11 =	vld [tilespmem:$0x5090]  }
0x10b: {  	v12 =	vld [tilespmem:$0x5190]  }
0x10c: {  	v13 =	vld [tilespmem:$0x5290]  }
0x10d: {  	v14 =	vld [tilespmem:$0x5390]  }
0x10e: {  	v2 =	vld [tilespmem:$0x54A0]  }
0x10f: {  	v15 =	vld [tilespmem:$0x5490]  }
0x110: {  	v16 =	vld [tilespmem:$0x5590]  }
0x111: {  	v17 =	vld [tilespmem:$0x5690]  }
0x112: {  	v18 =	vld [tilespmem:$0x5790]  }
0x113: {  	[tilespmem:$0x1FE20] =	vst v2;
	v2 =	vld [tilespmem:$0x55A0]  }
0x114: {  	v19 =	vld [tilespmem:$0x50A0]  }
0x115: {  	v20 =	vld [tilespmem:$0x51A0]  }
0x116: {  	v21 =	vld [tilespmem:$0x52A0]  }
0x117: {  	v34 =	vld [tilespmem:$0x53A0]  }
0x118: {  	[tilespmem:$0x1FE30] =	vst v2;
	v2 =	vld [tilespmem:$0x56A0]  }
0x119: {  	v27 =	vld [tilespmem:$0x50B0]  }
0x11a: {  	v28 =	vld [tilespmem:$0x51B0]  }
0x11b: {  	v29 =	vld [tilespmem:$0x52B0]  }
0x11c: {  	v30 =	vld [tilespmem:$0x53B0]  }
0x11d: {  	[tilespmem:$0x1FE40] =	vst v2;
	v2 =	vld [tilespmem:$0x57A0]  }
0x11e: {  	v31 =	vld [tilespmem:$0x54B0]  }
0x11f: {  	v32 =	vld [tilespmem:$0x55B0]  }
0x120: {  	v49 =	vld [tilespmem:$0x56B0]  }
0x121: {  	v35 =	vld [tilespmem:$0x50C0]  }
0x122: {  	[tilespmem:$0x1FE50] =	vst v2;
	v2 =	vld [tilespmem:$0x57B0]  }
0x123: {  	v36 =	vld [tilespmem:$0x51C0]  }
0x124: {  	v37 =	vld [tilespmem:$0x52C0]  }
0x125: {  	v38 =	vld [tilespmem:$0x53C0]  }
0x126: {  	v39 =	vld [tilespmem:$0x54C0]  }
0x127: {  	[tilespmem:$0x1FE60] =	vst v2;
	v2 =	vld [tilespmem:$0x53D0]  }
0x128: {  	v40 =	vld [tilespmem:$0x55C0]  }
0x129: {  	v41 =	vld [tilespmem:$0x56C0]  }
0x12a: {  	v42 =	vld [tilespmem:$0x57C0]  }
0x12b: {  	v43 =	vld [tilespmem:$0x50D0]  }
0x12c: {  	[tilespmem:$0x1FE70] =	vst v2;
	v2 =	vld [tilespmem:$0x54D0]  }
0x12d: {  	v44 =	vld [tilespmem:$0x51D0]  }
0x12e: {  	v45 =	vld [tilespmem:$0x52D0]  }
0x12f: {  	v51 =	vld [tilespmem:$0x50E0]  }
0x130: {  	v52 =	vld [tilespmem:$0x51E0]  }
0x131: {  	[tilespmem:$0x1FE80] =	vst v2;
	v2 =	vld [tilespmem:$0x55D0]  }
0x132: {  	v53 =	vld [tilespmem:$0x52E0]  }
0x133: {  	v54 =	vld [tilespmem:$0x53E0]  }
0x134: {  	v55 =	vld [tilespmem:$0x54E0]  }
0x135: {  	v56 =	vld [tilespmem:$0x55E0]  }
0x136: {  	[tilespmem:$0x1FE90] =	vst v2;
	v2 =	vld [tilespmem:$0x56D0]  }
0x137: {  	v59 =	vld [tilespmem:$0x50F0]  }
0x138: {  	v60 =	vld [tilespmem:$0x51F0]  }
0x139: {  	v61 =	vld [tilespmem:$0x52F0]  }
0x13a: {  	v62 =	vld [tilespmem:$0x53F0]  }
0x13b: {  	[tilespmem:$0x1FEA0] =	vst v2;
	v2 =	vld [tilespmem:$0x57D0]  }
0x13c: {  	v63 =	vld [tilespmem:$0x54F0]  }
0x13d: {  	v33 =	vld [tilespmem:$0x55F0]  }
0x13e: {  	v57 =	vld [tilespmem:$0x56F0]  }
0x13f: {  	v58 =	vld [tilespmem:$0x5200]  }
0x140: {  	[tilespmem:$0x1FEC0] =	vst v2;
	v2 =	vld [tilespmem:$0x56E0]  }
0x141: {  	v22 =	vld [tilespmem:$0x5110]  }
0x142: {  	v10 =	vld [tilespmem:$0x5210]  }
0x143: {  	v24 =	vld [tilespmem:$0x5310]  }
0x144: {  	v47 =	vld [tilespmem:$0x5410]  }
0x145: {  	[tilespmem:$0x1FEB0] =	vst v2;
	v2 =	vld [tilespmem:$0x57E0]  }
0x146: {  	v7 =	vld [tilespmem:$0x5120]  }
0x147: {  	v50 =	vld [tilespmem:$0x5620]  }
0x148: {  	v9 =	vld [tilespmem:$0x5320]  }
0x149: {  	v25 =	vld [tilespmem:$0x5420]  }
0x14a: {  	[tilespmem:$0x1FED0] =	vst v2;
	v2 =	vld [tilespmem:$0x57F0]  }
0x14b: {  	v48 =	vld [tilespmem:$0x5520]  }
0x14c: {  	[tilespmem:$0x1FF80] =	vst v50;
	v50 =	vld [tilespmem:$0x5720]  }
0x14d: {  	v3 =	vadd.s32 v3, v4;
	v4 =	vld [tilespmem:$0x5330]  }
0x14e: {  	v36 =	vadd.s32 v35, v36;
	v35 =	vld [tilespmem:$0x5350]  }
0x14f: {  	[tilespmem:$0x1FEE0] =	vst v2;
	v2 =	vld [tilespmem:$0x5100]  }
0x150: {  	v10 =	vadd.s32 v22, v10;
	v22 =	vld [tilespmem:$0x5850]  }
0x151: {  	v3 =	vadd.s32 v5, v3;
	v5 =	vadd.s32 v11, v12;
	v11 =	vld [tilespmem:$0x5430]  }
0x152: {  	v12 =	vadd.s32 v37, v36;
	v37 =	vld [tilespmem:$0x1FE20]  }
0x153: {  	v36 =	vld [tilespmem:$0x5450]  }
0x154: {  	[tilespmem:$0x1FEF0] =	vst v2;
	v2 =	vld [tilespmem:$0x5300]  }
0x155: {  	v10 =	vadd.s32 v24, v10;
	v24 =	vld [tilespmem:$0x5360]  }
0x156: {  	v3 =	vadd.s32 v6, v3;
	v5 =	vadd.s32 v13, v5;
	v6 =	vld [tilespmem:$0x5530]  }
0x157: {  	v5 =	vadd.s32 v14, v5;
	v14 =	vld [tilespmem:$0x5630]  }
0x158: {  	v3 =	vadd.s32 v8, v3;
	v8 =	vadd.s32 v27, v28;
	v27 =	vld [tilespmem:$0x5440]  }
0x159: {  	[tilespmem:$0x1FF00] =	vst v2;
	v2 =	vld [tilespmem:$0x5400]  }
0x15a: {  	v28 =	vld [tilespmem:$0x5540]  }
0x15b: {  	v5 =	vadd.s32 v15, v5;
	v15 =	vld [tilespmem:$0x5730]  }
0x15c: {  	v8 =	vadd.s32 v29, v8;
	v29 =	vld [tilespmem:$0x5640]  }
0x15d: {  	[tilespmem:$0x1FFB0] =	vst v50;
	v50 =	vld [tilespmem:$0x5820]  }
0x15e: {  	v51 =	vadd.s32 v51, v52;
	v3 =	vadd.s32 v23, v3;
	[tilespmem:$0x1FF10] =	vst v2;
	v2 =	vld [tilespmem:$0x5500]  }
0x15f: {  	v13 =	vadd.s32 v53, v51;
	v3 =	vadd.s32 v26, v3;
	v26 =	vld [tilespmem:$0x5830]  }
0x160: {  	v52 =	vadd.s32 v59, v60;
	v13 =	vadd.s32 v54, v13;
	v8 =	vadd.s32 v30, v8;
	v30 =	vld [tilespmem:$0x5740]  }
0x161: {  	v13 =	vadd.s32 v55, v13;
	v5 =	vadd.s32 v16, v5;
	v16 =	vadd.s32 v61, v52;
	v52 =	vld [tilespmem:$0x1FF80]  }
0x162: {  	v13 =	vadd.s32 v56, v13;
	v56 =	vld [tilespmem:$0x5660]  }
0x163: {  	[tilespmem:$0x1FF20] =	vst v2;
	v2 =	vld [tilespmem:$0x5600]  }
0x164: {  	v3 =	vadd.s32 v46, v3;
	v46 =	vld [tilespmem:$0x5140]  }
0x165: {  	v12 =	vadd.s32 v38, v12;
	v38 =	vld [tilespmem:$0x1FE30]  }
0x166: {  	v8 =	vadd.s32 v31, v8;
	v31 =	vld [tilespmem:$0x5840]  }
0x167: {  	v55 =	vld [tilespmem:$0x1FFB0]  }
0x168: {  	v5 =	vadd.s32 v17, v5;
	[tilespmem:$0x1FF40] =	vst v2;
	v2 =	vld [tilespmem:$0x5700]  }
0x169: {  	v23 =	vadd.s32 v18, v5;
	v5 =	vadd.s32 v19, v20;
	v20 =	vld [tilespmem:$0x5240]  }
0x16a: {  	v16 =	vadd.s32 v62, v16;
	v8 =	vadd.s32 v32, v8;
	v32 =	vld [tilespmem:$0x5150]  }
0x16b: {  	v16 =	vadd.s32 v63, v16;
	v5 =	vadd.s32 v21, v5;
	v21 =	vld [tilespmem:$0x5340]  }
0x16c: {  	v62 =	vadd.s32 v33, v16;
	v33 =	vld [tilespmem:$0x5650]  }
0x16d: {  	[tilespmem:$0x1FF60] =	vst v2;
	v2 =	vld [tilespmem:$0x5800]  }
0x16e: {  	v5 =	vadd.s32 v34, v5;
	v34 =	vld [tilespmem:$0x5250]  }
0x16f: {  	[tilespmem:$0x1FFC0] =	vst v50;
	v50 =	vld [tilespmem:$0x5130]  }
0x170: {  	v5 =	vadd.s32 v37, v5;
	v37 =	vld [tilespmem:$0x5550]  }
0x171: {  	v12 =	vadd.s32 v39, v12;
	v39 =	vld [tilespmem:$0x1FE40]  }
0x172: {  	[tilespmem:$0x1FF90] =	vst v2;
	v2 =	vld [tilespmem:$0x5510]  }
0x173: {  	v5 =	vadd.s32 v38, v5;
	v38 =	vld [tilespmem:$0x5750]  }
0x174: {  	v17 =	vadd.s32 v57, v62;
	v57 =	vld [tilespmem:$0x1FFC0]  }
0x175: {  	[tilespmem:$0x1FFE0] =	vst v50;
	v50 =	vld [tilespmem:$0x5230]  }
0x176: {  	v8 =	vadd.s32 v49, v8;
	v49 =	vld [tilespmem:$0x1FE60]  }
0x177: {  	[tilespmem:$0x1FF30] =	vst v2;
	v2 =	vld [tilespmem:$0x5610]  }
0x178: {  	v53 =	vld [tilespmem:$0x1FE70]  }
0x179: {  	v54 =	vld [tilespmem:$0x1FE80]  }
0x17a: {  	v59 =	vld [tilespmem:$0x1FE90]  }
0x17b: {  	v12 =	vadd.s32 v40, v12;
	v20 =	vadd.s32 v46, v20;
	v46 =	vld [tilespmem:$0x5670];
	[tilespmem:$0x1FFD0] =	vst v50;
	v50 =	vadd.s32 v43, v44  }
0x17c: {  	v19 =	vadd.s32 v49, v8;
	v8 =	vadd.s32 v41, v12;
	v12 =	vadd.s32 v45, v50;
	[tilespmem:$0x1FF50] =	vst v2;
	v2 =	vld [tilespmem:$0x5710]  }
0x17d: {  	v40 =	vld [tilespmem:$0x1FE50];
	v12 =	vadd.s32 v53, v12  }
0x17e: {  	v12 =	vadd.s32 v54, v12;
	v60 =	vld [tilespmem:$0x1FEA0]  }
0x17f: {  	v12 =	vadd.s32 v59, v12;
	v59 =	vld [tilespmem:$0x1FFE0]  }
0x180: {  	v63 =	vld [tilespmem:$0x1FEC0]  }
0x181: {  	[tilespmem:$0x1FF70] =	vst v2;
	v2 =	vld [tilespmem:$0x5810]  }
0x182: {  	v61 =	vld [tilespmem:$0x1FEB0]  }
0x183: {  	v16 =	vld [tilespmem:$0x1FED0]  }
0x184: {  	v41 =	vld [tilespmem:$0x1FEF0]  }
0x185: {  	v8 =	vadd.s32 v42, v8;
	v42 =	vld [tilespmem:$0x1FF00]  }
0x186: {  	[tilespmem:$0x1FFA0] =	vst v2;
	v2 =	vld [tilespmem:$0x5220]  }
0x187: {  	v43 =	vld [tilespmem:$0x1FF10]  }
0x188: {  	v44 =	vld [tilespmem:$0x1FF20]  }
0x189: {  	v10 =	vadd.s32 v47, v10;
	v47 =	vld [tilespmem:$0x1FF40]  }
0x18a: {  	v50 =	vld [tilespmem:$0x1FF60]  }
0x18b: {  	v45 =	vld [tilespmem:$0x1FF30];
	v2 =	vadd.s32 v7, v2  }
0x18c: {  	v12 =	vadd.s32 v60, v12;
	v49 =	vld [tilespmem:$0x1FF50];
	v2 =	vadd.s32 v9, v2  }
0x18d: {  	v62 =	vadd.s32 v32, v34;
	v18 =	vadd.s32 v63, v12;
	v51 =	vld [tilespmem:$0x1FF70];
	v2 =	vadd.s32 v25, v2  }
0x18e: {  	v13 =	vadd.s32 v61, v13;
	v12 =	vadd.s32 v41, v58;
	v54 =	vld [tilespmem:$0x1FFA0];
	v2 =	vadd.s32 v48, v2  }
0x18f: {  	v16 =	vadd.s32 v16, v13;
	v12 =	vadd.s32 v42, v12;
	v13 =	vadd.s32 v52, v2;
	v2 =	vld [tilespmem:$0x1FF90]  }
0x190: {  	v32 =	vadd.s32 v35, v62;
	v58 =	vld [tilespmem:$0x1FFD0];
	v12 =	vadd.s32 v43, v12  }
0x191: {  	(xrf0) =	vadd.scan.msk.s32 $0xffff, v3;
	v34 =	vld [tilespmem:$0x5170];
	v5 =	vadd.s32 v39, v5;
	v12 =	vadd.s32 v44, v12;
	v10 =	vadd.s32 v45, v10  }
0x192: {  	(xrf0) =	vadd.scan.msk.s32 $0xffff, v23;
	v5 =	vadd.s32 v40, v5;
	v40 =	vld [tilespmem:$0x1FEE0];
	v12 =	vadd.s32 v47, v12;
	v10 =	vadd.s32 v49, v10  }
0x193: {  	v35 =	vadd.s32 v36, v32;
	v36 =	vld [tilespmem:$0x5270];
	(xrf0) =	vadd.scan.msk.s32 $0xffff, v5;
	v12 =	vadd.s32 v50, v12;
	v10 =	vadd.s32 v51, v10  }
0x194: {  	(xrf0) =	vadd.scan.msk.s32 $0xffff, v19;
	v7 =	vld [tilespmem:$0x5160];
	v2 =	vadd.s32 v2, v12;
	v12 =	vadd.s32 v54, v10;
	v10 =	vadd.s32 v55, v13  }
0x195: {  	(xrf0) =	vadd.scan.msk.s32 $0xffff, v8;
	v9 =	vld [tilespmem:$0x5260];
	v13 =	vadd.s32 v57, v10;
	v10 =	vadd.s32 v59, v58  }
0x196: {  	v53 =	vld [tilespmem:$0x5560];
	v61 =	vadd.s32 v21, v20;
	v4 =	vadd.s32 v4, v10  }
0x197: {  	v17 =	vadd.s32 v40, v17;
	v45, _, _ =	vpop (xrf0);
	v25 =	vld [tilespmem:$0x5460];
	v10 =	vadd.s32 v27, v61;
	v4 =	vadd.s32 v11, v4  }
0x198: {  	v60 =	vld [tilespmem:$0x5760];
	(v2sf) =	vpush v45, $0xF;
	v47, _, _ =	vpop (xrf0);
	v4 =	vadd.s32 v6, v4;
	v6 =	vadd.s32 v28, v10  }
0x199: {  	(xrf0) =	vadd.scan.msk.s32 $0xffff, v18;
	(v2sf) =	vpush v47, $0xF;
	v49, _, _ =	vpop (xrf0);
	v10 =	vadd.s32 v37, v35;
	v37 =	vld [tilespmem:$0x5370];
	v6 =	vadd.s32 v29, v6  }
0x19a: {  	v42 =	vld [tilespmem:$0x5470];
	(v2sf) =	vpush v49, $0xF;
	v51, _, _ =	vpop (xrf0);
	v7 =	vadd.s32 v7, v9;
	v6 =	vadd.s32 v30, v6  }
0x19b: {  	(xrf0) =	vadd.scan.msk.s32 $0xffff, v16;
	(v2sf) =	vpush v51, $0xF;
	v52, _, _ =	vpop (xrf0);
	v7 =	vadd.s32 v24, v7;
	v44 =	vadd.s32 v31, v6;
	v6 =	vld [tilespmem:$0x5570]  }
0x19c: {  	v63 =	vld [tilespmem:$0x5860];
	(xrf0) =	vadd.scan.msk.s32 $0xffff, v17;
	(v2sf) =	vpush v52, $0xF;
	v7 =	vadd.s32 v25, v7  }
0x19d: {  	v48 =	vld [tilespmem:$0x5770];
	v7 =	vadd.s32 v53, v7;
	(xrf0) =	vadd.scan.msk.s32 $0xffff, v2;
	v11 =	vadd.s32 v34, v36;
	v4 =	vadd.s32 v14, v4  }
0x19e: {  	v50 =	vld [tilespmem:$0x5870];
	v7 =	vadd.s32 v56, v7;
	(xrf0) =	vadd.scan.msk.s32 $0xffff, v12;
	v4 =	vadd.s32 v15, v4;
	v11 =	vadd.s32 v37, v11  }
0x19f: {  	v53, _, _ =	vpop (xrf0);
	(xrf0) =	vadd.scan.msk.s32 $0xffff, v13;
	v10 =	vadd.s32 v33, v10;
	v43 =	vadd.s32 v26, v4;
	v11 =	vadd.s32 v42, v11  }
0x1a0: {  	(v2sf) =	vpush v53, $0xF;
	v4 =	vadd.s32 v38, v10;
	(xrf0) =	vadd.scan.msk.s32 $0xffff, v43;
	v6 =	vadd.s32 v6, v11  }
0x1a1: {  	v54, _, _ =	vpop (xrf0);
	v7 =	vadd.s32 v60, v7;
	v4 =	vadd.s32 v22, v4;
	(xrf0) =	vadd.scan.msk.s32 $0xffff, v44;
	v6 =	vadd.s32 v46, v6  }
0x1a2: {  	(v2sf) =	vpush v54, $0xF;
	v55, _, _ =	vpop (xrf0);
	v7 =	vadd.s32 v63, v7;
	(xrf0) =	vadd.scan.msk.s32 $0xffff, v4;
	v6 =	vadd.s32 v48, v6  }
0x1a3: {  	(v2sf) =	vpush v55, $0xF;
	v56, _, _ =	vpop (xrf0);
	(xrf0) =	vadd.scan.msk.s32 $0xffff, v7;
	v6 =	vadd.s32 v50, v6  }
0x1a4: {  	(v2sf) =	vpush v56, $0xF;
	v57, _, _ =	vpop (xrf0);
	(xrf0) =	vadd.scan.msk.s32 $0xffff, v6  }
0x1a5: {  	v58, _, _ =	vpop (xrf0);
	(v2sf) =	vpush v57, $0xF  }
0x1a6: {  	(v2sf) =	vpush v58, $0xF;
	v59, _, _ =	vpop (xrf0)  }
0x1a7: {  	v60, _, _ =	vpop (xrf0);
	(v2sf) =	vpush v59, $0xF  }
0x1a8: {  	v61, _, _ =	vpop (xrf0);
	(v2sf) =	vpush v60, $0xF  }
0x1a9: {  	v62, _, _ =	vpop (xrf0);
	(v2sf) =	vpush v61, $0xF  }
0x1aa: {  	(v2sf) =	vpush v62, $0xF;
	v63, _, _ =	vpop (xrf0)  }
0x1ab: {  	s4 =	spop (v2sf);
	(v2sf) =	vpush v63, $0xF  }
0x1ac: {  	s17 =	spop (v2sf)  }
0x1ad: {  	s18 =	spop (v2sf)  }
0x1ae: {  	s19 =	spop (v2sf)  }
0x1af: {  	s20 =	spop (v2sf)  }
0x1b0: {  	s21 =	spop (v2sf)  }
0x1b1: {  	s22 =	spop (v2sf)  }
0x1b2: {  	s23 =	spop (v2sf)  }
0x1b3: {  	s24 =	spop (v2sf)  }
0x1b4: {  	s25 =	spop (v2sf)  }
0x1b5: {  	s26 =	spop (v2sf)  }
0x1b6: {  	s28 =	spop (v2sf)  }
0x1b7: {  	s29 =	spop (v2sf)  }
0x1b8: {  	s30 =	spop (v2sf)  }
0x1b9: {  	s31 =	spop (v2sf)  }
0x1ba: {  	s0 =	spop (v2sf)  }
0x1bb: {  	s31 =	sadd.s32 s31, s0  }
0x1bc: {  	s30 =	sadd.s32 s30, s31  }
0x1bd: {  	s29 =	sadd.s32 s29, s30  }
0x1be: {  	s28 =	sadd.s32 s28, s29  }
0x1bf: {  	s26 =	sadd.s32 s26, s28  }
0x1c0: {  	s25 =	sadd.s32 s25, s26  }
0x1c1: {  	s24 =	sadd.s32 s24, s25  }
0x1c2: {  	s23 =	sadd.s32 s23, s24  }
0x1c3: {  	s22 =	sadd.s32 s22, s23  }
0x1c4: {  	s21 =	sadd.s32 s21, s22  }
0x1c5: {  	s20 =	sadd.s32 s20, s21  }
0x1c6: {  	s19 =	sadd.s32 s19, s20  }
0x1c7: {  	s18 =	sadd.s32 s18, s19  }
0x1c8: {  	s17 =	sadd.s32 s17, s18  }
0x1c9: {  	s4 =	sadd.s32 s4, s17  }
0x1ca: {  	p1 =	slt.s32 s17, $0x20;
	p0 =	sgt.s32 s4, $0x1F  }
0x1cb: {  	p5 =	slt.s32 s24, $0x20;
	p4 =	sgt.s32 s23, $0x1F;
	p0 =	por !p1, !p0  }
0x1cc: {  	p6 =	slt.s32 s18, $0x20;
	p1 =	sgt.s32 s17, $0x1F;
	s4 =	simm.s32 @!p0 $0x0  }
0x1cd: {  	p3 =	slt.s32 s21, $0x20;
	s4 =	simm.s32 @p0 $0x1;
	p0 =	por !p6, !p1  }
0x1ce: {  	p2 =	sgt.s32 s20, $0x1F;
	[smem:$0x7F1] =	sst s4;
	s4 =	simm.s32 @!p0 $0x0  }
0x1cf: {  	p6 =	slt.s32 s31, $0x20;
	s4 =	simm.s32 @p0 $0x1;
	p0 =	por !p3, !p2  }
0x1d0: {  	p1 =	sgt.s32 s31, $0x1F;
	[smem:$0x7F0] =	sst s4;
	s4 =	simm.s32 @!p0 $0x0  }
0x1d1: {  	p2 =	slt.s32 s28, $0x20;
	s4 =	simm.s32 @p0 $0x1;
	p0 =	por !p5, !p4  }
0x1d2: {  	p4 =	sgt.s32 s26, $0x1F;
	[smem:$0x7EF] =	sst s4;
	s4 =	simm.s32 @!p0 $0x0  }
0x1d3: {  	p2 =	por !p2, !p4;
	s4 =	simm.s32 @p0 $0x1;
	p0 =	slt.s32 s0, $0x20  }
0x1d4: {  	[smem:$0x7EE] =	sst s4;
	s4 =	simm.s32 @!p2 $0x0;
	p0 =	por !p0, !p1  }
0x1d5: {  	p3 =	sgt.s32 s28, $0x1F;
	s4 =	simm.s32 @p2 $0x1;
	p1 =	por !p0, !p0  }
0x1d6: {  	p5 =	sgt.s32 s30, $0x1F;
	[smem:$0x7ED] =	sst s4;
	s4 =	simm.s32 @!p1 $0x0  }
0x1d7: {  	p4 =	por !p6, !p5;
	p0 =	sgt.s32 s0, $0x1F;
	s4 =	simm.s32 @p1 $0x1  }
0x1d8: {  	p5 =	sgt.s32 s29, $0x1F;
	[smem:$0x7F5] =	sst s4;
	s4 =	simm.s32 @!p0 $0x0  }
0x1d9: {  	p4 =	por !p4, !p4;
	p2 =	slt.s32 s29, $0x20;
	s4 =	simm.s32 @p0 $0x1  }
0x1da: {  	p2 =	por !p2, !p3;
	[smem:$0x7F6] =	sst s4;
	s4 =	simm.s32 @!p4 $0x0  }
0x1db: {  	p6 =	slt.s32 s30, $0x20;
	p2 =	por !p2, !p2;
	s4 =	simm.s32 @p4 $0x1  }
0x1dc: {  	p6 =	por !p6, !p5;
	[smem:$0x7F8] =	sst s4;
	s4 =	simm.s32 @!p2 $0x0  }
0x1dd: {  	v7 =	vpsel !p1, $0x0, v7;
	p1 =	por !p6, !p6;
	s4 =	simm.s32 @p2 $0x1  }
0x1de: {  	[smem:$0x7FA] =	sst s4;
	s4 =	simm.s32 @!p1 $0x0  }
0x1df: {  	s4 =	simm.s32 @p1 $0x1  }
0x1e0: {  	[smem:$0x7F7] =	sst s4  }
0x1e1: {  	s4 =	sld [smem:$0x7ED]  }
0x1e2: {  	p5 =	slt.s32 s25, $0x20  }
0x1e3: {  	v4 =	vpsel !p4, $0x0, v4;
	p3 =	slt.s32 s26, $0x20;
	p6 =	sgt.s32 s25, $0x1F;
	p4 =	sgt.s32 s24, $0x1F  }
0x1e4: {  	v6 =	vpsel !p0, $0x0, v6;
	p0 =	por !p5, !p4;
	p5 =	por !p3, !p6;
	p6 =	seq.s32 s4, $0x1  }
0x1e5: {  	p3 =	por !p6, !p6  }
0x1e6: {  	v6 =	vadd.s32 v6, v7;
	s4 =	simm.s32 @!p3 $0x0  }
0x1e7: {  	v4 =	vadd.s32 v4, v6;
	v6 =	vpsel !p2, $0x0, v43;
	p2 =	por !p0, !p0;
	s4 =	simm.s32 @p3 $0x1  }
0x1e8: {  	[smem:$0x7F9] =	sst s4;
	s4 =	simm.s32 @!p2 $0x0  }
0x1e9: {  	v7 =	vpsel !p1, $0x0, v44;
	p1 =	por !p5, !p5;
	s4 =	simm.s32 @p2 $0x1  }
0x1ea: {  	[smem:$0x7F2] =	sst s4;
	s4 =	simm.s32 @!p1 $0x0  }
0x1eb: {  	s4 =	simm.s32 @p1 $0x1  }
0x1ec: {  	p4 =	slt.s32 s22, $0x20;
	p5 =	sgt.s32 s22, $0x1F;
	[smem:$0x7FB] =	sst s4  }
0x1ed: {  	v4 =	vadd.s32 v7, v4;
	p6 =	slt.s32 s23, $0x20;
	v7 =	vpsel !p3, $0x0, v13;
	p3 =	sgt.s32 s21, $0x1F;
	s4 =	sld [smem:$0x7EE]  }
0x1ee: {  	p0 =	por !p4, !p3;
	p4 =	por !p6, !p5  }
0x1ef: {  	v4 =	vadd.s32 v6, v4;
	v6 =	vpsel !p1, $0x0, v12;
	p1 =	por !p4, !p4  }
0x1f0: {  	p6 =	seq.s32 s4, $0x1;
	s4 =	simm.s32 @!p1 $0x0  }
0x1f1: {  	s4 =	simm.s32 @p1 $0x1  }
0x1f2: {  	[smem:$0x7FC] =	sst s4  }
0x1f3: {  	s4 =	sld [smem:$0x7EF]  }
0x1f4: {  	p3 =	sgt.s32 s19, $0x1F  }
0x1f5: {  	p5 =	por !p0, !p0;
	p0 =	sgt.s32 s18, $0x1F;
	p4 =	slt.s32 s20, $0x20  }
0x1f6: {  	v2 =	vpsel !p2, $0x0, v2;
	p2 =	slt.s32 s19, $0x20;
	p3 =	por !p4, !p3;
	p4 =	seq.s32 s4, $0x1  }
0x1f7: {  	p0 =	por !p2, !p0;
	p2 =	por !p4, !p4  }
0x1f8: {  	s4 =	simm.s32 @!p2 $0x0  }
0x1f9: {  	s4 =	simm.s32 @p2 $0x1  }
0x1fa: {  	[smem:$0x7F3] =	sst s4;
	s4 =	simm.s32 @!p5 $0x0  }
0x1fb: {  	s4 =	simm.s32 @p5 $0x1  }
0x1fc: {  	[smem:$0x7FD] =	sst s4  }
0x1fd: {  	s4 =	sld [smem:$0x7F8]  }
0x1fe: {  	v4 =	vadd.s32 v7, v4  }
0x1ff: {  	v4 =	vadd.s32 v6, v4  }
0x200: {  	v2 =	vadd.s32 v2, v4;
	v4 =	vpsel !p1, $0x0, v16;
	p1 =	seq.s32 s4, $0x1;
	s4 =	sld [smem:$0x7F5];
	_ =	sdelay $0x2  }
0x201: {  	s31 =	simm.s32 @!p1 $0x0;
	p1 =	seq.s32 s4, $0x1  }
0x202: {  	s0 =	simm.s32 @!p1 $0x0  }
0x203: {  	s0 =	sadd.s32 s0, s31;
	s31 =	sld [smem:$0x7F7];
	_ =	sdelay $0x2  }
0x204: {  	p4 =	por !p3, !p3;
	p3 =	por !p0, !p0;
	p0 =	seq.s32 s31, $0x1  }
0x205: {  	s30 =	simm.s32 @!p0 $0x0  }
0x206: {  	s0 =	sadd.s32 s30, s0;
	s30 =	sld [smem:$0x7FA]  }
0x207: {  	p6 =	por !p6, !p6;
	s31 =	sld [smem:$0x7F0]  }
0x208: {  	v6 =	vpsel !p6, $0x0, v17  }
0x209: {  	v2 =	vadd.s32 v6, v2;
	p0 =	seq.s32 s30, $0x1  }
0x20a: {  	v2 =	vadd.s32 v4, v2;
	v4 =	vpsel !p2, $0x0, v8;
	p2 =	seq.s32 s31, $0x1;
	s31 =	sld [smem:$0x7F1];
	s29 =	simm.s32 @!p0 $0x0  }
0x20b: {  	v6 =	vpsel !p5, $0x0, v18;
	s0 =	sadd.s32 s29, s0;
	s29 =	sld [smem:$0x7F9]  }
0x20c: {  	v2 =	vadd.s32 v6, v2;
	s30 =	sld [smem:$0x7FB]  }
0x20d: {  	v6 =	vpsel !p4, $0x0, v19;
	v2 =	vadd.s32 v4, v2;
	p1 =	seq.s32 s31, $0x1;
	s31 =	sld [smem:$0x7F2]  }
0x20e: {  	v4 =	vpsel !p3, $0x0, v5;
	v2 =	vadd.s32 v6, v2;
	p2 =	por !p2, !p2;
	p0 =	por !p1, !p1;
	p1 =	seq.s32 s29, $0x1  }
0x20f: {  	v2 =	vadd.s32 v4, v2;
	v5 =	vpsel !p2, $0x0, v23;
	s28 =	simm.s32 @!p1 $0x0;
	p1 =	seq.s32 s30, $0x1  }
0x210: {  	v2 =	vadd.s32 v5, v2;
	v3 =	vpsel !p0, $0x0, v3;
	s0 =	sadd.s32 s28, s0;
	s26 =	simm.s32 @!p1 $0x0;
	p1 =	seq.s32 s31, $0x1  }
0x211: {  	v2 =	vadd.s32 v3, v2;
	v3 =	vld [tilespmem:$0x1FFF0];
	s0 =	sadd.s32 s26, s0;
	s25 =	simm.s32 @!p1 $0x0  }
0x212: {  	s24 =	simm.s32 @!p6 $0x0;
	s0 =	sadd.s32 s25, s0  }
0x213: {  	s0 =	sadd.s32 s24, s0;
	s24 =	sld [smem:$0x7FC];
	_ =	sdelay $0x1  }
0x214: {  	s4 =	simm.s32 @!p2 $0x0;
	s25 =	sld [smem:$0x7F3]  }
0x215: {  	s4 =	simm.s32 @p2 $0x1;
	v3 =	vperm.xlane v2, v3;
	p2 =	seq.s32 s24, $0x1  }
0x216: {  	s22 =	simm.s32 @!p5 $0x0;
	[smem:$0x7F4] =	sst s4;
	s23 =	simm.s32 @!p2 $0x0  }
0x217: {  	s26 =	sld [smem:$0x7F4];
	(xrf0) =	vadd.scan.msk.s32 $0xffff, v3;
	p5 =	seq.s32 s25, $0x1;
	s0 =	sadd.s32 s23, s0  }
0x218: {  	s21 =	simm.s32 @!p5 $0x0;
	s0 =	sadd.s32 s22, s0  }
0x219: {  	s20 =	simm.s32 @!p4 $0x0;
	s0 =	sadd.s32 s21, s0  }
0x21a: {  	s19 =	simm.s32 @!p3 $0x0;
	p2 =	seq.s32 s26, $0x1;
	s0 =	sadd.s32 s20, s0  }
0x21b: {  	s18 =	simm.s32 @!p2 $0x0;
	s0 =	sadd.s32 s19, s0  }
0x21c: {  	s17 =	simm.s32 @!p0 $0x0;
	s0 =	sadd.s32 s18, s0  }
0x21d: {  	v2, _, _ =	vpop (xrf0);
	s0 =	sadd.s32 s17, s0  }
0x21e: {  	v4 =	vadd.s32 s0, v2  }
0x21f: {  	vm0 =	vgt.s32 v4, $0x1F  }
0x220: {  	s29 =	sld [smem:$0x7F6];
	v2 =	vmctz.xlane vm0  }
0x221: {  	s30 =	sld [smem:$0x7F7]  }
0x222: {  	s28 =	sld [smem:$0x7F5];
	v2 =	vxor.u32 $0x80000000, v2  }
0x223: {  	s31 =	sld [smem:$0x7F8];
	(xrf0) =	vmax.scan.msk.u32 $0xffff, v2  }
0x224: {  	s25 =	sld [smem:$0x7FD]  }
0x225: {  	s24 =	sld [smem:$0x7FC]  }
0x226: {  	s4 =	simm.s32 $0xF;
	p0 =	seq.s32 s28, $0x1;
	s22 =	sld [smem:$0x7FB]  }
0x227: {  	s23 =	simm.s32 $0x0;
	s21 =	sld [smem:$0x7FA];
	s0 =	simm.s32 $0xE  }
0x228: {  	s20 =	sld [smem:$0x7F9];
	s0 =	simm.s32 @!p0 $0x0;
	p0 =	seq.s32 s29, $0x1  }
0x229: {  	s17 =	simm.s32 $0xC;
	s4 =	simm.s32 @!p0 $0x0;
	p0 =	seq.s32 s30, $0x1;
	v2, _, _ =	vpop (xrf0)  }
0x22a: {  	s18 =	simm.s32 $0xD;
	s17 =	simm.s32 @!p0 $0x0;
	p0 =	seq.s32 s31, $0x1;
	(v2sf) =	vpush v2, $0xF  }
0x22b: {  	s19 =	simm.s32 $0xB;
	s0 =	sadd.s32 s4, s0;
	s18 =	simm.s32 @!p0 $0x0  }
0x22c: {  	s4 =	simm.s32 $0xA;
	p0 =	seq.s32 s20, $0x1;
	s0 =	sadd.s32 s18, s0  }
0x22d: {  	s4 =	simm.s32 @!p0 $0x0;
	p0 =	seq.s32 s21, $0x1;
	s18 =	simm.s32 $0x9  }
0x22e: {  	s19 =	simm.s32 @!p0 $0x0;
	s0 =	sadd.s32 s17, s0;
	s17 =	simm.s32 $0x8  }
0x22f: {  	p0 =	seq.s32 s22, $0x1;
	s0 =	sadd.s32 s19, s0;
	s17 =	simm.s32 @!p1 $0x0  }
0x230: {  	s18 =	simm.s32 @!p0 $0x0;
	p0 =	seq.s32 s24, $0x1;
	s0 =	sadd.s32 s4, s0  }
0x231: {  	s4 =	simm.s32 $0x7;
	s0 =	sadd.s32 s18, s0;
	s18 =	simm.s32 $0x6  }
0x232: {  	s4 =	simm.s32 @!p6 $0x0;
	s0 =	sadd.s32 s17, s0;
	s18 =	simm.s32 @!p0 $0x0;
	v2 =	vld [tilespmem:s23+$0x2000]  }
0x233: {  	s17 =	simm.s32 $0x5;
	p0 =	seq.s32 s25, $0x1;
	s0 =	sadd.s32 s4, s0  }
0x234: {  	s17 =	simm.s32 @!p0 $0x0;
	s4 =	simm.s32 $0x4;
	s0 =	sadd.s32 s18, s0  }
0x235: {  	s4 =	simm.s32 @!p5 $0x0;
	s18 =	simm.s32 $0x3;
	s0 =	sadd.s32 s17, s0  }
0x236: {  	s18 =	simm.s32 @!p4 $0x0;
	s17 =	simm.s32 $0x2;
	s0 =	sadd.s32 s4, s0  }
0x237: {  	s4 =	simm.s32 $0x1;
	s17 =	simm.s32 @!p3 $0x0;
	s0 =	sadd.s32 s18, s0;
	v5 =	vmul.f32 $8.476821140e+01, v2  }
0x238: {  	s4 =	simm.s32 @!p2 $0x0;
	s0 =	sadd.s32 s17, s0  }
0x239: {  	s0 =	sadd.s32 s4, s0;
	v5 =	vtrunc.f32 v5;
	s26 =	spop (v2sf)  }
0x23a: {  	s0 =	sshll.u32 s0, $0x4;
	v6 =	vcvt.f32.s32 v5;
	s18 =	sxor.u32 $0x80000000, s26  }
0x23b: {  	s0 =	ssub.s32 s0, s18  }
0x23c: {  	vm11 =	vlt.s32 v6, $0xFF;
	s17 =	sadd.s32 $0xF, s0  }
0x23d: {  	v6 =	vnsel vm11, $0xFF, v6;
	v5 =	vmov s17  }
0x23e: {  	s28 =	simm.s32 $0x0;
	vm0 =	veq.s32 v6, v5  }
0x23f: {  	[tilespmem:s28+$0x4000] =	vst.msk vm0, v2;
	v2 =	vmpcnt.ones.xlane vm0  }
0x240: {  	v6 =	vld [tilespmem:s23+$0x2010]  }
0x241: {  	(v2sf) =	vpush v2, $0x0;
	_ =	sdelay $0x3  }
0x242: {  	v2 =	vmul.f32 $8.476821140e+01, v6;
	_ =	sdelay $0x1  }
0x243: {  	v2 =	vtrunc.f32 v2  }
0x244: {  	v2 =	vcvt.f32.s32 v2;
	_ =	sdelay $0x1  }
0x245: {  	vm12 =	vlt.s32 v2, $0xFF  }
0x246: {  	v2 =	vnsel vm12, $0xFF, v2  }
0x247: {  	vm0 =	veq.s32 v2, v5  }
0x248: {  	v2 =	vmpcnt.ones.xlane vm0;
	_ =	sdelay $0x1  }
0x249: {  	(v2sf) =	vpush v2, $0x0  }
0x24a: {  	s29 =	spop (v2sf)  }
0x24b: {  	s0 =	sadd.s32 $0x0, s29  }
0x24c: {  	[tilespmem:s0+$0x4000] =	vst.msk vm0, v6  }
0x24d: {  	v2 =	vld [tilespmem:s23+$0x2020];
	_ =	sdelay $0x4  }
0x24e: {  	v6 =	vmul.f32 $8.476821140e+01, v2;
	_ =	sdelay $0x1  }
0x24f: {  	v6 =	vtrunc.f32 v6  }
0x250: {  	v6 =	vcvt.f32.s32 v6;
	_ =	sdelay $0x1  }
0x251: {  	vm13 =	vlt.s32 v6, $0xFF  }
0x252: {  	v6 =	vnsel vm13, $0xFF, v6;
	s30 =	spop (v2sf)  }
0x253: {  	s0 =	sadd.s32 s0, s30;
	vm0 =	veq.s32 v6, v5  }
0x254: {  	[tilespmem:s0+$0x4000] =	vst.msk vm0, v2;
	v2 =	vmpcnt.ones.xlane vm0  }
0x255: {  	v6 =	vld [tilespmem:s23+$0x2030]  }
0x256: {  	(v2sf) =	vpush v2, $0x0;
	_ =	sdelay $0x3  }
0x257: {  	v2 =	vmul.f32 $8.476821140e+01, v6;
	_ =	sdelay $0x1  }
0x258: {  	v2 =	vtrunc.f32 v2  }
0x259: {  	v2 =	vcvt.f32.s32 v2;
	_ =	sdelay $0x1  }
0x25a: {  	vm14 =	vlt.s32 v2, $0xFF  }
0x25b: {  	v2 =	vnsel vm14, $0xFF, v2  }
0x25c: {  	vm0 =	veq.s32 v2, v5  }
0x25d: {  	v2 =	vmpcnt.ones.xlane vm0;
	_ =	sdelay $0x1  }
0x25e: {  	(v2sf) =	vpush v2, $0x0  }
0x25f: {  	s31 =	spop (v2sf)  }
0x260: {  	s0 =	sadd.s32 s0, s31  }
0x261: {  	s19 =	simm.s32 $0x40;
	[tilespmem:s0+$0x4000] =	vst.msk vm0, v6  }
0x262: {  	v6 =	vld [tilespmem:s19+$0x2000];
	_ =	sdelay $0x4  }
0x263: {  	v2 =	vmul.f32 $8.476821140e+01, v6;
	_ =	sdelay $0x1  }
0x264: {  	v2 =	vtrunc.f32 v2  }
0x265: {  	v2 =	vcvt.f32.s32 v2;
	_ =	sdelay $0x1  }
0x266: {  	vm15 =	vlt.s32 v2, $0xFF  }
0x267: {  	s20 =	simm.s32 $0x200;
	v7 =	vnsel vm15, $0xFF, v2;
	s21 =	spop (v2sf)  }
.LBB2_5:
0x268: {  	p0 =	sne.s32 s20, $0x3F00  }
0x269: {  	vm0 =	veq.s32 v7, v5;
	s0 =	sadd.s32 s0, s21;
	s21 =	smov.u32 s20;
	s20 =	sadd.s32 $0x100, s20  }
0x26a: {  	[tilespmem:s0+$0x4000] =	vst.msk vm0, v6;
	v2 =	vmpcnt.ones.xlane vm0  }
0x26b: {  	v6 =	vld [tilespmem:s19+$0x2010]  }
0x26c: {  	(v2sf) =	vpush v2, $0x0;
	_ =	sdelay $0x3  }
0x26d: {  	v2 =	vmul.f32 $8.476821140e+01, v6;
	_ =	sdelay $0x1  }
0x26e: {  	v2 =	vtrunc.f32 v2  }
0x26f: {  	v2 =	vcvt.f32.s32 v2;
	_ =	sdelay $0x1  }
0x270: {  	vm0 =	vlt.s32 v2, $0xFF  }
0x271: {  	v2 =	vnsel vm0, $0xFF, v2  }
0x272: {  	vm0 =	veq.s32 v2, v5  }
0x273: {  	v2 =	vmpcnt.ones.xlane vm0;
	_ =	sdelay $0x1  }
0x274: {  	(v2sf) =	vpush v2, $0x0  }
0x275: {  	s4 =	spop (v2sf)  }
0x276: {  	s0 =	sadd.s32 s0, s4  }
0x277: {  	[tilespmem:s0+$0x4000] =	vst.msk vm0, v6  }
0x278: {  	v2 =	vld [tilespmem:s19+$0x2020];
	_ =	sdelay $0x4  }
0x279: {  	v6 =	vmul.f32 $8.476821140e+01, v2;
	_ =	sdelay $0x1  }
0x27a: {  	v6 =	vtrunc.f32 v6  }
0x27b: {  	v6 =	vcvt.f32.s32 v6;
	_ =	sdelay $0x1  }
0x27c: {  	vm0 =	vlt.s32 v6, $0xFF  }
0x27d: {  	v6 =	vnsel vm0, $0xFF, v6;
	s4 =	spop (v2sf)  }
0x27e: {  	s0 =	sadd.s32 s0, s4;
	vm0 =	veq.s32 v6, v5  }
0x27f: {  	[tilespmem:s0+$0x4000] =	vst.msk vm0, v2;
	v2 =	vmpcnt.ones.xlane vm0  }
0x280: {  	v6 =	vld [tilespmem:s19+$0x2030]  }
0x281: {  	(v2sf) =	vpush v2, $0x0;
	_ =	sdelay $0x3  }
0x282: {  	v2 =	vmul.f32 $8.476821140e+01, v6;
	_ =	sdelay $0x1  }
0x283: {  	v2 =	vtrunc.f32 v2  }
0x284: {  	v2 =	vcvt.f32.s32 v2;
	_ =	sdelay $0x1  }
0x285: {  	vm0 =	vlt.s32 v2, $0xFF  }
0x286: {  	v2 =	vnsel vm0, $0xFF, v2  }
0x287: {  	vm0 =	veq.s32 v2, v5  }
0x288: {  	v2 =	vmpcnt.ones.xlane vm0;
	_ =	sdelay $0x1  }
0x289: {  	(v2sf) =	vpush v2, $0x0  }
0x28a: {  	s4 =	spop (v2sf)  }
0x28b: {  	s0 =	sadd.s32 s0, s4  }
0x28c: {  	s19 =	sshra.s32 s21, $0x2;
	[tilespmem:s0+$0x4000] =	vst.msk vm0, v6  }
0x28d: {  	v6 =	vld [tilespmem:s19+$0x2000];
	_ =	sdelay $0x4  }
0x28e: {  	v2 =	vmul.f32 $8.476821140e+01, v6;
	_ =	sdelay $0x1  }
.Ltmp1:
0x28f: {  	v2 =	vtrunc.f32 v2;
	(pc) =	sbr.rel @p0 .LBB2_5-.Ltmp1, $3  }
0x290: {  	v2 =	vcvt.f32.s32 v2;
	_ =	sdelay $0x1  }
0x291: {  	vm0 =	vlt.s32 v2, $0xFF  }
0x292: {  	v7 =	vnsel vm0, $0xFF, v2;
	s21 =	spop (v2sf)  }
0x293: {  	vm0 =	veq.s32 v7, v5;
	s0 =	sadd.s32 s0, s21  }
0x294: {  	[tilespmem:s0+$0x4000] =	vst.msk vm0, v6;
	v2 =	vmpcnt.ones.xlane vm0  }
0x295: {  	v6 =	vld [tilespmem:s19+$0x2010]  }
0x296: {  	(v2sf) =	vpush v2, $0x0;
	_ =	sdelay $0x3  }
0x297: {  	v2 =	vmul.f32 $8.476821140e+01, v6;
	_ =	sdelay $0x1  }
0x298: {  	v2 =	vtrunc.f32 v2  }
0x299: {  	v2 =	vcvt.f32.s32 v2;
	_ =	sdelay $0x1  }
0x29a: {  	vm12 =	vlt.s32 v2, $0xFF  }
0x29b: {  	v2 =	vnsel vm12, $0xFF, v2  }
0x29c: {  	vm0 =	veq.s32 v2, v5  }
0x29d: {  	v2 =	vmpcnt.ones.xlane vm0;
	_ =	sdelay $0x1  }
0x29e: {  	(v2sf) =	vpush v2, $0x0  }
0x29f: {  	s4 =	spop (v2sf)  }
0x2a0: {  	s0 =	sadd.s32 s0, s4  }
0x2a1: {  	[tilespmem:s0+$0x4000] =	vst.msk vm0, v6  }
0x2a2: {  	v2 =	vld [tilespmem:s19+$0x2020];
	_ =	sdelay $0x4  }
0x2a3: {  	v61 =	vmul.f32 $8.476821140e+01, v2;
	_ =	sdelay $0x1  }
0x2a4: {  	v6 =	vtrunc.f32 v61  }
0x2a5: {  	v6 =	vcvt.f32.s32 v6;
	_ =	sdelay $0x1  }
0x2a6: {  	vm13 =	vlt.s32 v6, $0xFF  }
0x2a7: {  	v6 =	vnsel vm13, $0xFF, v6;
	s21 =	spop (v2sf)  }
0x2a8: {  	s0 =	sadd.s32 s0, s21;
	vm0 =	veq.s32 v6, v5  }
0x2a9: {  	[tilespmem:s0+$0x4000] =	vst.msk vm0, v2  }
0x2aa: {  	v2 =	vld [tilespmem:s19+$0x2030];
	_ =	sdelay $0x4  }
0x2ab: {  	v62 =	vmul.f32 $8.476821140e+01, v2;
	_ =	sdelay $0x1  }
0x2ac: {  	v63 =	vmov s18;
	v6 =	vtrunc.f32 v62  }
0x2ad: {  	vm1 =	veq.s32 v63, v0;
	v6 =	vcvt.f32.s32 v6  }
0x2ae: {  	v3 =	vnsel vm1, $0x0, v3  }
0x2af: {  	(xrf0) =	vadd.scan.msk.s32 $0xffff, v3;
	v3 =	vnsel vm1, $0x0, v4;
	vm14 =	vlt.s32 v6, $0xFF  }
0x2b0: {  	(xrf0) =	vadd.scan.msk.s32 $0xffff, v3;
	v3 =	vnsel vm14, $0xFF, v6  }
0x2b1: {  	v4 =	vmpcnt.ones.xlane vm0;
	vm15 =	veq.s32 v3, v5  }
0x2b2: {  	v3 =	vmpcnt.ones.xlane vm15;
	_ =	sdelay $0x1  }
0x2b3: {  	(v2sf) =	vpush v4, $0x0  }
0x2b4: {  	v4, _, _ =	vpop (xrf0);
	(v2sf) =	vpush v3, $0x0  }
0x2b5: {  	(v2sf) =	vpush v4, $0xF;
	v3, _, _ =	vpop (xrf0)  }
0x2b6: {  	(v2sf) =	vpush v3, $0xF;
	_ =	sdelay $0x5  }
0x2b7: {  	s22 =	scvt.s32.f32 s17;
	_ =	sdelay $0x1  }
0x2b8: {  	s24 =	sadd.f32 $1.000000000e+00, s22;
	_ =	sdelay $0x1  }
0x2b9: {  	s28 =	smul.f32 $1.179687490e-02, s24  }
0x2ba: {  	s4 =	smul.f32 $1.179687490e-02, s22  }
0x2bb: {  	s22 =	smul.f32 $1.000000950e+00, s28;
	s23 =	spop (v2sf)  }
.Ltmp2:
0x2bc: {  	s20 =	sadd.s32 s0, s23;
	s25 =	spop (v2sf);
	(pc) =	sbr.rel .LBB2_7-.Ltmp2, $4  }
0x2bd: {  	s4 =	smul.f32 $9.999989860e-01, s4;
	s26 =	spop (v2sf);
	s29 =	sadd.s32 s20, s25  }
0x2be: {  	s18 =	sadd.f32 $9.999999710e-10, s22;
	s31 =	sadd.s32 $0xF, s29;
	s30 =	spop (v2sf)  }
0x2bf: {  	s19 =	sadd.f32 $-9.999999710e-10, s4;
	s17 =	sshrl.u32 s31, $0x4;
	s0 =	ssub.s32 s26, s30  }
0x2c0: {  	[tilespmem:s20+$0x4000] =	vst.msk vm15, v2;
	s20 =	simm.s32 $0x0;
	v3 =	vmov s29;
	p0 =	seq.s32 s17, $0x0;
	s0 =	sadd.s32 $0x20, s0  }
.LBB2_8:
0x2c1: {  	v4 =	vimm.s32 $0x0  }
.LBB2_12:
0x2c2: {  	(xrf0) =	vadd.scan.msk.s32 $0xffff, v4;
	_ =	sdelay $0x5  }
0x2c3: {  	v2, _, _ =	vpop (xrf0)  }
0x2c4: {  	(v2sf) =	vpush v2, $0xF;
	_ =	sdelay $0xb  }
0x2c5: {  	s20 =	sadd.s32 $0x1, s20  }
0x2c6: {  	p2 =	sne.s32 s20, $0x1C  }
.Ltmp3:
0x2c7: {  	_ = 	snop;
	(pc) =	sbr.rel @!p2 .LBB2_13-.Ltmp3, $4  }
0x2c8: {  	s4 =	spop (v2sf)  }
0x2c9: {  	s22 =	smov.u32 s21;
	p1 =	slt.s32 s4, s0  }
0x2ca: {  	s22 =	smov.u32 @p1 s19  }
0x2cb: {  	s18 =	smov.u32 @p1 s21;
	s19 =	smov.u32 s22  }
.LBB2_7:
.Ltmp4:
0x2cc: {  	(pc) =	sbr.rel @p0 .LBB2_8-.Ltmp4, $3  }
0x2cd: {  	_ = 	snop  }
0x2ce: {  	s4 =	sadd.f32 s18, s19;
	_ =	sdelay $0x1  }
0x2cf: {  	s21 =	smul.f32 $5.000000000e-01, s4  }
0x2d0: {  	s4 =	simm.s32 $0x4000  }
0x2d1: {  	p1 =	sne.s32 s17, $0x1;
	v2 =	vld [tilespmem:s4+$0x0]  }
.Ltmp5:
0x2d2: {  	_ = 	snop;
	(pc) =	sbr.rel @!p1 .LBB2_11-.Ltmp5, $4  }
0x2d3: {  	_ = 	snop  }
0x2d4: {  	s22 =	simm.s32 $0x0  }
0x2d5: {  	v5 =	vmov s21;
	v6 =	vor.u32 s22, v0  }
0x2d6: {  	v4 =	vimm.s32 $0x0;
	s23 =	sadd.s32 $0xFFFFFFFF, s17;
	s24 =	simm.s32 $0x4010;
	vm0 =	vlt.s32 v6, v3;
	vm1 =	vge.f32 v2, v5  }
.LBB2_10:
0x2d7: {  	v2 =	vld [tilespmem:s24+$0x0];
	p1 =	sne.s32 s23, $0x1;
	s23 =	sadd.s32 $0xFFFFFFFF, s23;
	vm0 =	vmand vm0, vm1  }
.Ltmp6:
0x2d8: {  	v6 =	vsel vm0, $0x1, v1;
	(pc) =	sbr.rel @p1 .LBB2_10-.Ltmp6, $4  }
0x2d9: {  	v4 =	vadd.s32 v6, v4  }
0x2da: {  	s22 =	sadd.s32 $0x10, s22  }
0x2db: {  	v6 =	vor.u32 s22, v0  }
0x2dc: {  	s24 =	sadd.s32 $0x10, s24;
	vm0 =	vlt.s32 v6, v3;
	vm1 =	vge.f32 v2, v5  }
.LBB2_11:
.Ltmp7:
0x2dd: {  	(pc) =	sbr.rel .LBB2_12-.Ltmp7, $4  }
0x2de: {  	_ = 	snop  }
0x2df: {  	vm0 =	vmand vm0, vm1  }
0x2e0: {  	v2 =	vsel vm0, $0x1, v1  }
0x2e1: {  	v4 =	vadd.s32 v2, v4  }
.LBB2_13:
0x2e2: {  	p0 =	seq.s32 s15, $0x0  }
0x2e3: {  	s0 =	simm.s32 @!p0 $0x1  }
0x2e4: {  	_ =	swait.ge @!p0 [sflag:s0], $0x1000  }
0x2e5: {  	[sflag:s0] =	ssyncset.done @!p0 $0x0  }
0x2e6: {  	s17 =	simm.s32 $0x0;
	[sflag:s0] =	ssyncadd.s32 @!p0 $0xFFFFF000  }
0x2e7: {  	v2 =	vld [tilespmem:s17+$0x2070]  }
0x2e8: {  	v4 =	vld [tilespmem:s17+$0x70]  }
0x2e9: {  	v5 =	vld [tilespmem:s17+$0x2000]  }
0x2ea: {  	v8 =	vld [tilespmem:s17+$0x2010]  }
0x2eb: {  	v9 =	vld [tilespmem:s17+$0x2020]  }
0x2ec: {  	v10 =	vld [tilespmem:s17+$0x2030]  }
0x2ed: {  	v11 =	vld [tilespmem:s17+$0x2050]  }
0x2ee: {  	v12 =	vld [tilespmem:s17+$0x2060]  }
0x2ef: {  	v13 =	vld [tilespmem:s17+$0x0]  }
0x2f0: {  	v3 =	vmov s22;
	v14 =	vld [tilespmem:s17+$0x10]  }
0x2f1: {  	vm0 =	vge.f32 v2, v3;
	v2 =	vld [tilespmem:s17+$0x2040]  }
0x2f2: {  	v7 =	vld [tilespmem:s17+$0x20]  }
0x2f3: {  	v6 =	vld [tilespmem:s17+$0x30];
	v4 =	vnsel vm0, $0x0, v4  }
0x2f4: {  	vm5 =	vge.f32 v8, v3;
	vm4 =	vge.f32 v9, v3;
	vm0 =	vge.f32 v5, v3;
	[tilespmem:s17+$0x3070] =	vst v4;
	v4 =	vld [tilespmem:s17+$0x40]  }
0x2f5: {  	vm3 =	vge.f32 v10, v3;
	vm1 =	vge.f32 v11, v3;
	v5 =	vld [tilespmem:s17+$0x50];
	v8 =	vnsel vm0, $0x0, v13  }
0x2f6: {  	s18 =	simm.s32 $0x400;
	s0 =	simm.s32 $0x80;
	v9 =	vnsel vm5, $0x0, v14;
	vm0 =	vge.f32 v12, v3;
	[tilespmem:s17+$0x3000] =	vst v8;
	v8 =	vld [tilespmem:s17+$0x60];
	vm2 =	vge.f32 v2, v3  }
.LBB2_14:
0x2f7: {  	p0 =	sne.s32 s18, $0x3E00;
	v2 =	vld [tilespmem:s0+$0x2070];
	[tilespmem:s17+$0x3010] =	vst v9;
	v7 =	vnsel vm4, $0x0, v7  }
0x2f8: {  	v9 =	vld [tilespmem:s0+$0x70];
	[tilespmem:s17+$0x3020] =	vst v7;
	v6 =	vnsel vm3, $0x0, v6  }
0x2f9: {  	v7 =	vld [tilespmem:s0+$0x2000];
	[tilespmem:s17+$0x3030] =	vst v6;
	v4 =	vnsel vm2, $0x0, v4  }
0x2fa: {  	v6 =	vld [tilespmem:s0+$0x2010];
	[tilespmem:s17+$0x3040] =	vst v4;
	v4 =	vnsel vm1, $0x0, v5  }
0x2fb: {  	v5 =	vld [tilespmem:s0+$0x2020];
	[tilespmem:s17+$0x3050] =	vst v4;
	v4 =	vnsel vm0, $0x0, v8  }
0x2fc: {  	v8 =	vld [tilespmem:s0+$0x2030];
	vm0 =	vge.f32 v2, v3;
	[tilespmem:s17+$0x3060] =	vst v4;
	s17 =	smov.u32 s0  }
0x2fd: {  	v2 =	vld [tilespmem:s17+$0x2040];
	v4 =	vnsel vm0, $0x0, v9  }
0x2fe: {  	vm5 =	vge.f32 v7, v3;
	v9 =	vld [tilespmem:s17+$0x2050];
	[tilespmem:s17+$0x3070] =	vst v4  }
0x2ff: {  	vm6 =	vge.f32 v6, v3;
	v10 =	vld [tilespmem:s17+$0x2060]  }
0x300: {  	v11 =	vld [tilespmem:s17+$0x0];
	vm4 =	vge.f32 v5, v3  }
0x301: {  	v12 =	vld [tilespmem:s17+$0x10];
	vm3 =	vge.f32 v8, v3  }
.Ltmp8:
0x302: {  	v7 =	vld [tilespmem:s17+$0x20];
	vm2 =	vge.f32 v2, v3;
	(pc) =	sbr.rel @p0 .LBB2_14-.Ltmp8, $4  }
0x303: {  	v6 =	vld [tilespmem:s17+$0x30];
	vm1 =	vge.f32 v9, v3  }
0x304: {  	v4 =	vld [tilespmem:s17+$0x40];
	vm0 =	vge.f32 v10, v3  }
0x305: {  	v2 =	vnsel vm5, $0x0, v11;
	v5 =	vld [tilespmem:s17+$0x50]  }
0x306: {  	s0 =	sshra.s32 s18, $0x2;
	s18 =	sadd.s32 $0x200, s18;
	[tilespmem:s17+$0x3000] =	vst v2;
	v9 =	vnsel vm6, $0x0, v12;
	v8 =	vld [tilespmem:s17+$0x60]  }
0x307: {  	v2 =	vld [tilespmem:s0+$0x2070];
	[tilespmem:s17+$0x3010] =	vst v9;
	v7 =	vnsel vm4, $0x0, v7  }
0x308: {  	v9 =	vld [tilespmem:s0+$0x70];
	[tilespmem:s17+$0x3020] =	vst v7;
	v6 =	vnsel vm3, $0x0, v6  }
0x309: {  	v7 =	vld [tilespmem:s0+$0x2000];
	[tilespmem:s17+$0x3030] =	vst v6;
	v4 =	vnsel vm2, $0x0, v4  }
0x30a: {  	v6 =	vld [tilespmem:s0+$0x2010];
	[tilespmem:s17+$0x3040] =	vst v4;
	v53 =	vnsel vm1, $0x0, v5  }
0x30b: {  	v54 =	vld [tilespmem:s0+$0x2020];
	[tilespmem:s17+$0x3050] =	vst v53;
	v55 =	vnsel vm0, $0x0, v8  }
0x30c: {  	v56 =	vld [tilespmem:s0+$0x2030];
	[tilespmem:s17+$0x3060] =	vst v55  }
0x30d: {  	vm8 =	vge.f32 v2, v3;
	v2 =	vld [tilespmem:s0+$0x2040]  }
0x30e: {  	v58 =	vld [tilespmem:s0+$0x2050]  }
0x30f: {  	v59 =	vld [tilespmem:s0+$0x2060]  }
0x310: {  	v10 =	vld [tilespmem:s0+$0x0]  }
0x311: {  	v11 =	vld [tilespmem:s0+$0x10]  }
0x312: {  	v12 =	vld [tilespmem:s0+$0x20]  }
0x313: {  	v13 =	vld [tilespmem:s0+$0x30]  }
0x314: {  	v57 =	vnsel vm8, $0x0, v9;
	v60 =	vld [tilespmem:s0+$0x40];
	vm9 =	vge.f32 v7, v3  }
0x315: {  	v14 =	vld [tilespmem:s0+$0x50];
	[tilespmem:s0+$0x3070] =	vst v57;
	vm10 =	vge.f32 v6, v3;
	v10 =	vnsel vm9, $0x0, v10  }
0x316: {  	v62 =	vld [tilespmem:s0+$0x60];
	vm11 =	vge.f32 v54, v3;
	v61 =	vnsel vm10, $0x0, v11;
	[tilespmem:s0+$0x3000] =	vst v10  }
0x317: {  	s15 =	sadd.s32 $0x1, s15;
	vm12 =	vge.f32 v56, v3;
	v63 =	vnsel vm11, $0x0, v12;
	[tilespmem:s0+$0x3010] =	vst v61  }
0x318: {  	p0 =	sne.s32 s15, $0x80;
	vm13 =	vge.f32 v2, v3;
	v2 =	vnsel vm12, $0x0, v13;
	[tilespmem:s0+$0x3020] =	vst v63  }
.Ltmp9:
0x319: {  	vm14 =	vge.f32 v58, v3;
	[tilespmem:s0+$0x3030] =	vst v2;
	v2 =	vnsel vm13, $0x0, v60;
	(pc) =	sbr.rel @p0 .LBB2_2-.Ltmp9, $4  }
0x31a: {  	vm15 =	vge.f32 v59, v3;
	[tilespmem:s0+$0x3040] =	vst v2;
	v2 =	vnsel vm14, $0x0, v14  }
0x31b: {  	[tilespmem:s0+$0x3050] =	vst v2;
	v2 =	vnsel vm15, $0x0, v62  }
0x31c: {  	s31 =	sadd.s32 s2, s16;
	[tilespmem:s0+$0x3060] =	vst v2  }
0x31d: {  	[hbm4b:s31+s8] =	stream.strided.scatter [tilespmem:s14], [sflag:$0x1], $0x1000, s9, s8, $0x38;
	[tilespmem:$0x5880] =	vst v63  }
0x31e: {  	s3 =	sadd.s32 $0x1, s3  }
0x31f: {  	p0 =	sne.s32 s3, s7  }
.Ltmp10:
0x320: {  	_ = 	snop;
	(pc) =	sbr.rel @p0 .LBB2_1-.Ltmp10, $4  }
0x321: {  	_ = 	snop  }
0x322: {  	_ =	swait.ge [sflag:s13], $0x1000  }
0x323: {  	[sflag:s13] =	ssyncset.done $0x0  }
0x324: {  	[sflag:s13] =	ssyncadd.s32 $0xFFFFF000  }
0x325: {  	_ =	sfence.sel $0x180000  }
0x326: {  	[bflag:$0x0] =	sbarrier.arrive $0xFFFF  }
0x327: {  	_ =	strace $0x90000047  }
0x328: {  	s0 =	stileid.u32;
	[bflag:$0x2] =	sbarrier.arrive $0xFFFF  }
0x329: {  	p0 =	sne.s32 s0, $0x0;
	s0 =	rddreg [dreg:$0x2]  }
0x32a: {  	s0 =	sadd.s32 @!p0 $0x100000, s0  }
0x32b: {  	[sflag:s0] =	ssyncadd.tile.s32 @!p0 $0x1;
	_ =	shalt  }
.Lfunc_end2:
_tile_overlayer_lowered:
.L_overlay_start_2:
0x32c: {  	(tag) =	ssettag $0x2  }
0x32d: {  	s0 =	rddreg [dreg:$0x0];
	s2 =	stileid.u32  }
0x32e: {  	s1 =	rddreg [dreg:$0x1];
	p0 =	sne.s32 s2, $0x0  }
0x32f: {  	s3 =	rddreg [dreg:$0x2];
	[bflag:$0x3] =	sbarrier.arrive $0xFFFF;
	s2 =	simm.s32 @!p0 $0x1C02  }
0x330: {  	[timem:s3], [sflag:s2] =	dma.local @!p0 [hbm:s0], s1  }
0x331: {  	s0 =	simm.s32 @!p0 $0x2  }
0x332: {  	_ =	swait.ge @!p0 [sflag:s0], s1  }
0x333: {  	s1 =	ssub.s32 @!p0 $0x0, s1;
	[sflag:s0] =	ssyncset.done @!p0 $0x0  }
0x334: {  	[sflag:s0] =	ssyncadd.s32 @!p0 s1  }
0x335: {  	[bflag:$0x3] =	sbarrier.arrive $0xFFFF  }
0x336: {  	_ =	shalt  }

</sc_bundles>
